<compile_context>
chip_gen: v7x
topology: tpu7x:2x2x1
jax: 0.10.2.dev20260603
libtpu: 0.0.44.dev20260713+nightly
codegen_flags: <defaults>
</compile_context>

<pallas_src>
import functools

import jax
import jax.numpy as jnp
from jax import lax
from jax.experimental import pallas as pl
from jax.experimental.pallas import tpu as pltpu
from jax.experimental.pallas import tpu_sc as plsc

F32 = jnp.float32

SC_CORES = 2
SC_SUBCORES = 16
SC_WORKERS = SC_CORES * SC_SUBCORES
CHUNK = 128


def _dot(a, b):
    return jnp.dot(a, b, preferred_element_type=F32)


def _ab_tables(ns, w1a, w1b, bn=2000):
    n, d = ns.shape
    mh = w1a.shape[1]

    def body(ns_ref, wa_ref, wb_ref, a_ref, b_ref):
        a_ref[...] = _dot(ns_ref[...], wa_ref[...])
        b_ref[...] = _dot(ns_ref[...], wb_ref[...])

    return pl.pallas_call(
        body,
        grid=(n // bn,),
        in_specs=[
            pl.BlockSpec((bn, d), lambda i: (i, 0)),
            pl.BlockSpec((d, mh), lambda i: (0, 0)),
            pl.BlockSpec((d, mh), lambda i: (0, 0)),
        ],
        out_specs=[
            pl.BlockSpec((bn, mh), lambda i: (i, 0)),
            pl.BlockSpec((bn, mh), lambda i: (i, 0)),
        ],
        out_shape=[
            jax.ShapeDtypeStruct((n, mh), F32),
            jax.ShapeDtypeStruct((n, mh), F32),
        ],
    )(ns, w1a, w1b)


def _pad_idx(v, nch, tpw):
    pad = SC_WORKERS * tpw - nch
    if pad:
        v = jnp.concatenate([v, jnp.zeros((pad * CHUNK,), jnp.int32)])
    return v.reshape(SC_WORKERS * tpw, CHUNK)


def _pack_perm(d):
    q = []
    for k in range(d // 32):
        for i in range(16):
            q.append(32 * k + i)
            q.append(32 * k + 16 + i)
    return q


def _pack_perm_inv(d):
    q = _pack_perm(d)
    inv = [0] * d
    for s, t in enumerate(q):
        inv[t] = s
    return inv


def _sc_gather(a_tab, b_tab, vi2d, vj2d, nch):
    n, d = a_tab.shape
    dt = a_tab.dtype
    e = nch * CHUNK
    tpw = vi2d.shape[0] // SC_WORKERS
    mesh = plsc.VectorSubcoreMesh(core_axis_name="c", subcore_axis_name="s")

    @functools.partial(
        pl.kernel,
        mesh=mesh,
        out_type=jax.ShapeDtypeStruct((e, d), dt),
        scratch_types=[
            pltpu.VMEM((tpw, CHUNK), jnp.int32),
            pltpu.VMEM((tpw, CHUNK), jnp.int32),
            pltpu.VMEM((CHUNK, d), dt),
            pltpu.VMEM((CHUNK, d), dt),
            pltpu.VMEM((CHUNK, d), dt),
            pltpu.VMEM((CHUNK, d), dt),
            pltpu.VMEM((CHUNK, d), dt),
            pltpu.VMEM((CHUNK, d), dt),
            pltpu.SemaphoreType.DMA,
        ],
    )
    def gather_k(a_hbm, b_hbm, vi_hbm, vj_hbm, gs_hbm,
                 iib, jjb, ba0, bb0, ba1, bb1, cb0, cb1, gsem):
        c = lax.axis_index("c")
        s = lax.axis_index("s")
        w = s * SC_CORES + c
        cnt = jnp.clip(nch - w * tpw, 0, tpw)
        bas, bbs, cbs = (ba0, ba1), (bb0, bb1), (cb0, cb1)

        pltpu.sync_copy(vi_hbm.at[pl.ds(w * tpw, tpw)], iib)
        pltpu.sync_copy(vj_hbm.at[pl.ds(w * tpw, tpw)], jjb)

        def compact(ph):
            ba, bb, cb = bas[ph], bbs[ph], cbs[ph]

            def rbody(r, carry):
                for k in range(d // 16):
                    cb[r, pl.ds(16 * k, 16)] = (ba[r, pl.ds(16 * k, 16)]
                                                + bb[r, pl.ds(16 * k, 16)])
                return carry

            lax.fori_loop(0, CHUNK, rbody, 0)

        def wback(t, ph):
            pltpu.sync_copy(cbs[ph], gs_hbm.at[pl.ds((w * tpw + t) * CHUNK,
                                                     CHUNK)])

        def half(t, ph):
            @pl.when(t < cnt)
            def _():
                da = pltpu.async_copy(a_hbm.at[iib.at[t]], bas[ph], gsem)
                db = pltpu.async_copy(b_hbm.at[jjb.at[t]], bbs[ph], gsem)

                @pl.when(t >= 1)
                def _():
                    compact(1 - ph)
                    wback(t - 1, 1 - ph)

                da.wait()
                db.wait()

        def body(g, carry):
            half(2 * g, 0)
            half(2 * g + 1, 1)
            return carry

        lax.fori_loop(0, (tpw + 1) // 2, body, 0)

        @pl.when((cnt >= 1) & (lax.rem(cnt - 1, 2) == 0))
        def _():
            compact(0)
            wback(cnt - 1, 0)

        @pl.when((cnt >= 1) & (lax.rem(cnt - 1, 2) == 1))
        def _():
            compact(1)
            wback(cnt - 1, 1)

    return gather_k(a_tab, b_tab, vi2d, vj2d)


def _sc_gather2(a_tab, b_tab, vi2d, vj2d, nch):
    n, d = a_tab.shape
    dt = a_tab.dtype
    e = nch * CHUNK
    tpw = vi2d.shape[0] // SC_SUBCORES
    rows = -(-n // SC_SUBCORES)
    rows = (rows + 7) // 8 * 8
    last_rows = n - (SC_SUBCORES - 1) * rows
    mesh = plsc.VectorSubcoreMesh(core_axis_name="c", subcore_axis_name="s")

    @functools.partial(
        pl.kernel,
        mesh=mesh,
        out_type=(
            jax.ShapeDtypeStruct((e, d), dt),
            jax.ShapeDtypeStruct((e, d), dt),
        ),
        scratch_types=[
            pltpu.VMEM((tpw, CHUNK), jnp.int32),
            pltpu.VMEM((CHUNK, d), dt),
            pltpu.VMEM((CHUNK, d), dt),
            pltpu.VMEM_SHARED((n, d), dt),
            pltpu.SemaphoreType.DMA,
        ],
    )
    def gather_k(a_hbm, b_hbm, vi_hbm, vj_hbm, ga_hbm, gb_hbm,
                 iib, b0, b1, tab, gsem):
        c = lax.axis_index("c")
        s = lax.axis_index("s")
        cnt = jnp.clip(nch - s * tpw, 0, tpw)
        bufs = (b0, b1)

        def run(tab_hbm, idx_hbm, out_hbm):
            @pl.when(s < SC_SUBCORES - 1)
            def _():
                pltpu.sync_copy(tab_hbm.at[pl.ds(s * rows, rows)],
                                tab.at[pl.ds(s * rows, rows)])

            @pl.when(s == SC_SUBCORES - 1)
            def _():
                pltpu.sync_copy(tab_hbm.at[pl.ds(s * rows, last_rows)],
                                tab.at[pl.ds(s * rows, last_rows)])

            pltpu.sync_copy(idx_hbm.at[pl.ds(s * tpw, tpw)], iib)
            plsc.subcore_barrier()

            def half(t, ph):
                @pl.when(t < cnt)
                def _():
                    da = pltpu.async_copy(tab.at[iib.at[t]], bufs[ph], gsem)

                    @pl.when(t >= 1)
                    def _():
                        pltpu.sync_copy(
                            bufs[1 - ph],
                            out_hbm.at[pl.ds((s * tpw + t - 1) * CHUNK, CHUNK)])

                    da.wait()

            def body(g, carry):
                half(2 * g, 0)
                half(2 * g + 1, 1)
                return carry

            lax.fori_loop(0, (tpw + 1) // 2, body, 0)

            @pl.when((cnt >= 1) & (lax.rem(cnt - 1, 2) == 0))
            def _():
                pltpu.sync_copy(
                    b0, out_hbm.at[pl.ds((s * tpw + cnt - 1) * CHUNK, CHUNK)])

            @pl.when((cnt >= 1) & (lax.rem(cnt - 1, 2) == 1))
            def _():
                pltpu.sync_copy(
                    b1, out_hbm.at[pl.ds((s * tpw + cnt - 1) * CHUNK, CHUNK)])

        @pl.when(c == 0)
        def _():
            run(a_hbm, vi_hbm, ga_hbm)

        @pl.when(c == 1)
        def _():
            run(b_hbm, vj_hbm, gb_hbm)

    return gather_k(a_tab, b_tab, vi2d, vj2d)


def _edge_mlp(ga, gb, edges, w1e, b1, w2, b2, w3, b3, be=2000):
    e, dw = ga.shape
    de = edges.shape[1]
    mh = w2.shape[0]
    md = w3.shape[1]

    def body(ga_ref, gb_ref, e_ref, w1e_ref, b1_ref, w2_ref, b2_ref, w3_ref, b3_ref, out_ref):
        h = (ga_ref[...] + gb_ref[...]
             + _dot(e_ref[...], w1e_ref[...]) + b1_ref[...])
        h = jnp.maximum(h, 0.0).astype(jnp.bfloat16)
        h = jnp.maximum(_dot(h, w2_ref[...]) + b2_ref[...], 0.0).astype(jnp.bfloat16)
        out_ref[...] = _dot(h, w3_ref[...]) + b3_ref[...]

    return pl.pallas_call(
        body,
        grid=(e // be,),
        in_specs=[
            pl.BlockSpec((be, dw), lambda i: (i, 0)),
            pl.BlockSpec((be, dw), lambda i: (i, 0)),
            pl.BlockSpec((be, de), lambda i: (i, 0)),
            pl.BlockSpec((de, mh), lambda i: (0, 0)),
            pl.BlockSpec((1, mh), lambda i: (0, 0)),
            pl.BlockSpec((mh, mh), lambda i: (0, 0)),
            pl.BlockSpec((1, mh), lambda i: (0, 0)),
            pl.BlockSpec((mh, md), lambda i: (0, 0)),
            pl.BlockSpec((1, md), lambda i: (0, 0)),
        ],
        out_specs=pl.BlockSpec((be, md), lambda i: (i, 0)),
        out_shape=jax.ShapeDtypeStruct((e, md), F32),
    )(ga, gb, edges, w1e, b1, w2, b2, w3, b3)


def _sc_scatter(msgs, vis2d, vjs2d, zeros, n, nch):
    nparts = len(msgs)
    e, md = msgs[0].shape
    tpw = vis2d[0].shape[0] // SC_WORKERS
    rows = -(-n // SC_SUBCORES)
    rows = (rows + 7) // 8 * 8
    last_rows = n - (SC_SUBCORES - 1) * rows
    mesh = plsc.VectorSubcoreMesh(core_axis_name="c", subcore_axis_name="s")

    @functools.partial(
        pl.kernel,
        mesh=mesh,
        out_type=jax.ShapeDtypeStruct((SC_CORES * n, md), F32),
        scratch_types=[
            pltpu.VMEM((tpw, CHUNK), jnp.int32),
            pltpu.VMEM((tpw, CHUNK), jnp.int32),
            pltpu.VMEM((CHUNK, md), F32),
            pltpu.VMEM((CHUNK, md), F32),
            pltpu.VMEM_SHARED((n, md), F32),
            pltpu.SemaphoreType.DMA,
            pltpu.SemaphoreType.DMA,
            pltpu.SemaphoreType.DMA,
        ],
    )
    def scatter_k(*refs):
        msg_hbms = refs[:nparts]
        vi_hbms = refs[nparts:2 * nparts]
        vj_hbms = refs[2 * nparts:3 * nparts]
        zero_hbm = refs[3 * nparts]
        out_hbm = refs[3 * nparts + 1]
        iib, jjb, mv0, mv1, acc, lsem0, lsem1, asem = refs[3 * nparts + 2:]
        mvs = (mv0, mv1)
        lsems = (lsem0, lsem1)
        c = lax.axis_index("c")
        s = lax.axis_index("s")
        w = s * SC_CORES + c

        @pl.when(s < SC_SUBCORES - 1)
        def _():
            pltpu.sync_copy(zero_hbm.at[pl.ds(s * rows, rows)],
                            acc.at[pl.ds(s * rows, rows)])

        @pl.when(s == SC_SUBCORES - 1)
        def _():
            pltpu.sync_copy(zero_hbm.at[pl.ds(s * rows, last_rows)],
                            acc.at[pl.ds(s * rows, last_rows)])

        plsc.subcore_barrier()

        cnt = jnp.clip(nch - w * tpw, 0, tpw)

        for p in range(nparts):
            msg_hbm, vi_hbm, vj_hbm = msg_hbms[p], vi_hbms[p], vj_hbms[p]

            pltpu.sync_copy(vi_hbm.at[pl.ds(w * tpw, tpw)], iib)
            pltpu.sync_copy(vj_hbm.at[pl.ds(w * tpw, tpw)], jjb)

            def issue_load(t, ph):
                base = (w * tpw + t) * CHUNK
                pltpu.async_copy(msg_hbm.at[pl.ds(base, CHUNK)], mvs[ph], lsems[ph])

            @pl.when(cnt >= 1)
            def _():
                issue_load(0, 0)

            def half(t, ph):
                @pl.when(t < cnt)
                def _():
                    pltpu.make_async_copy(msg_hbm.at[pl.ds(0, CHUNK)],
                                          mvs[ph], lsems[ph]).wait()

                    @pl.when(t + 1 < cnt)
                    def _():
                        issue_load(t + 1, 1 - ph)

                    d1 = pltpu.async_copy(mvs[ph], acc.at[iib.at[t]], asem, add=True)
                    d2 = pltpu.async_copy(mvs[ph], acc.at[jjb.at[t]], asem, add=True)
                    d1.wait()
                    d2.wait()

            def body(g, carry):
                half(2 * g, 0)
                half(2 * g + 1, 1)
                return carry

            lax.fori_loop(0, (tpw + 1) // 2, body, 0)

        plsc.subcore_barrier()

        @pl.when(s < SC_SUBCORES - 1)
        def _():
            pltpu.sync_copy(acc.at[pl.ds(s * rows, rows)],
                            out_hbm.at[pl.ds(c * n + s * rows, rows)])

        @pl.when(s == SC_SUBCORES - 1)
        def _():
            pltpu.sync_copy(acc.at[pl.ds(s * rows, last_rows)],
                            out_hbm.at[pl.ds(c * n + s * rows, last_rows)])

    return scatter_k(*msgs, *vis2d, *vjs2d, zeros)


def _node_mlp(ns, ns_perm, parts, w1a, w1b, w1c, b1, w2, b2, w3, b3, bn=2000):
    n, d = ns.shape
    uh = w2.shape[0]
    np_ = len(parts)

    def body(*refs):
        ns_ref, np_ref = refs[0], refs[1]
        part_refs = refs[2:2 + np_]
        (w1a_ref, w1b_ref, w1c_ref, b1_ref, w2_ref, b2_ref, w3_ref,
         b3_ref, out_ref) = refs[2 + np_:]
        att = ns_ref[...] - np_ref[...]
        summed = part_refs[0][...]
        for pr in part_refs[1:]:
            summed = summed + pr[...]
        u = (_dot(ns_ref[...], w1a_ref[...]) + _dot(summed, w1b_ref[...])
             + _dot(att, w1c_ref[...]) + b1_ref[...])
        u = jnp.maximum(u, 0.0)
        u = jnp.maximum(_dot(u, w2_ref[...]) + b2_ref[...], 0.0)
        out_ref[...] = _dot(u, w3_ref[...]) + b3_ref[...]

    row = lambda i: (i, 0)
    full = lambda i: (0, 0)
    return pl.pallas_call(
        body,
        grid=(n // bn,),
        in_specs=[
            pl.BlockSpec((bn, d), row),
            pl.BlockSpec((bn, d), row),
        ] + [pl.BlockSpec((bn, d), row) for _ in range(np_)] + [
            pl.BlockSpec((d, uh), full),
            pl.BlockSpec((d, uh), full),
            pl.BlockSpec((d, uh), full),
            pl.BlockSpec((1, uh), full),
            pl.BlockSpec((uh, uh), full),
            pl.BlockSpec((1, uh), full),
            pl.BlockSpec((uh, d), full),
            pl.BlockSpec((1, d), full),
        ],
        out_specs=pl.BlockSpec((bn, d), row),
        out_shape=jax.ShapeDtypeStruct((n, d), F32),
    )(ns, ns_perm, *parts, w1a, w1b, w1c, b1, w2, b2, w3, b3)


def kernel(node_states, edges, vertices, me_w1, me_b1, me_w2, me_b2, me_w3,
           me_b3, nu_w1, nu_b1, nu_w2, nu_b2, nu_w3, nu_b3):
    n, d = node_states.shape
    e, de = edges.shape
    md = me_w3.shape[1]

    vi = vertices[:, 0]
    vj = vertices[:, 1]

    w1a = me_w1[:d]
    w1b = me_w1[d:2 * d]
    w1e = me_w1[2 * d:]

    a_tab, b_tab = _ab_tables(node_states, w1a, w1b)

    nsplit = 2
    es = e // nsplit
    nch = es // CHUNK
    tpw = -(-nch // SC_WORKERS)
    bf = jnp.bfloat16
    w2b, w3b = me_w2.astype(bf), me_w3.astype(bf)
    b1r, b2r, b3r = (me_b1.reshape(1, -1), me_b2.reshape(1, -1),
                     me_b3.reshape(1, -1))
    msgs, vis, vjs = [], [], []
    for k in range(nsplit):
        sl = slice(k * es, (k + 1) * es)
        vik = _pad_idx(vi[sl], nch, tpw)
        vjk = _pad_idx(vj[sl], nch, tpw)
        gak, gbk = _sc_gather2(a_tab, b_tab, vik, vjk, nch)
        msgs.append(_edge_mlp(gak, gbk, edges[sl], w1e, b1r, w2b, b2r,
                              w3b, b3r))
        vis.append(vik)
        vjs.append(vjk)

    zeros = jnp.zeros((n, md), F32)
    pa = _sc_scatter(msgs[:1], vis[:1], vjs[:1], zeros, n, nch)
    pb = _sc_scatter(msgs[1:], vis[1:], vjs[1:], zeros, n, nch)
    parts = [pa[:n], pa[n:], pb[:n], pb[n:]]

    half = n // 4
    ns_perm = node_states.reshape(2, 2, half, d)[:, ::-1].reshape(n, d)

    uw1a = nu_w1[:d]
    uw1b = nu_w1[d:d + md]
    uw1c = nu_w1[d + md:]
    return _node_mlp(node_states, ns_perm, parts, uw1a, uw1b, uw1c,
                     nu_b1.reshape(1, -1), nu_w2, nu_b2.reshape(1, -1),
                     nu_w3, nu_b3.reshape(1, -1))

# --- scband reference (transcript-rebuilt; emitter-appended) ---
"""Pipeline reference for scband-attention-propagation-layer-83021717831844 (READ-ONLY COPY).

The authoritative reference and input builder live on the scoring server;
editing this copy changes nothing except your own understanding.
"""

import jax, jax.numpy as jnp
import numpy as np

N = 10000
E = 320000
D = 128
DE = 16
MH = 128
MD = 128
UH = 128
NUM_NODES = 2500

def setup_inputs(seed: int = 0) -> dict:
    key = jax.random.key(seed)
    ks = jax.random.split(key, 16)
    s = 0.02
    inp = {
        'node_states': jax.random.normal(ks[0], (N, D), jnp.float32),
        'edges': jax.random.normal(ks[1], (E, DE), jnp.float32),
        'vertices': jax.random.randint(ks[2], (E, 2), 0, N).astype(jnp.int32),
        'me_w1': s * jax.random.normal(ks[3], (2 * D + DE, MH), jnp.float32),
        'me_b1': jnp.zeros((MH,), jnp.float32),
        'me_w2': s * jax.random.normal(ks[4], (MH, MH), jnp.float32),
        'me_b2': jnp.zeros((MH,), jnp.float32),
        'me_w3': s * jax.random.normal(ks[5], (MH, MD), jnp.float32),
        'me_b3': jnp.zeros((MD,), jnp.float32),
        'nu_w1': s * jax.random.normal(ks[6], (D + MD + D, UH), jnp.float32),
        'nu_b1': jnp.zeros((UH,), jnp.float32),
        'nu_w2': s * jax.random.normal(ks[7], (UH, UH), jnp.float32),
        'nu_b2': jnp.zeros((UH,), jnp.float32),
        'nu_w3': s * jax.random.normal(ks[8], (UH, D), jnp.float32),
        'nu_b3': jnp.zeros((D,), jnp.float32),
    }
    return inp

def reference(node_states, edges, vertices, me_w1, me_b1, me_w2, me_b2, me_w3, me_b3, nu_w1, nu_b1, nu_w2, nu_b2, nu_w3, nu_b3):
    n = node_states.shape[0]
    d = node_states.shape[1]
    md = me_w3.shape[1]
    vi = vertices[:, 0]
    vj = vertices[:, 1]
    nodes_i = jnp.take(node_states, vi, axis=0)
    nodes_j = jnp.take(node_states, vj, axis=0)
    h = jnp.concatenate([nodes_i, nodes_j, edges], axis=1)
    h = jax.nn.relu(h @ me_w1 + me_b1)
    h = jax.nn.relu(h @ me_w2 + me_b2)
    messages = h @ me_w3 + me_b3
    messages_aug = jnp.concatenate([messages, messages, jnp.zeros((n, md), messages.dtype)], axis=0)
    vertices_flat = jnp.concatenate([vi, vj, jnp.arange(n, dtype=vi.dtype)], axis=0)
    summed_messages = jax.ops.segment_sum(messages_aug, vertices_flat, num_segments=n)
    paired = node_states.reshape(-1, 2, NUM_NODES, d)
    attention_vectors = jnp.concatenate([paired[:, 0, :, :] - paired[:, 1, :, :], paired[:, 1, :, :] - paired[:, 0, :, :]], axis=1).reshape(-1, d)
    u = jnp.concatenate([node_states, summed_messages, attention_vectors], axis=1)
    u = jax.nn.relu(u @ nu_w1 + nu_b1)
    u = jax.nn.relu(u @ nu_w2 + nu_b2)
    updated = u @ nu_w3 + nu_b3
    return updated

if __name__ == "__main__":
    import jax
    _d = setup_inputs()
    print(jax.jit(kernel)(*tuple(_d.values())))

</pallas_src>

<mosaic_0001>
#map = affine_map<(d0, d1) -> (0, 0)>
module attributes {stable_mosaic.version = 14 : i64} {
  func.func @gather_k(%arg0: i32, %arg1: i32, %arg2: memref<10000x128xf32, #tpu.memory_space<hbm>>, %arg3: memref<10000x128xf32, #tpu.memory_space<hbm>>, %arg4: memref<1280x128xi32, #tpu.memory_space<hbm>>, %arg5: memref<1280x128xi32, #tpu.memory_space<hbm>>, %arg6: memref<160000x128xf32, #tpu.memory_space<hbm>>, %arg7: memref<160000x128xf32, #tpu.memory_space<hbm>>, %arg8: memref<80x128xi32, #tpu.memory_space<vmem>>, %arg9: memref<128x128xf32, #tpu.memory_space<vmem>>, %arg10: memref<128x128xf32, #tpu.memory_space<vmem>>, %arg11: memref<10000x128xf32, #tpu.memory_space<vmem_shared>>, %arg12: memref<!tpu.dma_semaphore, #tpu.memory_space<semaphore_mem>>) attributes {dimension_semantics = [#tpu.dimension_semantics<core_parallel>, #tpu.dimension_semantics<subcore_parallel>], iteration_bounds = array<i64: 2, 16>, scalar_prefetch = 0 : i64, scratch_operands = 5 : i64, tpu.core_type = #tpu.core_type<sc_vector_subcore>, window_params = [{transform_indices = #map}, {transform_indices = #map}, {transform_indices = #map}, {transform_indices = #map}, {transform_indices = #map}, {transform_indices = #map}]} {
    %mul3A = arith.constant 80 : i32
    %mul3A_0 = arith.muli %arg1, %mul3A : i32
    %sub3A = arith.constant 1250 : i32
    %sub3A_1 = arith.subi %sub3A, %mul3A_0 : i32
    %jit3A = arith.constant 0 : i32
    %jit3A_2 = arith.constant 80 : i32
    %max3A = arith.maxsi %jit3A, %sub3A_1 : i32
    %min3A = arith.minsi %jit3A_2, %max3A : i32
    %eq3A = arith.constant 0 : i32
    %eq3A_3 = arith.cmpi eq, %arg0, %eq3A : i32
    %convert_element_type3A = arith.extui %eq3A_3 : i1 to i32
    %cond3A = arith.constant 0 : i32
    %cond3A_4 = arith.cmpi ne, %convert_element_type3A, %cond3A : i32
    scf.if %cond3A_4 {
      %lt3A = arith.constant 15 : i32
      %lt3A_10 = arith.cmpi slt, %arg1, %lt3A : i32
      %convert_element_type3A_11 = arith.extui %lt3A_10 : i1 to i32
      %cond3A_12 = arith.constant 0 : i32
      %cond3A_13 = arith.cmpi ne, %convert_element_type3A_11, %cond3A_12 : i32
      scf.if %cond3A_13 {
        %mul3A_47 = arith.constant 632 : i32
        %mul3A_48 = arith.muli %arg1, %mul3A_47 : i32
        %mul3A_49 = arith.constant 632 : i32
        %mul3A_50 = arith.muli %arg1, %mul3A_49 : i32
        "tpu.region"() ({
          %run_scoped3A = tpu.sem_alloc : memref<!tpu.dma_semaphore, #tpu.memory_space<semaphore_mem>>
          %dma_start3A = arith.constant 0 : i32
          %dma_start3A_51 = tpu.memref_slice %arg11[%mul3A_50, %dma_start3A] : memref<10000x128xf32, #tpu.memory_space<vmem_shared>> -> memref<632x128xf32, #tpu.memory_space<vmem_shared>>
          %dma_start3A_52 = arith.constant 0 : i32
          %dma_start3A_53 = tpu.memref_slice %arg2[%mul3A_48, %dma_start3A_52] : memref<10000x128xf32, #tpu.memory_space<hbm>> -> memref<632x128xf32, #tpu.memory_space<hbm>>
          tpu.enqueue_dma source(%dma_start3A_53 : memref<632x128xf32, #tpu.memory_space<hbm>>) target(%dma_start3A_51 : memref<632x128xf32, #tpu.memory_space<vmem_shared>>) target_semaphore(%run_scoped3A : memref<!tpu.dma_semaphore, #tpu.memory_space<semaphore_mem>>)
          %dma_wait3A = arith.constant 0 : i32
          %dma_wait3A_54 = tpu.memref_slice %arg11[%mul3A_50, %dma_wait3A] : memref<10000x128xf32, #tpu.memory_space<vmem_shared>> -> memref<632x128xf32, #tpu.memory_space<vmem_shared>>
          %dma_wait3A_55 = arith.constant 0 : i32
          %dma_wait3A_56 = tpu.memref_slice %arg2[%mul3A_48, %dma_wait3A_55] : memref<10000x128xf32, #tpu.memory_space<hbm>> -> memref<632x128xf32, #tpu.memory_space<hbm>>
          tpu.wait_dma2 semaphore(%run_scoped3A : memref<!tpu.dma_semaphore, #tpu.memory_space<semaphore_mem>>) src(%dma_wait3A_56 : memref<632x128xf32, #tpu.memory_space<hbm>>) dst(%dma_wait3A_54 : memref<632x128xf32, #tpu.memory_space<vmem_shared>>)
          tpu.yield
        }) : () -> ()
      } else {
      }
      %eq3A_14 = arith.constant 15 : i32
      %eq3A_15 = arith.cmpi eq, %arg1, %eq3A_14 : i32
      %convert_element_type3A_16 = arith.extui %eq3A_15 : i1 to i32
      %cond3A_17 = arith.constant 0 : i32
      %cond3A_18 = arith.cmpi ne, %convert_element_type3A_16, %cond3A_17 : i32
      scf.if %cond3A_18 {
        %mul3A_47 = arith.constant 632 : i32
        %mul3A_48 = arith.muli %arg1, %mul3A_47 : i32
        %mul3A_49 = arith.constant 632 : i32
        %mul3A_50 = arith.muli %arg1, %mul3A_49 : i32
        "tpu.region"() ({
          %run_scoped3A = tpu.sem_alloc : memref<!tpu.dma_semaphore, #tpu.memory_space<semaphore_mem>>
          %dma_start3A = arith.constant 0 : i32
          %dma_start3A_51 = tpu.memref_slice %arg11[%mul3A_50, %dma_start3A] : memref<10000x128xf32, #tpu.memory_space<vmem_shared>> -> memref<520x128xf32, #tpu.memory_space<vmem_shared>>
          %dma_start3A_52 = arith.constant 0 : i32
          %dma_start3A_53 = tpu.memref_slice %arg2[%mul3A_48, %dma_start3A_52] : memref<10000x128xf32, #tpu.memory_space<hbm>> -> memref<520x128xf32, #tpu.memory_space<hbm>>
          tpu.enqueue_dma source(%dma_start3A_53 : memref<520x128xf32, #tpu.memory_space<hbm>>) target(%dma_start3A_51 : memref<520x128xf32, #tpu.memory_space<vmem_shared>>) target_semaphore(%run_scoped3A : memref<!tpu.dma_semaphore, #tpu.memory_space<semaphore_mem>>)
          %dma_wait3A = arith.constant 0 : i32
          %dma_wait3A_54 = tpu.memref_slice %arg11[%mul3A_50, %dma_wait3A] : memref<10000x128xf32, #tpu.memory_space<vmem_shared>> -> memref<520x128xf32, #tpu.memory_space<vmem_shared>>
          %dma_wait3A_55 = arith.constant 0 : i32
          %dma_wait3A_56 = tpu.memref_slice %arg2[%mul3A_48, %dma_wait3A_55] : memref<10000x128xf32, #tpu.memory_space<hbm>> -> memref<520x128xf32, #tpu.memory_space<hbm>>
          tpu.wait_dma2 semaphore(%run_scoped3A : memref<!tpu.dma_semaphore, #tpu.memory_space<semaphore_mem>>) src(%dma_wait3A_56 : memref<520x128xf32, #tpu.memory_space<hbm>>) dst(%dma_wait3A_54 : memref<520x128xf32, #tpu.memory_space<vmem_shared>>)
          tpu.yield
        }) : () -> ()
      } else {
      }
      %mul3A_19 = arith.constant 80 : i32
      %mul3A_20 = arith.muli %arg1, %mul3A_19 : i32
      "tpu.region"() ({
        %run_scoped3A = tpu.sem_alloc : memref<!tpu.dma_semaphore, #tpu.memory_space<semaphore_mem>>
        %dma_start3A = arith.constant 0 : i32
        %dma_start3A_47 = tpu.memref_slice %arg4[%mul3A_20, %dma_start3A] : memref<1280x128xi32, #tpu.memory_space<hbm>> -> memref<80x128xi32, #tpu.memory_space<hbm>>
        %dma_start3A_48 = arith.constant 0 : i32
        %dma_start3A_49 = tpu.memref_slice %arg4[%mul3A_20, %dma_start3A_48] : memref<1280x128xi32, #tpu.memory_space<hbm>> -> memref<80x128xi32, #tpu.memory_space<hbm>>
        tpu.enqueue_dma source(%dma_start3A_49 : memref<80x128xi32, #tpu.memory_space<hbm>>) target(%arg8 : memref<80x128xi32, #tpu.memory_space<vmem>>) target_semaphore(%run_scoped3A : memref<!tpu.dma_semaphore, #tpu.memory_space<semaphore_mem>>)
        %dma_wait3A = arith.constant 0 : i32
        %dma_wait3A_50 = tpu.memref_slice %arg4[%mul3A_20, %dma_wait3A] : memref<1280x128xi32, #tpu.memory_space<hbm>> -> memref<80x128xi32, #tpu.memory_space<hbm>>
        %dma_wait3A_51 = arith.constant 0 : i32
        %dma_wait3A_52 = tpu.memref_slice %arg4[%mul3A_20, %dma_wait3A_51] : memref<1280x128xi32, #tpu.memory_space<hbm>> -> memref<80x128xi32, #tpu.memory_space<hbm>>
        tpu.wait_dma2 semaphore(%run_scoped3A : memref<!tpu.dma_semaphore, #tpu.memory_space<semaphore_mem>>) src(%dma_wait3A_52 : memref<80x128xi32, #tpu.memory_space<hbm>>) dst(%arg8 : memref<80x128xi32, #tpu.memory_space<vmem>>)
        tpu.yield
      }) : () -> ()
      %barrier3A = arith.constant 0 : index
      tpu.barrier barrier_id(%barrier3A)
      %scan3A = arith.constant 0 : i32
      %scan3A_21 = arith.constant 0 : i32
      %scan3A_22 = arith.constant 40 : i32
      %scan3A_23 = arith.addi %scan3A_21, %scan3A_22 : i32
      %scan3A_24 = arith.constant 1 : i32
      scf.for %scan3A_47 = %scan3A_21 to %scan3A_23 step %scan3A_24  : i32 {
        %mul3A_48 = arith.constant 2 : i32
        %mul3A_49 = arith.muli %mul3A_48, %scan3A_47 : i32
        %lt3A_50 = arith.cmpi slt, %mul3A_49, %min3A : i32
        %convert_element_type3A_51 = arith.extui %lt3A_50 : i1 to i32
        %cond3A_52 = arith.constant 0 : i32
        %cond3A_53 = arith.cmpi ne, %convert_element_type3A_51, %cond3A_52 : i32
        scf.if %cond3A_53 {
          %dma_start3A = arith.constant 0 : i32
          %dma_start3A_61 = tpu.memref_slice %arg8[%mul3A_49, %dma_start3A] : memref<80x128xi32, #tpu.memory_space<vmem>> -> memref<1x128xi32, #tpu.memory_space<vmem>>
          %dma_start3A_62 = tpu.memref_squeeze %dma_start3A_61 : memref<1x128xi32, #tpu.memory_space<vmem>> -> memref<128xi32, #tpu.memory_space<vmem>>
          %dma_start3A_63 = arith.constant 0 : i32
          %dma_start3A_64 = arith.constant 0 : i32
          %dma_start3A_65 = tpu.memref_slice %arg11[%dma_start3A_63, %dma_start3A_64] : memref<10000x128xf32, #tpu.memory_space<vmem_shared>> -> memref<10000x128xf32, #tpu.memory_space<vmem_shared>>
          tpu.enqueue_indirect_dma source(%dma_start3A_65 : memref<10000x128xf32, #tpu.memory_space<vmem_shared>>) target(%arg9 : memref<128x128xf32, #tpu.memory_space<vmem>>) offsets(%dma_start3A_62 : memref<128xi32, #tpu.memory_space<vmem>>) semaphore(%arg12 : memref<!tpu.dma_semaphore, #tpu.memory_space<semaphore_mem>>)
          %ge3A_66 = arith.constant 1 : i32
          %ge3A_67 = arith.cmpi sge, %mul3A_49, %ge3A_66 : i32
          %convert_element_type3A_68 = arith.extui %ge3A_67 : i1 to i32
          %cond3A_69 = arith.constant 0 : i32
          %cond3A_70 = arith.cmpi ne, %convert_element_type3A_68, %cond3A_69 : i32
          scf.if %cond3A_70 {
            %mul3A_76 = arith.constant 80 : i32
            %mul3A_77 = arith.muli %arg1, %mul3A_76 : i32
            %add3A_78 = arith.addi %mul3A_77, %mul3A_49 : i32
            %sub3A_79 = arith.constant 1 : i32
            %sub3A_80 = arith.subi %add3A_78, %sub3A_79 : i32
            %mul3A_81 = arith.constant 128 : i32
            %mul3A_82 = arith.muli %sub3A_80, %mul3A_81 : i32
            "tpu.region"() ({
              %run_scoped3A = tpu.sem_alloc : memref<!tpu.dma_semaphore, #tpu.memory_space<semaphore_mem>>
              %dma_start3A_83 = arith.constant 0 : i32
              %dma_start3A_84 = tpu.memref_slice %arg6[%mul3A_82, %dma_start3A_83] : memref<160000x128xf32, #tpu.memory_space<hbm>> -> memref<128x128xf32, #tpu.memory_space<hbm>>
              %dma_start3A_85 = arith.constant 0 : i32
              %dma_start3A_86 = tpu.memref_slice %arg6[%mul3A_82, %dma_start3A_85] : memref<160000x128xf32, #tpu.memory_space<hbm>> -> memref<128x128xf32, #tpu.memory_space<hbm>>
              tpu.enqueue_dma source(%arg10 : memref<128x128xf32, #tpu.memory_space<vmem>>) target(%dma_start3A_86 : memref<128x128xf32, #tpu.memory_space<hbm>>) target_semaphore(%run_scoped3A : memref<!tpu.dma_semaphore, #tpu.memory_space<semaphore_mem>>)
              %dma_wait3A_87 = arith.constant 0 : i32
              %dma_wait3A_88 = tpu.memref_slice %arg6[%mul3A_82, %dma_wait3A_87] : memref<160000x128xf32, #tpu.memory_space<hbm>> -> memref<128x128xf32, #tpu.memory_space<hbm>>
              %dma_wait3A_89 = arith.constant 0 : i32
              %dma_wait3A_90 = tpu.memref_slice %arg6[%mul3A_82, %dma_wait3A_89] : memref<160000x128xf32, #tpu.memory_space<hbm>> -> memref<128x128xf32, #tpu.memory_space<hbm>>
              tpu.wait_dma2 semaphore(%run_scoped3A : memref<!tpu.dma_semaphore, #tpu.memory_space<semaphore_mem>>) src(%arg10 : memref<128x128xf32, #tpu.memory_space<vmem>>) dst(%dma_wait3A_90 : memref<128x128xf32, #tpu.memory_space<hbm>>)
              tpu.yield
            }) : () -> ()
          } else {
          }
          %dma_wait3A = arith.constant 0 : i32
          %dma_wait3A_71 = tpu.memref_slice %arg8[%mul3A_49, %dma_wait3A] : memref<80x128xi32, #tpu.memory_space<vmem>> -> memref<1x128xi32, #tpu.memory_space<vmem>>
          %dma_wait3A_72 = tpu.memref_squeeze %dma_wait3A_71 : memref<1x128xi32, #tpu.memory_space<vmem>> -> memref<128xi32, #tpu.memory_space<vmem>>
          %dma_wait3A_73 = arith.constant 0 : i32
          %dma_wait3A_74 = arith.constant 0 : i32
          %dma_wait3A_75 = tpu.memref_slice %arg11[%dma_wait3A_73, %dma_wait3A_74] : memref<10000x128xf32, #tpu.memory_space<vmem_shared>> -> memref<10000x128xf32, #tpu.memory_space<vmem_shared>>
          tpu.wait_indirect_dma semaphore(%arg12 : memref<!tpu.dma_semaphore, #tpu.memory_space<semaphore_mem>>) src(%dma_wait3A_75 : memref<10000x128xf32, #tpu.memory_space<vmem_shared>>) dst(%arg9 : memref<128x128xf32, #tpu.memory_space<vmem>>)
        } else {
        }
        %mul3A_54 = arith.constant 2 : i32
        %mul3A_55 = arith.muli %mul3A_54, %scan3A_47 : i32
        %add3A = arith.constant 1 : i32
        %add3A_56 = arith.addi %mul3A_55, %add3A : i32
        %lt3A_57 = arith.cmpi slt, %add3A_56, %min3A : i32
        %convert_element_type3A_58 = arith.extui %lt3A_57 : i1 to i32
        %cond3A_59 = arith.constant 0 : i32
        %cond3A_60 = arith.cmpi ne, %convert_element_type3A_58, %cond3A_59 : i32
        scf.if %cond3A_60 {
          %dma_start3A = arith.constant 0 : i32
          %dma_start3A_61 = tpu.memref_slice %arg8[%add3A_56, %dma_start3A] : memref<80x128xi32, #tpu.memory_space<vmem>> -> memref<1x128xi32, #tpu.memory_space<vmem>>
          %dma_start3A_62 = tpu.memref_squeeze %dma_start3A_61 : memref<1x128xi32, #tpu.memory_space<vmem>> -> memref<128xi32, #tpu.memory_space<vmem>>
          %dma_start3A_63 = arith.constant 0 : i32
          %dma_start3A_64 = arith.constant 0 : i32
          %dma_start3A_65 = tpu.memref_slice %arg11[%dma_start3A_63, %dma_start3A_64] : memref<10000x128xf32, #tpu.memory_space<vmem_shared>> -> memref<10000x128xf32, #tpu.memory_space<vmem_shared>>
          tpu.enqueue_indirect_dma source(%dma_start3A_65 : memref<10000x128xf32, #tpu.memory_space<vmem_shared>>) target(%arg10 : memref<128x128xf32, #tpu.memory_space<vmem>>) offsets(%dma_start3A_62 : memref<128xi32, #tpu.memory_space<vmem>>) semaphore(%arg12 : memref<!tpu.dma_semaphore, #tpu.memory_space<semaphore_mem>>)
          %ge3A_66 = arith.constant 1 : i32
          %ge3A_67 = arith.cmpi sge, %add3A_56, %ge3A_66 : i32
          %convert_element_type3A_68 = arith.extui %ge3A_67 : i1 to i32
          %cond3A_69 = arith.constant 0 : i32
          %cond3A_70 = arith.cmpi ne, %convert_element_type3A_68, %cond3A_69 : i32
          scf.if %cond3A_70 {
            %mul3A_76 = arith.constant 80 : i32
            %mul3A_77 = arith.muli %arg1, %mul3A_76 : i32
            %add3A_78 = arith.addi %mul3A_77, %add3A_56 : i32
            %sub3A_79 = arith.constant 1 : i32
            %sub3A_80 = arith.subi %add3A_78, %sub3A_79 : i32
            %mul3A_81 = arith.constant 128 : i32
            %mul3A_82 = arith.muli %sub3A_80, %mul3A_81 : i32
            "tpu.region"() ({
              %run_scoped3A = tpu.sem_alloc : memref<!tpu.dma_semaphore, #tpu.memory_space<semaphore_mem>>
              %dma_start3A_83 = arith.constant 0 : i32
              %dma_start3A_84 = tpu.memref_slice %arg6[%mul3A_82, %dma_start3A_83] : memref<160000x128xf32, #tpu.memory_space<hbm>> -> memref<128x128xf32, #tpu.memory_space<hbm>>
              %dma_start3A_85 = arith.constant 0 : i32
              %dma_start3A_86 = tpu.memref_slice %arg6[%mul3A_82, %dma_start3A_85] : memref<160000x128xf32, #tpu.memory_space<hbm>> -> memref<128x128xf32, #tpu.memory_space<hbm>>
              tpu.enqueue_dma source(%arg9 : memref<128x128xf32, #tpu.memory_space<vmem>>) target(%dma_start3A_86 : memref<128x128xf32, #tpu.memory_space<hbm>>) target_semaphore(%run_scoped3A : memref<!tpu.dma_semaphore, #tpu.memory_space<semaphore_mem>>)
              %dma_wait3A_87 = arith.constant 0 : i32
              %dma_wait3A_88 = tpu.memref_slice %arg6[%mul3A_82, %dma_wait3A_87] : memref<160000x128xf32, #tpu.memory_space<hbm>> -> memref<128x128xf32, #tpu.memory_space<hbm>>
              %dma_wait3A_89 = arith.constant 0 : i32
              %dma_wait3A_90 = tpu.memref_slice %arg6[%mul3A_82, %dma_wait3A_89] : memref<160000x128xf32, #tpu.memory_space<hbm>> -> memref<128x128xf32, #tpu.memory_space<hbm>>
              tpu.wait_dma2 semaphore(%run_scoped3A : memref<!tpu.dma_semaphore, #tpu.memory_space<semaphore_mem>>) src(%arg9 : memref<128x128xf32, #tpu.memory_space<vmem>>) dst(%dma_wait3A_90 : memref<128x128xf32, #tpu.memory_space<hbm>>)
              tpu.yield
            }) : () -> ()
          } else {
          }
          %dma_wait3A = arith.constant 0 : i32
          %dma_wait3A_71 = tpu.memref_slice %arg8[%add3A_56, %dma_wait3A] : memref<80x128xi32, #tpu.memory_space<vmem>> -> memref<1x128xi32, #tpu.memory_space<vmem>>
          %dma_wait3A_72 = tpu.memref_squeeze %dma_wait3A_71 : memref<1x128xi32, #tpu.memory_space<vmem>> -> memref<128xi32, #tpu.memory_space<vmem>>
          %dma_wait3A_73 = arith.constant 0 : i32
          %dma_wait3A_74 = arith.constant 0 : i32
          %dma_wait3A_75 = tpu.memref_slice %arg11[%dma_wait3A_73, %dma_wait3A_74] : memref<10000x128xf32, #tpu.memory_space<vmem_shared>> -> memref<10000x128xf32, #tpu.memory_space<vmem_shared>>
          tpu.wait_indirect_dma semaphore(%arg12 : memref<!tpu.dma_semaphore, #tpu.memory_space<semaphore_mem>>) src(%dma_wait3A_75 : memref<10000x128xf32, #tpu.memory_space<vmem_shared>>) dst(%arg10 : memref<128x128xf32, #tpu.memory_space<vmem>>)
        } else {
        }
      }
      %scan3A_25 = arith.constant 40 : i32
      %ge3A = arith.constant 1 : i32
      %ge3A_26 = arith.cmpi sge, %min3A, %ge3A : i32
      %sub3A_27 = arith.constant 1 : i32
      %sub3A_28 = arith.subi %min3A, %sub3A_27 : i32
      %rem3A = arith.constant 2 : i32
      %rem3A_29 = arith.remsi %sub3A_28, %rem3A : i32
      %eq3A_30 = arith.constant 0 : i32
      %eq3A_31 = arith.cmpi eq, %rem3A_29, %eq3A_30 : i32
      %and3A = arith.andi %ge3A_26, %eq3A_31 : i1
      %convert_element_type3A_32 = arith.extui %and3A : i1 to i32
      %cond3A_33 = arith.constant 0 : i32
      %cond3A_34 = arith.cmpi ne, %convert_element_type3A_32, %cond3A_33 : i32
      scf.if %cond3A_34 {
        %mul3A_47 = arith.constant 80 : i32
        %mul3A_48 = arith.muli %arg1, %mul3A_47 : i32
        %add3A = arith.addi %mul3A_48, %min3A : i32
        %sub3A_49 = arith.constant 1 : i32
        %sub3A_50 = arith.subi %add3A, %sub3A_49 : i32
        %mul3A_51 = arith.constant 128 : i32
        %mul3A_52 = arith.muli %sub3A_50, %mul3A_51 : i32
        "tpu.region"() ({
          %run_scoped3A = tpu.sem_alloc : memref<!tpu.dma_semaphore, #tpu.memory_space<semaphore_mem>>
          %dma_start3A = arith.constant 0 : i32
          %dma_start3A_53 = tpu.memref_slice %arg6[%mul3A_52, %dma_start3A] : memref<160000x128xf32, #tpu.memory_space<hbm>> -> memref<128x128xf32, #tpu.memory_space<hbm>>
          %dma_start3A_54 = arith.constant 0 : i32
          %dma_start3A_55 = tpu.memref_slice %arg6[%mul3A_52, %dma_start3A_54] : memref<160000x128xf32, #tpu.memory_space<hbm>> -> memref<128x128xf32, #tpu.memory_space<hbm>>
          tpu.enqueue_dma source(%arg9 : memref<128x128xf32, #tpu.memory_space<vmem>>) target(%dma_start3A_55 : memref<128x128xf32, #tpu.memory_space<hbm>>) target_semaphore(%run_scoped3A : memref<!tpu.dma_semaphore, #tpu.memory_space<semaphore_mem>>)
          %dma_wait3A = arith.constant 0 : i32
          %dma_wait3A_56 = tpu.memref_slice %arg6[%mul3A_52, %dma_wait3A] : memref<160000x128xf32, #tpu.memory_space<hbm>> -> memref<128x128xf32, #tpu.memory_space<hbm>>
          %dma_wait3A_57 = arith.constant 0 : i32
          %dma_wait3A_58 = tpu.memref_slice %arg6[%mul3A_52, %dma_wait3A_57] : memref<160000x128xf32, #tpu.memory_space<hbm>> -> memref<128x128xf32, #tpu.memory_space<hbm>>
          tpu.wait_dma2 semaphore(%run_scoped3A : memref<!tpu.dma_semaphore, #tpu.memory_space<semaphore_mem>>) src(%arg9 : memref<128x128xf32, #tpu.memory_space<vmem>>) dst(%dma_wait3A_58 : memref<128x128xf32, #tpu.memory_space<hbm>>)
          tpu.yield
        }) : () -> ()
      } else {
      }
      %ge3A_35 = arith.constant 1 : i32
      %ge3A_36 = arith.cmpi sge, %min3A, %ge3A_35 : i32
      %sub3A_37 = arith.constant 1 : i32
      %sub3A_38 = arith.subi %min3A, %sub3A_37 : i32
      %rem3A_39 = arith.constant 2 : i32
      %rem3A_40 = arith.remsi %sub3A_38, %rem3A_39 : i32
      %eq3A_41 = arith.constant 1 : i32
      %eq3A_42 = arith.cmpi eq, %rem3A_40, %eq3A_41 : i32
      %and3A_43 = arith.andi %ge3A_36, %eq3A_42 : i1
      %convert_element_type3A_44 = arith.extui %and3A_43 : i1 to i32
      %cond3A_45 = arith.constant 0 : i32
      %cond3A_46 = arith.cmpi ne, %convert_element_type3A_44, %cond3A_45 : i32
      scf.if %cond3A_46 {
        %mul3A_47 = arith.constant 80 : i32
        %mul3A_48 = arith.muli %arg1, %mul3A_47 : i32
        %add3A = arith.addi %mul3A_48, %min3A : i32
        %sub3A_49 = arith.constant 1 : i32
        %sub3A_50 = arith.subi %add3A, %sub3A_49 : i32
        %mul3A_51 = arith.constant 128 : i32
        %mul3A_52 = arith.muli %sub3A_50, %mul3A_51 : i32
        "tpu.region"() ({
          %run_scoped3A = tpu.sem_alloc : memref<!tpu.dma_semaphore, #tpu.memory_space<semaphore_mem>>
          %dma_start3A = arith.constant 0 : i32
          %dma_start3A_53 = tpu.memref_slice %arg6[%mul3A_52, %dma_start3A] : memref<160000x128xf32, #tpu.memory_space<hbm>> -> memref<128x128xf32, #tpu.memory_space<hbm>>
          %dma_start3A_54 = arith.constant 0 : i32
          %dma_start3A_55 = tpu.memref_slice %arg6[%mul3A_52, %dma_start3A_54] : memref<160000x128xf32, #tpu.memory_space<hbm>> -> memref<128x128xf32, #tpu.memory_space<hbm>>
          tpu.enqueue_dma source(%arg10 : memref<128x128xf32, #tpu.memory_space<vmem>>) target(%dma_start3A_55 : memref<128x128xf32, #tpu.memory_space<hbm>>) target_semaphore(%run_scoped3A : memref<!tpu.dma_semaphore, #tpu.memory_space<semaphore_mem>>)
          %dma_wait3A = arith.constant 0 : i32
          %dma_wait3A_56 = tpu.memref_slice %arg6[%mul3A_52, %dma_wait3A] : memref<160000x128xf32, #tpu.memory_space<hbm>> -> memref<128x128xf32, #tpu.memory_space<hbm>>
          %dma_wait3A_57 = arith.constant 0 : i32
          %dma_wait3A_58 = tpu.memref_slice %arg6[%mul3A_52, %dma_wait3A_57] : memref<160000x128xf32, #tpu.memory_space<hbm>> -> memref<128x128xf32, #tpu.memory_space<hbm>>
          tpu.wait_dma2 semaphore(%run_scoped3A : memref<!tpu.dma_semaphore, #tpu.memory_space<semaphore_mem>>) src(%arg10 : memref<128x128xf32, #tpu.memory_space<vmem>>) dst(%dma_wait3A_58 : memref<128x128xf32, #tpu.memory_space<hbm>>)
          tpu.yield
        }) : () -> ()
      } else {
      }
    } else {
    }
    %eq3A_5 = arith.constant 1 : i32
    %eq3A_6 = arith.cmpi eq, %arg0, %eq3A_5 : i32
    %convert_element_type3A_7 = arith.extui %eq3A_6 : i1 to i32
    %cond3A_8 = arith.constant 0 : i32
    %cond3A_9 = arith.cmpi ne, %convert_element_type3A_7, %cond3A_8 : i32
    scf.if %cond3A_9 {
      %lt3A = arith.constant 15 : i32
      %lt3A_10 = arith.cmpi slt, %arg1, %lt3A : i32
      %convert_element_type3A_11 = arith.extui %lt3A_10 : i1 to i32
      %cond3A_12 = arith.constant 0 : i32
      %cond3A_13 = arith.cmpi ne, %convert_element_type3A_11, %cond3A_12 : i32
      scf.if %cond3A_13 {
        %mul3A_47 = arith.constant 632 : i32
        %mul3A_48 = arith.muli %arg1, %mul3A_47 : i32
        %mul3A_49 = arith.constant 632 : i32
        %mul3A_50 = arith.muli %arg1, %mul3A_49 : i32
        "tpu.region"() ({
          %run_scoped3A = tpu.sem_alloc : memref<!tpu.dma_semaphore, #tpu.memory_space<semaphore_mem>>
          %dma_start3A = arith.constant 0 : i32
          %dma_start3A_51 = tpu.memref_slice %arg11[%mul3A_50, %dma_start3A] : memref<10000x128xf32, #tpu.memory_space<vmem_shared>> -> memref<632x128xf32, #tpu.memory_space<vmem_shared>>
          %dma_start3A_52 = arith.constant 0 : i32
          %dma_start3A_53 = tpu.memref_slice %arg3[%mul3A_48, %dma_start3A_52] : memref<10000x128xf32, #tpu.memory_space<hbm>> -> memref<632x128xf32, #tpu.memory_space<hbm>>
          tpu.enqueue_dma source(%dma_start3A_53 : memref<632x128xf32, #tpu.memory_space<hbm>>) target(%dma_start3A_51 : memref<632x128xf32, #tpu.memory_space<vmem_shared>>) target_semaphore(%run_scoped3A : memref<!tpu.dma_semaphore, #tpu.memory_space<semaphore_mem>>)
          %dma_wait3A = arith.constant 0 : i32
          %dma_wait3A_54 = tpu.memref_slice %arg11[%mul3A_50, %dma_wait3A] : memref<10000x128xf32, #tpu.memory_space<vmem_shared>> -> memref<632x128xf32, #tpu.memory_space<vmem_shared>>
          %dma_wait3A_55 = arith.constant 0 : i32
          %dma_wait3A_56 = tpu.memref_slice %arg3[%mul3A_48, %dma_wait3A_55] : memref<10000x128xf32, #tpu.memory_space<hbm>> -> memref<632x128xf32, #tpu.memory_space<hbm>>
          tpu.wait_dma2 semaphore(%run_scoped3A : memref<!tpu.dma_semaphore, #tpu.memory_space<semaphore_mem>>) src(%dma_wait3A_56 : memref<632x128xf32, #tpu.memory_space<hbm>>) dst(%dma_wait3A_54 : memref<632x128xf32, #tpu.memory_space<vmem_shared>>)
          tpu.yield
        }) : () -> ()
      } else {
      }
      %eq3A_14 = arith.constant 15 : i32
      %eq3A_15 = arith.cmpi eq, %arg1, %eq3A_14 : i32
      %convert_element_type3A_16 = arith.extui %eq3A_15 : i1 to i32
      %cond3A_17 = arith.constant 0 : i32
      %cond3A_18 = arith.cmpi ne, %convert_element_type3A_16, %cond3A_17 : i32
      scf.if %cond3A_18 {
        %mul3A_47 = arith.constant 632 : i32
        %mul3A_48 = arith.muli %arg1, %mul3A_47 : i32
        %mul3A_49 = arith.constant 632 : i32
        %mul3A_50 = arith.muli %arg1, %mul3A_49 : i32
        "tpu.region"() ({
          %run_scoped3A = tpu.sem_alloc : memref<!tpu.dma_semaphore, #tpu.memory_space<semaphore_mem>>
          %dma_start3A = arith.constant 0 : i32
          %dma_start3A_51 = tpu.memref_slice %arg11[%mul3A_50, %dma_start3A] : memref<10000x128xf32, #tpu.memory_space<vmem_shared>> -> memref<520x128xf32, #tpu.memory_space<vmem_shared>>
          %dma_start3A_52 = arith.constant 0 : i32
          %dma_start3A_53 = tpu.memref_slice %arg3[%mul3A_48, %dma_start3A_52] : memref<10000x128xf32, #tpu.memory_space<hbm>> -> memref<520x128xf32, #tpu.memory_space<hbm>>
          tpu.enqueue_dma source(%dma_start3A_53 : memref<520x128xf32, #tpu.memory_space<hbm>>) target(%dma_start3A_51 : memref<520x128xf32, #tpu.memory_space<vmem_shared>>) target_semaphore(%run_scoped3A : memref<!tpu.dma_semaphore, #tpu.memory_space<semaphore_mem>>)
          %dma_wait3A = arith.constant 0 : i32
          %dma_wait3A_54 = tpu.memref_slice %arg11[%mul3A_50, %dma_wait3A] : memref<10000x128xf32, #tpu.memory_space<vmem_shared>> -> memref<520x128xf32, #tpu.memory_space<vmem_shared>>
          %dma_wait3A_55 = arith.constant 0 : i32
          %dma_wait3A_56 = tpu.memref_slice %arg3[%mul3A_48, %dma_wait3A_55] : memref<10000x128xf32, #tpu.memory_space<hbm>> -> memref<520x128xf32, #tpu.memory_space<hbm>>
          tpu.wait_dma2 semaphore(%run_scoped3A : memref<!tpu.dma_semaphore, #tpu.memory_space<semaphore_mem>>) src(%dma_wait3A_56 : memref<520x128xf32, #tpu.memory_space<hbm>>) dst(%dma_wait3A_54 : memref<520x128xf32, #tpu.memory_space<vmem_shared>>)
          tpu.yield
        }) : () -> ()
      } else {
      }
      %mul3A_19 = arith.constant 80 : i32
      %mul3A_20 = arith.muli %arg1, %mul3A_19 : i32
      "tpu.region"() ({
        %run_scoped3A = tpu.sem_alloc : memref<!tpu.dma_semaphore, #tpu.memory_space<semaphore_mem>>
        %dma_start3A = arith.constant 0 : i32
        %dma_start3A_47 = tpu.memref_slice %arg5[%mul3A_20, %dma_start3A] : memref<1280x128xi32, #tpu.memory_space<hbm>> -> memref<80x128xi32, #tpu.memory_space<hbm>>
        %dma_start3A_48 = arith.constant 0 : i32
        %dma_start3A_49 = tpu.memref_slice %arg5[%mul3A_20, %dma_start3A_48] : memref<1280x128xi32, #tpu.memory_space<hbm>> -> memref<80x128xi32, #tpu.memory_space<hbm>>
        tpu.enqueue_dma source(%dma_start3A_49 : memref<80x128xi32, #tpu.memory_space<hbm>>) target(%arg8 : memref<80x128xi32, #tpu.memory_space<vmem>>) target_semaphore(%run_scoped3A : memref<!tpu.dma_semaphore, #tpu.memory_space<semaphore_mem>>)
        %dma_wait3A = arith.constant 0 : i32
        %dma_wait3A_50 = tpu.memref_slice %arg5[%mul3A_20, %dma_wait3A] : memref<1280x128xi32, #tpu.memory_space<hbm>> -> memref<80x128xi32, #tpu.memory_space<hbm>>
        %dma_wait3A_51 = arith.constant 0 : i32
        %dma_wait3A_52 = tpu.memref_slice %arg5[%mul3A_20, %dma_wait3A_51] : memref<1280x128xi32, #tpu.memory_space<hbm>> -> memref<80x128xi32, #tpu.memory_space<hbm>>
        tpu.wait_dma2 semaphore(%run_scoped3A : memref<!tpu.dma_semaphore, #tpu.memory_space<semaphore_mem>>) src(%dma_wait3A_52 : memref<80x128xi32, #tpu.memory_space<hbm>>) dst(%arg8 : memref<80x128xi32, #tpu.memory_space<vmem>>)
        tpu.yield
      }) : () -> ()
      %barrier3A = arith.constant 0 : index
      tpu.barrier barrier_id(%barrier3A)
      %scan3A = arith.constant 0 : i32
      %scan3A_21 = arith.constant 0 : i32
      %scan3A_22 = arith.constant 40 : i32
      %scan3A_23 = arith.addi %scan3A_21, %scan3A_22 : i32
      %scan3A_24 = arith.constant 1 : i32
      scf.for %scan3A_47 = %scan3A_21 to %scan3A_23 step %scan3A_24  : i32 {
        %mul3A_48 = arith.constant 2 : i32
        %mul3A_49 = arith.muli %mul3A_48, %scan3A_47 : i32
        %lt3A_50 = arith.cmpi slt, %mul3A_49, %min3A : i32
        %convert_element_type3A_51 = arith.extui %lt3A_50 : i1 to i32
        %cond3A_52 = arith.constant 0 : i32
        %cond3A_53 = arith.cmpi ne, %convert_element_type3A_51, %cond3A_52 : i32
        scf.if %cond3A_53 {
          %dma_start3A = arith.constant 0 : i32
          %dma_start3A_61 = tpu.memref_slice %arg8[%mul3A_49, %dma_start3A] : memref<80x128xi32, #tpu.memory_space<vmem>> -> memref<1x128xi32, #tpu.memory_space<vmem>>
          %dma_start3A_62 = tpu.memref_squeeze %dma_start3A_61 : memref<1x128xi32, #tpu.memory_space<vmem>> -> memref<128xi32, #tpu.memory_space<vmem>>
          %dma_start3A_63 = arith.constant 0 : i32
          %dma_start3A_64 = arith.constant 0 : i32
          %dma_start3A_65 = tpu.memref_slice %arg11[%dma_start3A_63, %dma_start3A_64] : memref<10000x128xf32, #tpu.memory_space<vmem_shared>> -> memref<10000x128xf32, #tpu.memory_space<vmem_shared>>
          tpu.enqueue_indirect_dma source(%dma_start3A_65 : memref<10000x128xf32, #tpu.memory_space<vmem_shared>>) target(%arg9 : memref<128x128xf32, #tpu.memory_space<vmem>>) offsets(%dma_start3A_62 : memref<128xi32, #tpu.memory_space<vmem>>) semaphore(%arg12 : memref<!tpu.dma_semaphore, #tpu.memory_space<semaphore_mem>>)
          %ge3A_66 = arith.constant 1 : i32
          %ge3A_67 = arith.cmpi sge, %mul3A_49, %ge3A_66 : i32
          %convert_element_type3A_68 = arith.extui %ge3A_67 : i1 to i32
          %cond3A_69 = arith.constant 0 : i32
          %cond3A_70 = arith.cmpi ne, %convert_element_type3A_68, %cond3A_69 : i32
          scf.if %cond3A_70 {
            %mul3A_76 = arith.constant 80 : i32
            %mul3A_77 = arith.muli %arg1, %mul3A_76 : i32
            %add3A_78 = arith.addi %mul3A_77, %mul3A_49 : i32
            %sub3A_79 = arith.constant 1 : i32
            %sub3A_80 = arith.subi %add3A_78, %sub3A_79 : i32
            %mul3A_81 = arith.constant 128 : i32
            %mul3A_82 = arith.muli %sub3A_80, %mul3A_81 : i32
            "tpu.region"() ({
              %run_scoped3A = tpu.sem_alloc : memref<!tpu.dma_semaphore, #tpu.memory_space<semaphore_mem>>
              %dma_start3A_83 = arith.constant 0 : i32
              %dma_start3A_84 = tpu.memref_slice %arg7[%mul3A_82, %dma_start3A_83] : memref<160000x128xf32, #tpu.memory_space<hbm>> -> memref<128x128xf32, #tpu.memory_space<hbm>>
              %dma_start3A_85 = arith.constant 0 : i32
              %dma_start3A_86 = tpu.memref_slice %arg7[%mul3A_82, %dma_start3A_85] : memref<160000x128xf32, #tpu.memory_space<hbm>> -> memref<128x128xf32, #tpu.memory_space<hbm>>
              tpu.enqueue_dma source(%arg10 : memref<128x128xf32, #tpu.memory_space<vmem>>) target(%dma_start3A_86 : memref<128x128xf32, #tpu.memory_space<hbm>>) target_semaphore(%run_scoped3A : memref<!tpu.dma_semaphore, #tpu.memory_space<semaphore_mem>>)
              %dma_wait3A_87 = arith.constant 0 : i32
              %dma_wait3A_88 = tpu.memref_slice %arg7[%mul3A_82, %dma_wait3A_87] : memref<160000x128xf32, #tpu.memory_space<hbm>> -> memref<128x128xf32, #tpu.memory_space<hbm>>
              %dma_wait3A_89 = arith.constant 0 : i32
              %dma_wait3A_90 = tpu.memref_slice %arg7[%mul3A_82, %dma_wait3A_89] : memref<160000x128xf32, #tpu.memory_space<hbm>> -> memref<128x128xf32, #tpu.memory_space<hbm>>
              tpu.wait_dma2 semaphore(%run_scoped3A : memref<!tpu.dma_semaphore, #tpu.memory_space<semaphore_mem>>) src(%arg10 : memref<128x128xf32, #tpu.memory_space<vmem>>) dst(%dma_wait3A_90 : memref<128x128xf32, #tpu.memory_space<hbm>>)
              tpu.yield
            }) : () -> ()
          } else {
          }
          %dma_wait3A = arith.constant 0 : i32
          %dma_wait3A_71 = tpu.memref_slice %arg8[%mul3A_49, %dma_wait3A] : memref<80x128xi32, #tpu.memory_space<vmem>> -> memref<1x128xi32, #tpu.memory_space<vmem>>
          %dma_wait3A_72 = tpu.memref_squeeze %dma_wait3A_71 : memref<1x128xi32, #tpu.memory_space<vmem>> -> memref<128xi32, #tpu.memory_space<vmem>>
          %dma_wait3A_73 = arith.constant 0 : i32
          %dma_wait3A_74 = arith.constant 0 : i32
          %dma_wait3A_75 = tpu.memref_slice %arg11[%dma_wait3A_73, %dma_wait3A_74] : memref<10000x128xf32, #tpu.memory_space<vmem_shared>> -> memref<10000x128xf32, #tpu.memory_space<vmem_shared>>
          tpu.wait_indirect_dma semaphore(%arg12 : memref<!tpu.dma_semaphore, #tpu.memory_space<semaphore_mem>>) src(%dma_wait3A_75 : memref<10000x128xf32, #tpu.memory_space<vmem_shared>>) dst(%arg9 : memref<128x128xf32, #tpu.memory_space<vmem>>)
        } else {
        }
        %mul3A_54 = arith.constant 2 : i32
        %mul3A_55 = arith.muli %mul3A_54, %scan3A_47 : i32
        %add3A = arith.constant 1 : i32
        %add3A_56 = arith.addi %mul3A_55, %add3A : i32
        %lt3A_57 = arith.cmpi slt, %add3A_56, %min3A : i32
        %convert_element_type3A_58 = arith.extui %lt3A_57 : i1 to i32
        %cond3A_59 = arith.constant 0 : i32
        %cond3A_60 = arith.cmpi ne, %convert_element_type3A_58, %cond3A_59 : i32
        scf.if %cond3A_60 {
          %dma_start3A = arith.constant 0 : i32
          %dma_start3A_61 = tpu.memref_slice %arg8[%add3A_56, %dma_start3A] : memref<80x128xi32, #tpu.memory_space<vmem>> -> memref<1x128xi32, #tpu.memory_space<vmem>>
          %dma_start3A_62 = tpu.memref_squeeze %dma_start3A_61 : memref<1x128xi32, #tpu.memory_space<vmem>> -> memref<128xi32, #tpu.memory_space<vmem>>
          %dma_start3A_63 = arith.constant 0 : i32
          %dma_start3A_64 = arith.constant 0 : i32
          %dma_start3A_65 = tpu.memref_slice %arg11[%dma_start3A_63, %dma_start3A_64] : memref<10000x128xf32, #tpu.memory_space<vmem_shared>> -> memref<10000x128xf32, #tpu.memory_space<vmem_shared>>
          tpu.enqueue_indirect_dma source(%dma_start3A_65 : memref<10000x128xf32, #tpu.memory_space<vmem_shared>>) target(%arg10 : memref<128x128xf32, #tpu.memory_space<vmem>>) offsets(%dma_start3A_62 : memref<128xi32, #tpu.memory_space<vmem>>) semaphore(%arg12 : memref<!tpu.dma_semaphore, #tpu.memory_space<semaphore_mem>>)
          %ge3A_66 = arith.constant 1 : i32
          %ge3A_67 = arith.cmpi sge, %add3A_56, %ge3A_66 : i32
          %convert_element_type3A_68 = arith.extui %ge3A_67 : i1 to i32
          %cond3A_69 = arith.constant 0 : i32
          %cond3A_70 = arith.cmpi ne, %convert_element_type3A_68, %cond3A_69 : i32
          scf.if %cond3A_70 {
            %mul3A_76 = arith.constant 80 : i32
            %mul3A_77 = arith.muli %arg1, %mul3A_76 : i32
            %add3A_78 = arith.addi %mul3A_77, %add3A_56 : i32
            %sub3A_79 = arith.constant 1 : i32
            %sub3A_80 = arith.subi %add3A_78, %sub3A_79 : i32
            %mul3A_81 = arith.constant 128 : i32
            %mul3A_82 = arith.muli %sub3A_80, %mul3A_81 : i32
            "tpu.region"() ({
              %run_scoped3A = tpu.sem_alloc : memref<!tpu.dma_semaphore, #tpu.memory_space<semaphore_mem>>
              %dma_start3A_83 = arith.constant 0 : i32
              %dma_start3A_84 = tpu.memref_slice %arg7[%mul3A_82, %dma_start3A_83] : memref<160000x128xf32, #tpu.memory_space<hbm>> -> memref<128x128xf32, #tpu.memory_space<hbm>>
              %dma_start3A_85 = arith.constant 0 : i32
              %dma_start3A_86 = tpu.memref_slice %arg7[%mul3A_82, %dma_start3A_85] : memref<160000x128xf32, #tpu.memory_space<hbm>> -> memref<128x128xf32, #tpu.memory_space<hbm>>
              tpu.enqueue_dma source(%arg9 : memref<128x128xf32, #tpu.memory_space<vmem>>) target(%dma_start3A_86 : memref<128x128xf32, #tpu.memory_space<hbm>>) target_semaphore(%run_scoped3A : memref<!tpu.dma_semaphore, #tpu.memory_space<semaphore_mem>>)
              %dma_wait3A_87 = arith.constant 0 : i32
              %dma_wait3A_88 = tpu.memref_slice %arg7[%mul3A_82, %dma_wait3A_87] : memref<160000x128xf32, #tpu.memory_space<hbm>> -> memref<128x128xf32, #tpu.memory_space<hbm>>
              %dma_wait3A_89 = arith.constant 0 : i32
              %dma_wait3A_90 = tpu.memref_slice %arg7[%mul3A_82, %dma_wait3A_89] : memref<160000x128xf32, #tpu.memory_space<hbm>> -> memref<128x128xf32, #tpu.memory_space<hbm>>
              tpu.wait_dma2 semaphore(%run_scoped3A : memref<!tpu.dma_semaphore, #tpu.memory_space<semaphore_mem>>) src(%arg9 : memref<128x128xf32, #tpu.memory_space<vmem>>) dst(%dma_wait3A_90 : memref<128x128xf32, #tpu.memory_space<hbm>>)
              tpu.yield
            }) : () -> ()
          } else {
          }
          %dma_wait3A = arith.constant 0 : i32
          %dma_wait3A_71 = tpu.memref_slice %arg8[%add3A_56, %dma_wait3A] : memref<80x128xi32, #tpu.memory_space<vmem>> -> memref<1x128xi32, #tpu.memory_space<vmem>>
          %dma_wait3A_72 = tpu.memref_squeeze %dma_wait3A_71 : memref<1x128xi32, #tpu.memory_space<vmem>> -> memref<128xi32, #tpu.memory_space<vmem>>
          %dma_wait3A_73 = arith.constant 0 : i32
          %dma_wait3A_74 = arith.constant 0 : i32
          %dma_wait3A_75 = tpu.memref_slice %arg11[%dma_wait3A_73, %dma_wait3A_74] : memref<10000x128xf32, #tpu.memory_space<vmem_shared>> -> memref<10000x128xf32, #tpu.memory_space<vmem_shared>>
          tpu.wait_indirect_dma semaphore(%arg12 : memref<!tpu.dma_semaphore, #tpu.memory_space<semaphore_mem>>) src(%dma_wait3A_75 : memref<10000x128xf32, #tpu.memory_space<vmem_shared>>) dst(%arg10 : memref<128x128xf32, #tpu.memory_space<vmem>>)
        } else {
        }
      }
      %scan3A_25 = arith.constant 40 : i32
      %ge3A = arith.constant 1 : i32
      %ge3A_26 = arith.cmpi sge, %min3A, %ge3A : i32
      %sub3A_27 = arith.constant 1 : i32
      %sub3A_28 = arith.subi %min3A, %sub3A_27 : i32
      %rem3A = arith.constant 2 : i32
      %rem3A_29 = arith.remsi %sub3A_28, %rem3A : i32
      %eq3A_30 = arith.constant 0 : i32
      %eq3A_31 = arith.cmpi eq, %rem3A_29, %eq3A_30 : i32
      %and3A = arith.andi %ge3A_26, %eq3A_31 : i1
      %convert_element_type3A_32 = arith.extui %and3A : i1 to i32
      %cond3A_33 = arith.constant 0 : i32
      %cond3A_34 = arith.cmpi ne, %convert_element_type3A_32, %cond3A_33 : i32
      scf.if %cond3A_34 {
        %mul3A_47 = arith.constant 80 : i32
        %mul3A_48 = arith.muli %arg1, %mul3A_47 : i32
        %add3A = arith.addi %mul3A_48, %min3A : i32
        %sub3A_49 = arith.constant 1 : i32
        %sub3A_50 = arith.subi %add3A, %sub3A_49 : i32
        %mul3A_51 = arith.constant 128 : i32
        %mul3A_52 = arith.muli %sub3A_50, %mul3A_51 : i32
        "tpu.region"() ({
          %run_scoped3A = tpu.sem_alloc : memref<!tpu.dma_semaphore, #tpu.memory_space<semaphore_mem>>
          %dma_start3A = arith.constant 0 : i32
          %dma_start3A_53 = tpu.memref_slice %arg7[%mul3A_52, %dma_start3A] : memref<160000x128xf32, #tpu.memory_space<hbm>> -> memref<128x128xf32, #tpu.memory_space<hbm>>
          %dma_start3A_54 = arith.constant 0 : i32
          %dma_start3A_55 = tpu.memref_slice %arg7[%mul3A_52, %dma_start3A_54] : memref<160000x128xf32, #tpu.memory_space<hbm>> -> memref<128x128xf32, #tpu.memory_space<hbm>>
          tpu.enqueue_dma source(%arg9 : memref<128x128xf32, #tpu.memory_space<vmem>>) target(%dma_start3A_55 : memref<128x128xf32, #tpu.memory_space<hbm>>) target_semaphore(%run_scoped3A : memref<!tpu.dma_semaphore, #tpu.memory_space<semaphore_mem>>)
          %dma_wait3A = arith.constant 0 : i32
          %dma_wait3A_56 = tpu.memref_slice %arg7[%mul3A_52, %dma_wait3A] : memref<160000x128xf32, #tpu.memory_space<hbm>> -> memref<128x128xf32, #tpu.memory_space<hbm>>
          %dma_wait3A_57 = arith.constant 0 : i32
          %dma_wait3A_58 = tpu.memref_slice %arg7[%mul3A_52, %dma_wait3A_57] : memref<160000x128xf32, #tpu.memory_space<hbm>> -> memref<128x128xf32, #tpu.memory_space<hbm>>
          tpu.wait_dma2 semaphore(%run_scoped3A : memref<!tpu.dma_semaphore, #tpu.memory_space<semaphore_mem>>) src(%arg9 : memref<128x128xf32, #tpu.memory_space<vmem>>) dst(%dma_wait3A_58 : memref<128x128xf32, #tpu.memory_space<hbm>>)
          tpu.yield
        }) : () -> ()
      } else {
      }
      %ge3A_35 = arith.constant 1 : i32
      %ge3A_36 = arith.cmpi sge, %min3A, %ge3A_35 : i32
      %sub3A_37 = arith.constant 1 : i32
      %sub3A_38 = arith.subi %min3A, %sub3A_37 : i32
      %rem3A_39 = arith.constant 2 : i32
      %rem3A_40 = arith.remsi %sub3A_38, %rem3A_39 : i32
      %eq3A_41 = arith.constant 1 : i32
      %eq3A_42 = arith.cmpi eq, %rem3A_40, %eq3A_41 : i32
      %and3A_43 = arith.andi %ge3A_36, %eq3A_42 : i1
      %convert_element_type3A_44 = arith.extui %and3A_43 : i1 to i32
      %cond3A_45 = arith.constant 0 : i32
      %cond3A_46 = arith.cmpi ne, %convert_element_type3A_44, %cond3A_45 : i32
      scf.if %cond3A_46 {
        %mul3A_47 = arith.constant 80 : i32
        %mul3A_48 = arith.muli %arg1, %mul3A_47 : i32
        %add3A = arith.addi %mul3A_48, %min3A : i32
        %sub3A_49 = arith.constant 1 : i32
        %sub3A_50 = arith.subi %add3A, %sub3A_49 : i32
        %mul3A_51 = arith.constant 128 : i32
        %mul3A_52 = arith.muli %sub3A_50, %mul3A_51 : i32
        "tpu.region"() ({
          %run_scoped3A = tpu.sem_alloc : memref<!tpu.dma_semaphore, #tpu.memory_space<semaphore_mem>>
          %dma_start3A = arith.constant 0 : i32
          %dma_start3A_53 = tpu.memref_slice %arg7[%mul3A_52, %dma_start3A] : memref<160000x128xf32, #tpu.memory_space<hbm>> -> memref<128x128xf32, #tpu.memory_space<hbm>>
          %dma_start3A_54 = arith.constant 0 : i32
          %dma_start3A_55 = tpu.memref_slice %arg7[%mul3A_52, %dma_start3A_54] : memref<160000x128xf32, #tpu.memory_space<hbm>> -> memref<128x128xf32, #tpu.memory_space<hbm>>
          tpu.enqueue_dma source(%arg10 : memref<128x128xf32, #tpu.memory_space<vmem>>) target(%dma_start3A_55 : memref<128x128xf32, #tpu.memory_space<hbm>>) target_semaphore(%run_scoped3A : memref<!tpu.dma_semaphore, #tpu.memory_space<semaphore_mem>>)
          %dma_wait3A = arith.constant 0 : i32
          %dma_wait3A_56 = tpu.memref_slice %arg7[%mul3A_52, %dma_wait3A] : memref<160000x128xf32, #tpu.memory_space<hbm>> -> memref<128x128xf32, #tpu.memory_space<hbm>>
          %dma_wait3A_57 = arith.constant 0 : i32
          %dma_wait3A_58 = tpu.memref_slice %arg7[%mul3A_52, %dma_wait3A_57] : memref<160000x128xf32, #tpu.memory_space<hbm>> -> memref<128x128xf32, #tpu.memory_space<hbm>>
          tpu.wait_dma2 semaphore(%run_scoped3A : memref<!tpu.dma_semaphore, #tpu.memory_space<semaphore_mem>>) src(%arg10 : memref<128x128xf32, #tpu.memory_space<vmem>>) dst(%dma_wait3A_58 : memref<128x128xf32, #tpu.memory_space<hbm>>)
          tpu.yield
        }) : () -> ()
      } else {
      }
    } else {
    }
    return
  }
}

#map = affine_map<(d0, d1) -> (0, 0)>
module attributes {stable_mosaic.version = 14 : i64} {
  func.func @scatter_k(%arg0: i32, %arg1: i32, %arg2: memref<160000x128xf32, #tpu.memory_space<hbm>>, %arg3: memref<1280x128xi32, #tpu.memory_space<hbm>>, %arg4: memref<1280x128xi32, #tpu.memory_space<hbm>>, %arg5: memref<10000x128xf32, #tpu.memory_space<hbm>>, %arg6: memref<20000x128xf32, #tpu.memory_space<hbm>>, %arg7: memref<40x128xi32, #tpu.memory_space<vmem>>, %arg8: memref<40x128xi32, #tpu.memory_space<vmem>>, %arg9: memref<128x128xf32, #tpu.memory_space<vmem>>, %arg10: memref<128x128xf32, #tpu.memory_space<vmem>>, %arg11: memref<10000x128xf32, #tpu.memory_space<vmem_shared>>, %arg12: memref<!tpu.dma_semaphore, #tpu.memory_space<semaphore_mem>>, %arg13: memref<!tpu.dma_semaphore, #tpu.memory_space<semaphore_mem>>, %arg14: memref<!tpu.dma_semaphore, #tpu.memory_space<semaphore_mem>>) attributes {dimension_semantics = [#tpu.dimension_semantics<core_parallel>, #tpu.dimension_semantics<subcore_parallel>], iteration_bounds = array<i64: 2, 16>, scalar_prefetch = 0 : i64, scratch_operands = 8 : i64, tpu.core_type = #tpu.core_type<sc_vector_subcore>, window_params = [{transform_indices = #map}, {transform_indices = #map}, {transform_indices = #map}, {transform_indices = #map}, {transform_indices = #map}]} {
    %mul3A = arith.constant 2 : i32
    %mul3A_0 = arith.muli %arg1, %mul3A : i32
    %add3A = arith.addi %mul3A_0, %arg0 : i32
    %lt3A = arith.constant 15 : i32
    %lt3A_1 = arith.cmpi slt, %arg1, %lt3A : i32
    %convert_element_type3A = arith.extui %lt3A_1 : i1 to i32
    %cond3A = arith.constant 0 : i32
    %cond3A_2 = arith.cmpi ne, %convert_element_type3A, %cond3A : i32
    scf.if %cond3A_2 {
      %mul3A_35 = arith.constant 632 : i32
      %mul3A_36 = arith.muli %arg1, %mul3A_35 : i32
      %mul3A_37 = arith.constant 632 : i32
      %mul3A_38 = arith.muli %arg1, %mul3A_37 : i32
      "tpu.region"() ({
        %run_scoped3A = tpu.sem_alloc : memref<!tpu.dma_semaphore, #tpu.memory_space<semaphore_mem>>
        %dma_start3A = arith.constant 0 : i32
        %dma_start3A_39 = tpu.memref_slice %arg11[%mul3A_38, %dma_start3A] : memref<10000x128xf32, #tpu.memory_space<vmem_shared>> -> memref<632x128xf32, #tpu.memory_space<vmem_shared>>
        %dma_start3A_40 = arith.constant 0 : i32
        %dma_start3A_41 = tpu.memref_slice %arg5[%mul3A_36, %dma_start3A_40] : memref<10000x128xf32, #tpu.memory_space<hbm>> -> memref<632x128xf32, #tpu.memory_space<hbm>>
        tpu.enqueue_dma source(%dma_start3A_41 : memref<632x128xf32, #tpu.memory_space<hbm>>) target(%dma_start3A_39 : memref<632x128xf32, #tpu.memory_space<vmem_shared>>) target_semaphore(%run_scoped3A : memref<!tpu.dma_semaphore, #tpu.memory_space<semaphore_mem>>)
        %dma_wait3A = arith.constant 0 : i32
        %dma_wait3A_42 = tpu.memref_slice %arg11[%mul3A_38, %dma_wait3A] : memref<10000x128xf32, #tpu.memory_space<vmem_shared>> -> memref<632x128xf32, #tpu.memory_space<vmem_shared>>
        %dma_wait3A_43 = arith.constant 0 : i32
        %dma_wait3A_44 = tpu.memref_slice %arg5[%mul3A_36, %dma_wait3A_43] : memref<10000x128xf32, #tpu.memory_space<hbm>> -> memref<632x128xf32, #tpu.memory_space<hbm>>
        tpu.wait_dma2 semaphore(%run_scoped3A : memref<!tpu.dma_semaphore, #tpu.memory_space<semaphore_mem>>) src(%dma_wait3A_44 : memref<632x128xf32, #tpu.memory_space<hbm>>) dst(%dma_wait3A_42 : memref<632x128xf32, #tpu.memory_space<vmem_shared>>)
        tpu.yield
      }) : () -> ()
    } else {
    }
    %eq3A = arith.constant 15 : i32
    %eq3A_3 = arith.cmpi eq, %arg1, %eq3A : i32
    %convert_element_type3A_4 = arith.extui %eq3A_3 : i1 to i32
    %cond3A_5 = arith.constant 0 : i32
    %cond3A_6 = arith.cmpi ne, %convert_element_type3A_4, %cond3A_5 : i32
    scf.if %cond3A_6 {
      %mul3A_35 = arith.constant 632 : i32
      %mul3A_36 = arith.muli %arg1, %mul3A_35 : i32
      %mul3A_37 = arith.constant 632 : i32
      %mul3A_38 = arith.muli %arg1, %mul3A_37 : i32
      "tpu.region"() ({
        %run_scoped3A = tpu.sem_alloc : memref<!tpu.dma_semaphore, #tpu.memory_space<semaphore_mem>>
        %dma_start3A = arith.constant 0 : i32
        %dma_start3A_39 = tpu.memref_slice %arg11[%mul3A_38, %dma_start3A] : memref<10000x128xf32, #tpu.memory_space<vmem_shared>> -> memref<520x128xf32, #tpu.memory_space<vmem_shared>>
        %dma_start3A_40 = arith.constant 0 : i32
        %dma_start3A_41 = tpu.memref_slice %arg5[%mul3A_36, %dma_start3A_40] : memref<10000x128xf32, #tpu.memory_space<hbm>> -> memref<520x128xf32, #tpu.memory_space<hbm>>
        tpu.enqueue_dma source(%dma_start3A_41 : memref<520x128xf32, #tpu.memory_space<hbm>>) target(%dma_start3A_39 : memref<520x128xf32, #tpu.memory_space<vmem_shared>>) target_semaphore(%run_scoped3A : memref<!tpu.dma_semaphore, #tpu.memory_space<semaphore_mem>>)
        %dma_wait3A = arith.constant 0 : i32
        %dma_wait3A_42 = tpu.memref_slice %arg11[%mul3A_38, %dma_wait3A] : memref<10000x128xf32, #tpu.memory_space<vmem_shared>> -> memref<520x128xf32, #tpu.memory_space<vmem_shared>>
        %dma_wait3A_43 = arith.constant 0 : i32
        %dma_wait3A_44 = tpu.memref_slice %arg5[%mul3A_36, %dma_wait3A_43] : memref<10000x128xf32, #tpu.memory_space<hbm>> -> memref<520x128xf32, #tpu.memory_space<hbm>>
        tpu.wait_dma2 semaphore(%run_scoped3A : memref<!tpu.dma_semaphore, #tpu.memory_space<semaphore_mem>>) src(%dma_wait3A_44 : memref<520x128xf32, #tpu.memory_space<hbm>>) dst(%dma_wait3A_42 : memref<520x128xf32, #tpu.memory_space<vmem_shared>>)
        tpu.yield
      }) : () -> ()
    } else {
    }
    %barrier3A = arith.constant 0 : index
    tpu.barrier barrier_id(%barrier3A)
    %mul3A_7 = arith.constant 40 : i32
    %mul3A_8 = arith.muli %add3A, %mul3A_7 : i32
    %sub3A = arith.constant 1250 : i32
    %sub3A_9 = arith.subi %sub3A, %mul3A_8 : i32
    %jit3A = arith.constant 0 : i32
    %jit3A_10 = arith.constant 40 : i32
    %max3A = arith.maxsi %jit3A, %sub3A_9 : i32
    %min3A = arith.minsi %jit3A_10, %max3A : i32
    %mul3A_11 = arith.constant 40 : i32
    %mul3A_12 = arith.muli %add3A, %mul3A_11 : i32
    "tpu.region"() ({
      %run_scoped3A = tpu.sem_alloc : memref<!tpu.dma_semaphore, #tpu.memory_space<semaphore_mem>>
      %dma_start3A = arith.constant 0 : i32
      %dma_start3A_35 = tpu.memref_slice %arg3[%mul3A_12, %dma_start3A] : memref<1280x128xi32, #tpu.memory_space<hbm>> -> memref<40x128xi32, #tpu.memory_space<hbm>>
      %dma_start3A_36 = arith.constant 0 : i32
      %dma_start3A_37 = tpu.memref_slice %arg3[%mul3A_12, %dma_start3A_36] : memref<1280x128xi32, #tpu.memory_space<hbm>> -> memref<40x128xi32, #tpu.memory_space<hbm>>
      tpu.enqueue_dma source(%dma_start3A_37 : memref<40x128xi32, #tpu.memory_space<hbm>>) target(%arg7 : memref<40x128xi32, #tpu.memory_space<vmem>>) target_semaphore(%run_scoped3A : memref<!tpu.dma_semaphore, #tpu.memory_space<semaphore_mem>>)
      %dma_wait3A = arith.constant 0 : i32
      %dma_wait3A_38 = tpu.memref_slice %arg3[%mul3A_12, %dma_wait3A] : memref<1280x128xi32, #tpu.memory_space<hbm>> -> memref<40x128xi32, #tpu.memory_space<hbm>>
      %dma_wait3A_39 = arith.constant 0 : i32
      %dma_wait3A_40 = tpu.memref_slice %arg3[%mul3A_12, %dma_wait3A_39] : memref<1280x128xi32, #tpu.memory_space<hbm>> -> memref<40x128xi32, #tpu.memory_space<hbm>>
      tpu.wait_dma2 semaphore(%run_scoped3A : memref<!tpu.dma_semaphore, #tpu.memory_space<semaphore_mem>>) src(%dma_wait3A_40 : memref<40x128xi32, #tpu.memory_space<hbm>>) dst(%arg7 : memref<40x128xi32, #tpu.memory_space<vmem>>)
      tpu.yield
    }) : () -> ()
    %mul3A_13 = arith.constant 40 : i32
    %mul3A_14 = arith.muli %add3A, %mul3A_13 : i32
    "tpu.region"() ({
      %run_scoped3A = tpu.sem_alloc : memref<!tpu.dma_semaphore, #tpu.memory_space<semaphore_mem>>
      %dma_start3A = arith.constant 0 : i32
      %dma_start3A_35 = tpu.memref_slice %arg4[%mul3A_14, %dma_start3A] : memref<1280x128xi32, #tpu.memory_space<hbm>> -> memref<40x128xi32, #tpu.memory_space<hbm>>
      %dma_start3A_36 = arith.constant 0 : i32
      %dma_start3A_37 = tpu.memref_slice %arg4[%mul3A_14, %dma_start3A_36] : memref<1280x128xi32, #tpu.memory_space<hbm>> -> memref<40x128xi32, #tpu.memory_space<hbm>>
      tpu.enqueue_dma source(%dma_start3A_37 : memref<40x128xi32, #tpu.memory_space<hbm>>) target(%arg8 : memref<40x128xi32, #tpu.memory_space<vmem>>) target_semaphore(%run_scoped3A : memref<!tpu.dma_semaphore, #tpu.memory_space<semaphore_mem>>)
      %dma_wait3A = arith.constant 0 : i32
      %dma_wait3A_38 = tpu.memref_slice %arg4[%mul3A_14, %dma_wait3A] : memref<1280x128xi32, #tpu.memory_space<hbm>> -> memref<40x128xi32, #tpu.memory_space<hbm>>
      %dma_wait3A_39 = arith.constant 0 : i32
      %dma_wait3A_40 = tpu.memref_slice %arg4[%mul3A_14, %dma_wait3A_39] : memref<1280x128xi32, #tpu.memory_space<hbm>> -> memref<40x128xi32, #tpu.memory_space<hbm>>
      tpu.wait_dma2 semaphore(%run_scoped3A : memref<!tpu.dma_semaphore, #tpu.memory_space<semaphore_mem>>) src(%dma_wait3A_40 : memref<40x128xi32, #tpu.memory_space<hbm>>) dst(%arg8 : memref<40x128xi32, #tpu.memory_space<vmem>>)
      tpu.yield
    }) : () -> ()
    %ge3A = arith.constant 1 : i32
    %ge3A_15 = arith.cmpi sge, %min3A, %ge3A : i32
    %convert_element_type3A_16 = arith.extui %ge3A_15 : i1 to i32
    %cond3A_17 = arith.constant 0 : i32
    %cond3A_18 = arith.cmpi ne, %convert_element_type3A_16, %cond3A_17 : i32
    scf.if %cond3A_18 {
      %mul3A_35 = arith.constant 40 : i32
      %mul3A_36 = arith.muli %add3A, %mul3A_35 : i32
      %add3A_37 = arith.constant 0 : i32
      %add3A_38 = arith.addi %mul3A_36, %add3A_37 : i32
      %mul3A_39 = arith.constant 128 : i32
      %mul3A_40 = arith.muli %add3A_38, %mul3A_39 : i32
      %dma_start3A = arith.constant 0 : i32
      %dma_start3A_41 = tpu.memref_slice %arg2[%mul3A_40, %dma_start3A] : memref<160000x128xf32, #tpu.memory_space<hbm>> -> memref<128x128xf32, #tpu.memory_space<hbm>>
      %dma_start3A_42 = arith.constant 0 : i32
      %dma_start3A_43 = tpu.memref_slice %arg2[%mul3A_40, %dma_start3A_42] : memref<160000x128xf32, #tpu.memory_space<hbm>> -> memref<128x128xf32, #tpu.memory_space<hbm>>
      tpu.enqueue_dma source(%dma_start3A_43 : memref<128x128xf32, #tpu.memory_space<hbm>>) target(%arg9 : memref<128x128xf32, #tpu.memory_space<vmem>>) target_semaphore(%arg12 : memref<!tpu.dma_semaphore, #tpu.memory_space<semaphore_mem>>)
    } else {
    }
    %scan3A = arith.constant 0 : i32
    %scan3A_19 = arith.constant 0 : i32
    %scan3A_20 = arith.constant 20 : i32
    %scan3A_21 = arith.addi %scan3A_19, %scan3A_20 : i32
    %scan3A_22 = arith.constant 1 : i32
    scf.for %scan3A_35 = %scan3A_19 to %scan3A_21 step %scan3A_22  : i32 {
      %mul3A_36 = arith.constant 2 : i32
      %mul3A_37 = arith.muli %mul3A_36, %scan3A_35 : i32
      %lt3A_38 = arith.cmpi slt, %mul3A_37, %min3A : i32
      %convert_element_type3A_39 = arith.extui %lt3A_38 : i1 to i32
      %cond3A_40 = arith.constant 0 : i32
      %cond3A_41 = arith.cmpi ne, %convert_element_type3A_39, %cond3A_40 : i32
      scf.if %cond3A_41 {
        %dma_wait3A = arith.constant 0 : i32
        %dma_wait3A_50 = arith.constant 0 : i32
        %dma_wait3A_51 = tpu.memref_slice %arg2[%dma_wait3A, %dma_wait3A_50] : memref<160000x128xf32, #tpu.memory_space<hbm>> -> memref<128x128xf32, #tpu.memory_space<hbm>>
        %dma_wait3A_52 = arith.constant 0 : i32
        %dma_wait3A_53 = arith.constant 0 : i32
        %dma_wait3A_54 = tpu.memref_slice %arg2[%dma_wait3A_52, %dma_wait3A_53] : memref<160000x128xf32, #tpu.memory_space<hbm>> -> memref<128x128xf32, #tpu.memory_space<hbm>>
        tpu.wait_dma2 semaphore(%arg12 : memref<!tpu.dma_semaphore, #tpu.memory_space<semaphore_mem>>) src(%dma_wait3A_54 : memref<128x128xf32, #tpu.memory_space<hbm>>) dst(%arg9 : memref<128x128xf32, #tpu.memory_space<vmem>>)
        %add3A_55 = arith.constant 1 : i32
        %add3A_56 = arith.addi %mul3A_37, %add3A_55 : i32
        %lt3A_57 = arith.cmpi slt, %add3A_56, %min3A : i32
        %convert_element_type3A_58 = arith.extui %lt3A_57 : i1 to i32
        %cond3A_59 = arith.constant 0 : i32
        %cond3A_60 = arith.cmpi ne, %convert_element_type3A_58, %cond3A_59 : i32
        scf.if %cond3A_60 {
          %add3A_84 = arith.constant 1 : i32
          %add3A_85 = arith.addi %mul3A_37, %add3A_84 : i32
          %mul3A_86 = arith.constant 40 : i32
          %mul3A_87 = arith.muli %add3A, %mul3A_86 : i32
          %add3A_88 = arith.addi %mul3A_87, %add3A_85 : i32
          %mul3A_89 = arith.constant 128 : i32
          %mul3A_90 = arith.muli %add3A_88, %mul3A_89 : i32
          %dma_start3A_91 = arith.constant 0 : i32
          %dma_start3A_92 = tpu.memref_slice %arg2[%mul3A_90, %dma_start3A_91] : memref<160000x128xf32, #tpu.memory_space<hbm>> -> memref<128x128xf32, #tpu.memory_space<hbm>>
          %dma_start3A_93 = arith.constant 0 : i32
          %dma_start3A_94 = tpu.memref_slice %arg2[%mul3A_90, %dma_start3A_93] : memref<160000x128xf32, #tpu.memory_space<hbm>> -> memref<128x128xf32, #tpu.memory_space<hbm>>
          tpu.enqueue_dma source(%dma_start3A_94 : memref<128x128xf32, #tpu.memory_space<hbm>>) target(%arg10 : memref<128x128xf32, #tpu.memory_space<vmem>>) target_semaphore(%arg13 : memref<!tpu.dma_semaphore, #tpu.memory_space<semaphore_mem>>)
        } else {
        }
        %dma_start3A = arith.constant 0 : i32
        %dma_start3A_61 = tpu.memref_slice %arg7[%mul3A_37, %dma_start3A] : memref<40x128xi32, #tpu.memory_space<vmem>> -> memref<1x128xi32, #tpu.memory_space<vmem>>
        %dma_start3A_62 = tpu.memref_squeeze %dma_start3A_61 : memref<1x128xi32, #tpu.memory_space<vmem>> -> memref<128xi32, #tpu.memory_space<vmem>>
        %dma_start3A_63 = arith.constant 0 : i32
        %dma_start3A_64 = arith.constant 0 : i32
        %dma_start3A_65 = tpu.memref_slice %arg11[%dma_start3A_63, %dma_start3A_64] : memref<10000x128xf32, #tpu.memory_space<vmem_shared>> -> memref<10000x128xf32, #tpu.memory_space<vmem_shared>>
        tpu.enqueue_indirect_dma source(%arg9 : memref<128x128xf32, #tpu.memory_space<vmem>>) target(%dma_start3A_65 : memref<10000x128xf32, #tpu.memory_space<vmem_shared>>) offsets(%dma_start3A_62 : memref<128xi32, #tpu.memory_space<vmem>>) semaphore(%arg14 : memref<!tpu.dma_semaphore, #tpu.memory_space<semaphore_mem>>) {add = true}
        %dma_start3A_66 = arith.constant 0 : i32
        %dma_start3A_67 = tpu.memref_slice %arg8[%mul3A_37, %dma_start3A_66] : memref<40x128xi32, #tpu.memory_space<vmem>> -> memref<1x128xi32, #tpu.memory_space<vmem>>
        %dma_start3A_68 = tpu.memref_squeeze %dma_start3A_67 : memref<1x128xi32, #tpu.memory_space<vmem>> -> memref<128xi32, #tpu.memory_space<vmem>>
        %dma_start3A_69 = arith.constant 0 : i32
        %dma_start3A_70 = arith.constant 0 : i32
        %dma_start3A_71 = tpu.memref_slice %arg11[%dma_start3A_69, %dma_start3A_70] : memref<10000x128xf32, #tpu.memory_space<vmem_shared>> -> memref<10000x128xf32, #tpu.memory_space<vmem_shared>>
        tpu.enqueue_indirect_dma source(%arg9 : memref<128x128xf32, #tpu.memory_space<vmem>>) target(%dma_start3A_71 : memref<10000x128xf32, #tpu.memory_space<vmem_shared>>) offsets(%dma_start3A_68 : memref<128xi32, #tpu.memory_space<vmem>>) semaphore(%arg14 : memref<!tpu.dma_semaphore, #tpu.memory_space<semaphore_mem>>) {add = true}
        %dma_wait3A_72 = arith.constant 0 : i32
        %dma_wait3A_73 = tpu.memref_slice %arg7[%mul3A_37, %dma_wait3A_72] : memref<40x128xi32, #tpu.memory_space<vmem>> -> memref<1x128xi32, #tpu.memory_space<vmem>>
        %dma_wait3A_74 = tpu.memref_squeeze %dma_wait3A_73 : memref<1x128xi32, #tpu.memory_space<vmem>> -> memref<128xi32, #tpu.memory_space<vmem>>
        %dma_wait3A_75 = arith.constant 0 : i32
        %dma_wait3A_76 = arith.constant 0 : i32
        %dma_wait3A_77 = tpu.memref_slice %arg11[%dma_wait3A_75, %dma_wait3A_76] : memref<10000x128xf32, #tpu.memory_space<vmem_shared>> -> memref<10000x128xf32, #tpu.memory_space<vmem_shared>>
        tpu.wait_indirect_dma semaphore(%arg14 : memref<!tpu.dma_semaphore, #tpu.memory_space<semaphore_mem>>) src(%arg9 : memref<128x128xf32, #tpu.memory_space<vmem>>) dst(%dma_wait3A_77 : memref<10000x128xf32, #tpu.memory_space<vmem_shared>>)
        %dma_wait3A_78 = arith.constant 0 : i32
        %dma_wait3A_79 = tpu.memref_slice %arg8[%mul3A_37, %dma_wait3A_78] : memref<40x128xi32, #tpu.memory_space<vmem>> -> memref<1x128xi32, #tpu.memory_space<vmem>>
        %dma_wait3A_80 = tpu.memref_squeeze %dma_wait3A_79 : memref<1x128xi32, #tpu.memory_space<vmem>> -> memref<128xi32, #tpu.memory_space<vmem>>
        %dma_wait3A_81 = arith.constant 0 : i32
        %dma_wait3A_82 = arith.constant 0 : i32
        %dma_wait3A_83 = tpu.memref_slice %arg11[%dma_wait3A_81, %dma_wait3A_82] : memref<10000x128xf32, #tpu.memory_space<vmem_shared>> -> memref<10000x128xf32, #tpu.memory_space<vmem_shared>>
        tpu.wait_indirect_dma semaphore(%arg14 : memref<!tpu.dma_semaphore, #tpu.memory_space<semaphore_mem>>) src(%arg9 : memref<128x128xf32, #tpu.memory_space<vmem>>) dst(%dma_wait3A_83 : memref<10000x128xf32, #tpu.memory_space<vmem_shared>>)
      } else {
      }
      %mul3A_42 = arith.constant 2 : i32
      %mul3A_43 = arith.muli %mul3A_42, %scan3A_35 : i32
      %add3A_44 = arith.constant 1 : i32
      %add3A_45 = arith.addi %mul3A_43, %add3A_44 : i32
      %lt3A_46 = arith.cmpi slt, %add3A_45, %min3A : i32
      %convert_element_type3A_47 = arith.extui %lt3A_46 : i1 to i32
      %cond3A_48 = arith.constant 0 : i32
      %cond3A_49 = arith.cmpi ne, %convert_element_type3A_47, %cond3A_48 : i32
      scf.if %cond3A_49 {
        %dma_wait3A = arith.constant 0 : i32
        %dma_wait3A_50 = arith.constant 0 : i32
        %dma_wait3A_51 = tpu.memref_slice %arg2[%dma_wait3A, %dma_wait3A_50] : memref<160000x128xf32, #tpu.memory_space<hbm>> -> memref<128x128xf32, #tpu.memory_space<hbm>>
        %dma_wait3A_52 = arith.constant 0 : i32
        %dma_wait3A_53 = arith.constant 0 : i32
        %dma_wait3A_54 = tpu.memref_slice %arg2[%dma_wait3A_52, %dma_wait3A_53] : memref<160000x128xf32, #tpu.memory_space<hbm>> -> memref<128x128xf32, #tpu.memory_space<hbm>>
        tpu.wait_dma2 semaphore(%arg13 : memref<!tpu.dma_semaphore, #tpu.memory_space<semaphore_mem>>) src(%dma_wait3A_54 : memref<128x128xf32, #tpu.memory_space<hbm>>) dst(%arg10 : memref<128x128xf32, #tpu.memory_space<vmem>>)
        %add3A_55 = arith.constant 1 : i32
        %add3A_56 = arith.addi %add3A_45, %add3A_55 : i32
        %lt3A_57 = arith.cmpi slt, %add3A_56, %min3A : i32
        %convert_element_type3A_58 = arith.extui %lt3A_57 : i1 to i32
        %cond3A_59 = arith.constant 0 : i32
        %cond3A_60 = arith.cmpi ne, %convert_element_type3A_58, %cond3A_59 : i32
        scf.if %cond3A_60 {
          %add3A_84 = arith.constant 1 : i32
          %add3A_85 = arith.addi %add3A_45, %add3A_84 : i32
          %mul3A_86 = arith.constant 40 : i32
          %mul3A_87 = arith.muli %add3A, %mul3A_86 : i32
          %add3A_88 = arith.addi %mul3A_87, %add3A_85 : i32
          %mul3A_89 = arith.constant 128 : i32
          %mul3A_90 = arith.muli %add3A_88, %mul3A_89 : i32
          %dma_start3A_91 = arith.constant 0 : i32
          %dma_start3A_92 = tpu.memref_slice %arg2[%mul3A_90, %dma_start3A_91] : memref<160000x128xf32, #tpu.memory_space<hbm>> -> memref<128x128xf32, #tpu.memory_space<hbm>>
          %dma_start3A_93 = arith.constant 0 : i32
          %dma_start3A_94 = tpu.memref_slice %arg2[%mul3A_90, %dma_start3A_93] : memref<160000x128xf32, #tpu.memory_space<hbm>> -> memref<128x128xf32, #tpu.memory_space<hbm>>
          tpu.enqueue_dma source(%dma_start3A_94 : memref<128x128xf32, #tpu.memory_space<hbm>>) target(%arg9 : memref<128x128xf32, #tpu.memory_space<vmem>>) target_semaphore(%arg12 : memref<!tpu.dma_semaphore, #tpu.memory_space<semaphore_mem>>)
        } else {
        }
        %dma_start3A = arith.constant 0 : i32
        %dma_start3A_61 = tpu.memref_slice %arg7[%add3A_45, %dma_start3A] : memref<40x128xi32, #tpu.memory_space<vmem>> -> memref<1x128xi32, #tpu.memory_space<vmem>>
        %dma_start3A_62 = tpu.memref_squeeze %dma_start3A_61 : memref<1x128xi32, #tpu.memory_space<vmem>> -> memref<128xi32, #tpu.memory_space<vmem>>
        %dma_start3A_63 = arith.constant 0 : i32
        %dma_start3A_64 = arith.constant 0 : i32
        %dma_start3A_65 = tpu.memref_slice %arg11[%dma_start3A_63, %dma_start3A_64] : memref<10000x128xf32, #tpu.memory_space<vmem_shared>> -> memref<10000x128xf32, #tpu.memory_space<vmem_shared>>
        tpu.enqueue_indirect_dma source(%arg10 : memref<128x128xf32, #tpu.memory_space<vmem>>) target(%dma_start3A_65 : memref<10000x128xf32, #tpu.memory_space<vmem_shared>>) offsets(%dma_start3A_62 : memref<128xi32, #tpu.memory_space<vmem>>) semaphore(%arg14 : memref<!tpu.dma_semaphore, #tpu.memory_space<semaphore_mem>>) {add = true}
        %dma_start3A_66 = arith.constant 0 : i32
        %dma_start3A_67 = tpu.memref_slice %arg8[%add3A_45, %dma_start3A_66] : memref<40x128xi32, #tpu.memory_space<vmem>> -> memref<1x128xi32, #tpu.memory_space<vmem>>
        %dma_start3A_68 = tpu.memref_squeeze %dma_start3A_67 : memref<1x128xi32, #tpu.memory_space<vmem>> -> memref<128xi32, #tpu.memory_space<vmem>>
        %dma_start3A_69 = arith.constant 0 : i32
        %dma_start3A_70 = arith.constant 0 : i32
        %dma_start3A_71 = tpu.memref_slice %arg11[%dma_start3A_69, %dma_start3A_70] : memref<10000x128xf32, #tpu.memory_space<vmem_shared>> -> memref<10000x128xf32, #tpu.memory_space<vmem_shared>>
        tpu.enqueue_indirect_dma source(%arg10 : memref<128x128xf32, #tpu.memory_space<vmem>>) target(%dma_start3A_71 : memref<10000x128xf32, #tpu.memory_space<vmem_shared>>) offsets(%dma_start3A_68 : memref<128xi32, #tpu.memory_space<vmem>>) semaphore(%arg14 : memref<!tpu.dma_semaphore, #tpu.memory_space<semaphore_mem>>) {add = true}
        %dma_wait3A_72 = arith.constant 0 : i32
        %dma_wait3A_73 = tpu.memref_slice %arg7[%add3A_45, %dma_wait3A_72] : memref<40x128xi32, #tpu.memory_space<vmem>> -> memref<1x128xi32, #tpu.memory_space<vmem>>
        %dma_wait3A_74 = tpu.memref_squeeze %dma_wait3A_73 : memref<1x128xi32, #tpu.memory_space<vmem>> -> memref<128xi32, #tpu.memory_space<vmem>>
        %dma_wait3A_75 = arith.constant 0 : i32
        %dma_wait3A_76 = arith.constant 0 : i32
        %dma_wait3A_77 = tpu.memref_slice %arg11[%dma_wait3A_75, %dma_wait3A_76] : memref<10000x128xf32, #tpu.memory_space<vmem_shared>> -> memref<10000x128xf32, #tpu.memory_space<vmem_shared>>
        tpu.wait_indirect_dma semaphore(%arg14 : memref<!tpu.dma_semaphore, #tpu.memory_space<semaphore_mem>>) src(%arg10 : memref<128x128xf32, #tpu.memory_space<vmem>>) dst(%dma_wait3A_77 : memref<10000x128xf32, #tpu.memory_space<vmem_shared>>)
        %dma_wait3A_78 = arith.constant 0 : i32
        %dma_wait3A_79 = tpu.memref_slice %arg8[%add3A_45, %dma_wait3A_78] : memref<40x128xi32, #tpu.memory_space<vmem>> -> memref<1x128xi32, #tpu.memory_space<vmem>>
        %dma_wait3A_80 = tpu.memref_squeeze %dma_wait3A_79 : memref<1x128xi32, #tpu.memory_space<vmem>> -> memref<128xi32, #tpu.memory_space<vmem>>
        %dma_wait3A_81 = arith.constant 0 : i32
        %dma_wait3A_82 = arith.constant 0 : i32
        %dma_wait3A_83 = tpu.memref_slice %arg11[%dma_wait3A_81, %dma_wait3A_82] : memref<10000x128xf32, #tpu.memory_space<vmem_shared>> -> memref<10000x128xf32, #tpu.memory_space<vmem_shared>>
        tpu.wait_indirect_dma semaphore(%arg14 : memref<!tpu.dma_semaphore, #tpu.memory_space<semaphore_mem>>) src(%arg10 : memref<128x128xf32, #tpu.memory_space<vmem>>) dst(%dma_wait3A_83 : memref<10000x128xf32, #tpu.memory_space<vmem_shared>>)
      } else {
      }
    }
    %scan3A_23 = arith.constant 20 : i32
    %barrier3A_24 = arith.constant 0 : index
    tpu.barrier barrier_id(%barrier3A_24)
    %lt3A_25 = arith.constant 15 : i32
    %lt3A_26 = arith.cmpi slt, %arg1, %lt3A_25 : i32
    %convert_element_type3A_27 = arith.extui %lt3A_26 : i1 to i32
    %cond3A_28 = arith.constant 0 : i32
    %cond3A_29 = arith.cmpi ne, %convert_element_type3A_27, %cond3A_28 : i32
    scf.if %cond3A_29 {
      %mul3A_35 = arith.constant 632 : i32
      %mul3A_36 = arith.muli %arg1, %mul3A_35 : i32
      %mul3A_37 = arith.constant 10000 : i32
      %mul3A_38 = arith.muli %arg0, %mul3A_37 : i32
      %mul3A_39 = arith.constant 632 : i32
      %mul3A_40 = arith.muli %arg1, %mul3A_39 : i32
      %add3A_41 = arith.addi %mul3A_38, %mul3A_40 : i32
      "tpu.region"() ({
        %run_scoped3A = tpu.sem_alloc : memref<!tpu.dma_semaphore, #tpu.memory_space<semaphore_mem>>
        %dma_start3A = arith.constant 0 : i32
        %dma_start3A_42 = tpu.memref_slice %arg6[%add3A_41, %dma_start3A] : memref<20000x128xf32, #tpu.memory_space<hbm>> -> memref<632x128xf32, #tpu.memory_space<hbm>>
        %dma_start3A_43 = arith.constant 0 : i32
        %dma_start3A_44 = tpu.memref_slice %arg11[%mul3A_36, %dma_start3A_43] : memref<10000x128xf32, #tpu.memory_space<vmem_shared>> -> memref<632x128xf32, #tpu.memory_space<vmem_shared>>
        tpu.enqueue_dma source(%dma_start3A_44 : memref<632x128xf32, #tpu.memory_space<vmem_shared>>) target(%dma_start3A_42 : memref<632x128xf32, #tpu.memory_space<hbm>>) target_semaphore(%run_scoped3A : memref<!tpu.dma_semaphore, #tpu.memory_space<semaphore_mem>>)
        %dma_wait3A = arith.constant 0 : i32
        %dma_wait3A_45 = tpu.memref_slice %arg6[%add3A_41, %dma_wait3A] : memref<20000x128xf32, #tpu.memory_space<hbm>> -> memref<632x128xf32, #tpu.memory_space<hbm>>
        %dma_wait3A_46 = arith.constant 0 : i32
        %dma_wait3A_47 = tpu.memref_slice %arg11[%mul3A_36, %dma_wait3A_46] : memref<10000x128xf32, #tpu.memory_space<vmem_shared>> -> memref<632x128xf32, #tpu.memory_space<vmem_shared>>
        tpu.wait_dma2 semaphore(%run_scoped3A : memref<!tpu.dma_semaphore, #tpu.memory_space<semaphore_mem>>) src(%dma_wait3A_47 : memref<632x128xf32, #tpu.memory_space<vmem_shared>>) dst(%dma_wait3A_45 : memref<632x128xf32, #tpu.memory_space<hbm>>)
        tpu.yield
      }) : () -> ()
    } else {
    }
    %eq3A_30 = arith.constant 15 : i32
    %eq3A_31 = arith.cmpi eq, %arg1, %eq3A_30 : i32
    %convert_element_type3A_32 = arith.extui %eq3A_31 : i1 to i32
    %cond3A_33 = arith.constant 0 : i32
    %cond3A_34 = arith.cmpi ne, %convert_element_type3A_32, %cond3A_33 : i32
    scf.if %cond3A_34 {
      %mul3A_35 = arith.constant 632 : i32
      %mul3A_36 = arith.muli %arg1, %mul3A_35 : i32
      %mul3A_37 = arith.constant 10000 : i32
      %mul3A_38 = arith.muli %arg0, %mul3A_37 : i32
      %mul3A_39 = arith.constant 632 : i32
      %mul3A_40 = arith.muli %arg1, %mul3A_39 : i32
      %add3A_41 = arith.addi %mul3A_38, %mul3A_40 : i32
      "tpu.region"() ({
        %run_scoped3A = tpu.sem_alloc : memref<!tpu.dma_semaphore, #tpu.memory_space<semaphore_mem>>
        %dma_start3A = arith.constant 0 : i32
        %dma_start3A_42 = tpu.memref_slice %arg6[%add3A_41, %dma_start3A] : memref<20000x128xf32, #tpu.memory_space<hbm>> -> memref<520x128xf32, #tpu.memory_space<hbm>>
        %dma_start3A_43 = arith.constant 0 : i32
        %dma_start3A_44 = tpu.memref_slice %arg11[%mul3A_36, %dma_start3A_43] : memref<10000x128xf32, #tpu.memory_space<vmem_shared>> -> memref<520x128xf32, #tpu.memory_space<vmem_shared>>
        tpu.enqueue_dma source(%dma_start3A_44 : memref<520x128xf32, #tpu.memory_space<vmem_shared>>) target(%dma_start3A_42 : memref<520x128xf32, #tpu.memory_space<hbm>>) target_semaphore(%run_scoped3A : memref<!tpu.dma_semaphore, #tpu.memory_space<semaphore_mem>>)
        %dma_wait3A = arith.constant 0 : i32
        %dma_wait3A_45 = tpu.memref_slice %arg6[%add3A_41, %dma_wait3A] : memref<20000x128xf32, #tpu.memory_space<hbm>> -> memref<520x128xf32, #tpu.memory_space<hbm>>
        %dma_wait3A_46 = arith.constant 0 : i32
        %dma_wait3A_47 = tpu.memref_slice %arg11[%mul3A_36, %dma_wait3A_46] : memref<10000x128xf32, #tpu.memory_space<vmem_shared>> -> memref<520x128xf32, #tpu.memory_space<vmem_shared>>
        tpu.wait_dma2 semaphore(%run_scoped3A : memref<!tpu.dma_semaphore, #tpu.memory_space<semaphore_mem>>) src(%dma_wait3A_47 : memref<520x128xf32, #tpu.memory_space<vmem_shared>>) dst(%dma_wait3A_45 : memref<520x128xf32, #tpu.memory_space<hbm>>)
        tpu.yield
      }) : () -> ()
    } else {
    }
    return
  }
}

#map = affine_map<(d0, d1) -> (0, 0)>
module attributes {stable_mosaic.version = 14 : i64} {
  func.func @gather_k(%arg0: i32, %arg1: i32, %arg2: memref<10000x128xf32, #tpu.memory_space<hbm>>, %arg3: memref<10000x128xf32, #tpu.memory_space<hbm>>, %arg4: memref<1280x128xi32, #tpu.memory_space<hbm>>, %arg5: memref<1280x128xi32, #tpu.memory_space<hbm>>, %arg6: memref<160000x128xf32, #tpu.memory_space<hbm>>, %arg7: memref<160000x128xf32, #tpu.memory_space<hbm>>, %arg8: memref<80x128xi32, #tpu.memory_space<vmem>>, %arg9: memref<128x128xf32, #tpu.memory_space<vmem>>, %arg10: memref<128x128xf32, #tpu.memory_space<vmem>>, %arg11: memref<10000x128xf32, #tpu.memory_space<vmem_shared>>, %arg12: memref<!tpu.dma_semaphore, #tpu.memory_space<semaphore_mem>>) attributes {dimension_semantics = [#tpu.dimension_semantics<core_parallel>, #tpu.dimension_semantics<subcore_parallel>], iteration_bounds = array<i64: 2, 16>, scalar_prefetch = 0 : i64, scratch_operands = 5 : i64, tpu.core_type = #tpu.core_type<sc_vector_subcore>, window_params = [{transform_indices = #map}, {transform_indices = #map}, {transform_indices = #map}, {transform_indices = #map}, {transform_indices = #map}, {transform_indices = #map}]} {
    %mul3A = arith.constant 80 : i32
    %mul3A_0 = arith.muli %arg1, %mul3A : i32
    %sub3A = arith.constant 1250 : i32
    %sub3A_1 = arith.subi %sub3A, %mul3A_0 : i32
    %jit3A = arith.constant 0 : i32
    %jit3A_2 = arith.constant 80 : i32
    %max3A = arith.maxsi %jit3A, %sub3A_1 : i32
    %min3A = arith.minsi %jit3A_2, %max3A : i32
    %eq3A = arith.constant 0 : i32
    %eq3A_3 = arith.cmpi eq, %arg0, %eq3A : i32
    %convert_element_type3A = arith.extui %eq3A_3 : i1 to i32
    %cond3A = arith.constant 0 : i32
    %cond3A_4 = arith.cmpi ne, %convert_element_type3A, %cond3A : i32
    scf.if %cond3A_4 {
      %lt3A = arith.constant 15 : i32
      %lt3A_10 = arith.cmpi slt, %arg1, %lt3A : i32
      %convert_element_type3A_11 = arith.extui %lt3A_10 : i1 to i32
      %cond3A_12 = arith.constant 0 : i32
      %cond3A_13 = arith.cmpi ne, %convert_element_type3A_11, %cond3A_12 : i32
      scf.if %cond3A_13 {
        %mul3A_47 = arith.constant 632 : i32
        %mul3A_48 = arith.muli %arg1, %mul3A_47 : i32
        %mul3A_49 = arith.constant 632 : i32
        %mul3A_50 = arith.muli %arg1, %mul3A_49 : i32
        "tpu.region"() ({
          %run_scoped3A = tpu.sem_alloc : memref<!tpu.dma_semaphore, #tpu.memory_space<semaphore_mem>>
          %dma_start3A = arith.constant 0 : i32
          %dma_start3A_51 = tpu.memref_slice %arg11[%mul3A_50, %dma_start3A] : memref<10000x128xf32, #tpu.memory_space<vmem_shared>> -> memref<632x128xf32, #tpu.memory_space<vmem_shared>>
          %dma_start3A_52 = arith.constant 0 : i32
          %dma_start3A_53 = tpu.memref_slice %arg2[%mul3A_48, %dma_start3A_52] : memref<10000x128xf32, #tpu.memory_space<hbm>> -> memref<632x128xf32, #tpu.memory_space<hbm>>
          tpu.enqueue_dma source(%dma_start3A_53 : memref<632x128xf32, #tpu.memory_space<hbm>>) target(%dma_start3A_51 : memref<632x128xf32, #tpu.memory_space<vmem_shared>>) target_semaphore(%run_scoped3A : memref<!tpu.dma_semaphore, #tpu.memory_space<semaphore_mem>>)
          %dma_wait3A = arith.constant 0 : i32
          %dma_wait3A_54 = tpu.memref_slice %arg11[%mul3A_50, %dma_wait3A] : memref<10000x128xf32, #tpu.memory_space<vmem_shared>> -> memref<632x128xf32, #tpu.memory_space<vmem_shared>>
          %dma_wait3A_55 = arith.constant 0 : i32
          %dma_wait3A_56 = tpu.memref_slice %arg2[%mul3A_48, %dma_wait3A_55] : memref<10000x128xf32, #tpu.memory_space<hbm>> -> memref<632x128xf32, #tpu.memory_space<hbm>>
          tpu.wait_dma2 semaphore(%run_scoped3A : memref<!tpu.dma_semaphore, #tpu.memory_space<semaphore_mem>>) src(%dma_wait3A_56 : memref<632x128xf32, #tpu.memory_space<hbm>>) dst(%dma_wait3A_54 : memref<632x128xf32, #tpu.memory_space<vmem_shared>>)
          tpu.yield
        }) : () -> ()
      } else {
      }
      %eq3A_14 = arith.constant 15 : i32
      %eq3A_15 = arith.cmpi eq, %arg1, %eq3A_14 : i32
      %convert_element_type3A_16 = arith.extui %eq3A_15 : i1 to i32
      %cond3A_17 = arith.constant 0 : i32
      %cond3A_18 = arith.cmpi ne, %convert_element_type3A_16, %cond3A_17 : i32
      scf.if %cond3A_18 {
        %mul3A_47 = arith.constant 632 : i32
        %mul3A_48 = arith.muli %arg1, %mul3A_47 : i32
        %mul3A_49 = arith.constant 632 : i32
        %mul3A_50 = arith.muli %arg1, %mul3A_49 : i32
        "tpu.region"() ({
          %run_scoped3A = tpu.sem_alloc : memref<!tpu.dma_semaphore, #tpu.memory_space<semaphore_mem>>
          %dma_start3A = arith.constant 0 : i32
          %dma_start3A_51 = tpu.memref_slice %arg11[%mul3A_50, %dma_start3A] : memref<10000x128xf32, #tpu.memory_space<vmem_shared>> -> memref<520x128xf32, #tpu.memory_space<vmem_shared>>
          %dma_start3A_52 = arith.constant 0 : i32
          %dma_start3A_53 = tpu.memref_slice %arg2[%mul3A_48, %dma_start3A_52] : memref<10000x128xf32, #tpu.memory_space<hbm>> -> memref<520x128xf32, #tpu.memory_space<hbm>>
          tpu.enqueue_dma source(%dma_start3A_53 : memref<520x128xf32, #tpu.memory_space<hbm>>) target(%dma_start3A_51 : memref<520x128xf32, #tpu.memory_space<vmem_shared>>) target_semaphore(%run_scoped3A : memref<!tpu.dma_semaphore, #tpu.memory_space<semaphore_mem>>)
          %dma_wait3A = arith.constant 0 : i32
          %dma_wait3A_54 = tpu.memref_slice %arg11[%mul3A_50, %dma_wait3A] : memref<10000x128xf32, #tpu.memory_space<vmem_shared>> -> memref<520x128xf32, #tpu.memory_space<vmem_shared>>
          %dma_wait3A_55 = arith.constant 0 : i32
          %dma_wait3A_56 = tpu.memref_slice %arg2[%mul3A_48, %dma_wait3A_55] : memref<10000x128xf32, #tpu.memory_space<hbm>> -> memref<520x128xf32, #tpu.memory_space<hbm>>
          tpu.wait_dma2 semaphore(%run_scoped3A : memref<!tpu.dma_semaphore, #tpu.memory_space<semaphore_mem>>) src(%dma_wait3A_56 : memref<520x128xf32, #tpu.memory_space<hbm>>) dst(%dma_wait3A_54 : memref<520x128xf32, #tpu.memory_space<vmem_shared>>)
          tpu.yield
        }) : () -> ()
      } else {
      }
      %mul3A_19 = arith.constant 80 : i32
      %mul3A_20 = arith.muli %arg1, %mul3A_19 : i32
      "tpu.region"() ({
        %run_scoped3A = tpu.sem_alloc : memref<!tpu.dma_semaphore, #tpu.memory_space<semaphore_mem>>
        %dma_start3A = arith.constant 0 : i32
        %dma_start3A_47 = tpu.memref_slice %arg4[%mul3A_20, %dma_start3A] : memref<1280x128xi32, #tpu.memory_space<hbm>> -> memref<80x128xi32, #tpu.memory_space<hbm>>
        %dma_start3A_48 = arith.constant 0 : i32
        %dma_start3A_49 = tpu.memref_slice %arg4[%mul3A_20, %dma_start3A_48] : memref<1280x128xi32, #tpu.memory_space<hbm>> -> memref<80x128xi32, #tpu.memory_space<hbm>>
        tpu.enqueue_dma source(%dma_start3A_49 : memref<80x128xi32, #tpu.memory_space<hbm>>) target(%arg8 : memref<80x128xi32, #tpu.memory_space<vmem>>) target_semaphore(%run_scoped3A : memref<!tpu.dma_semaphore, #tpu.memory_space<semaphore_mem>>)
        %dma_wait3A = arith.constant 0 : i32
        %dma_wait3A_50 = tpu.memref_slice %arg4[%mul3A_20, %dma_wait3A] : memref<1280x128xi32, #tpu.memory_space<hbm>> -> memref<80x128xi32, #tpu.memory_space<hbm>>
        %dma_wait3A_51 = arith.constant 0 : i32
        %dma_wait3A_52 = tpu.memref_slice %arg4[%mul3A_20, %dma_wait3A_51] : memref<1280x128xi32, #tpu.memory_space<hbm>> -> memref<80x128xi32, #tpu.memory_space<hbm>>
        tpu.wait_dma2 semaphore(%run_scoped3A : memref<!tpu.dma_semaphore, #tpu.memory_space<semaphore_mem>>) src(%dma_wait3A_52 : memref<80x128xi32, #tpu.memory_space<hbm>>) dst(%arg8 : memref<80x128xi32, #tpu.memory_space<vmem>>)
        tpu.yield
      }) : () -> ()
      %barrier3A = arith.constant 0 : index
      tpu.barrier barrier_id(%barrier3A)
      %scan3A = arith.constant 0 : i32
      %scan3A_21 = arith.constant 0 : i32
      %scan3A_22 = arith.constant 40 : i32
      %scan3A_23 = arith.addi %scan3A_21, %scan3A_22 : i32
      %scan3A_24 = arith.constant 1 : i32
      scf.for %scan3A_47 = %scan3A_21 to %scan3A_23 step %scan3A_24  : i32 {
        %mul3A_48 = arith.constant 2 : i32
        %mul3A_49 = arith.muli %mul3A_48, %scan3A_47 : i32
        %lt3A_50 = arith.cmpi slt, %mul3A_49, %min3A : i32
        %convert_element_type3A_51 = arith.extui %lt3A_50 : i1 to i32
        %cond3A_52 = arith.constant 0 : i32
        %cond3A_53 = arith.cmpi ne, %convert_element_type3A_51, %cond3A_52 : i32
        scf.if %cond3A_53 {
          %dma_start3A = arith.constant 0 : i32
          %dma_start3A_61 = tpu.memref_slice %arg8[%mul3A_49, %dma_start3A] : memref<80x128xi32, #tpu.memory_space<vmem>> -> memref<1x128xi32, #tpu.memory_space<vmem>>
          %dma_start3A_62 = tpu.memref_squeeze %dma_start3A_61 : memref<1x128xi32, #tpu.memory_space<vmem>> -> memref<128xi32, #tpu.memory_space<vmem>>
          %dma_start3A_63 = arith.constant 0 : i32
          %dma_start3A_64 = arith.constant 0 : i32
          %dma_start3A_65 = tpu.memref_slice %arg11[%dma_start3A_63, %dma_start3A_64] : memref<10000x128xf32, #tpu.memory_space<vmem_shared>> -> memref<10000x128xf32, #tpu.memory_space<vmem_shared>>
          tpu.enqueue_indirect_dma source(%dma_start3A_65 : memref<10000x128xf32, #tpu.memory_space<vmem_shared>>) target(%arg9 : memref<128x128xf32, #tpu.memory_space<vmem>>) offsets(%dma_start3A_62 : memref<128xi32, #tpu.memory_space<vmem>>) semaphore(%arg12 : memref<!tpu.dma_semaphore, #tpu.memory_space<semaphore_mem>>)
          %ge3A_66 = arith.constant 1 : i32
          %ge3A_67 = arith.cmpi sge, %mul3A_49, %ge3A_66 : i32
          %convert_element_type3A_68 = arith.extui %ge3A_67 : i1 to i32
          %cond3A_69 = arith.constant 0 : i32
          %cond3A_70 = arith.cmpi ne, %convert_element_type3A_68, %cond3A_69 : i32
          scf.if %cond3A_70 {
            %mul3A_76 = arith.constant 80 : i32
            %mul3A_77 = arith.muli %arg1, %mul3A_76 : i32
            %add3A_78 = arith.addi %mul3A_77, %mul3A_49 : i32
            %sub3A_79 = arith.constant 1 : i32
            %sub3A_80 = arith.subi %add3A_78, %sub3A_79 : i32
            %mul3A_81 = arith.constant 128 : i32
            %mul3A_82 = arith.muli %sub3A_80, %mul3A_81 : i32
            "tpu.region"() ({
              %run_scoped3A = tpu.sem_alloc : memref<!tpu.dma_semaphore, #tpu.memory_space<semaphore_mem>>
              %dma_start3A_83 = arith.constant 0 : i32
              %dma_start3A_84 = tpu.memref_slice %arg6[%mul3A_82, %dma_start3A_83] : memref<160000x128xf32, #tpu.memory_space<hbm>> -> memref<128x128xf32, #tpu.memory_space<hbm>>
              %dma_start3A_85 = arith.constant 0 : i32
              %dma_start3A_86 = tpu.memref_slice %arg6[%mul3A_82, %dma_start3A_85] : memref<160000x128xf32, #tpu.memory_space<hbm>> -> memref<128x128xf32, #tpu.memory_space<hbm>>
              tpu.enqueue_dma source(%arg10 : memref<128x128xf32, #tpu.memory_space<vmem>>) target(%dma_start3A_86 : memref<128x128xf32, #tpu.memory_space<hbm>>) target_semaphore(%run_scoped3A : memref<!tpu.dma_semaphore, #tpu.memory_space<semaphore_mem>>)
              %dma_wait3A_87 = arith.constant 0 : i32
              %dma_wait3A_88 = tpu.memref_slice %arg6[%mul3A_82, %dma_wait3A_87] : memref<160000x128xf32, #tpu.memory_space<hbm>> -> memref<128x128xf32, #tpu.memory_space<hbm>>
              %dma_wait3A_89 = arith.constant 0 : i32
              %dma_wait3A_90 = tpu.memref_slice %arg6[%mul3A_82, %dma_wait3A_89] : memref<160000x128xf32, #tpu.memory_space<hbm>> -> memref<128x128xf32, #tpu.memory_space<hbm>>
              tpu.wait_dma2 semaphore(%run_scoped3A : memref<!tpu.dma_semaphore, #tpu.memory_space<semaphore_mem>>) src(%arg10 : memref<128x128xf32, #tpu.memory_space<vmem>>) dst(%dma_wait3A_90 : memref<128x128xf32, #tpu.memory_space<hbm>>)
              tpu.yield
            }) : () -> ()
          } else {
          }
          %dma_wait3A = arith.constant 0 : i32
          %dma_wait3A_71 = tpu.memref_slice %arg8[%mul3A_49, %dma_wait3A] : memref<80x128xi32, #tpu.memory_space<vmem>> -> memref<1x128xi32, #tpu.memory_space<vmem>>
          %dma_wait3A_72 = tpu.memref_squeeze %dma_wait3A_71 : memref<1x128xi32, #tpu.memory_space<vmem>> -> memref<128xi32, #tpu.memory_space<vmem>>
          %dma_wait3A_73 = arith.constant 0 : i32
          %dma_wait3A_74 = arith.constant 0 : i32
          %dma_wait3A_75 = tpu.memref_slice %arg11[%dma_wait3A_73, %dma_wait3A_74] : memref<10000x128xf32, #tpu.memory_space<vmem_shared>> -> memref<10000x128xf32, #tpu.memory_space<vmem_shared>>
          tpu.wait_indirect_dma semaphore(%arg12 : memref<!tpu.dma_semaphore, #tpu.memory_space<semaphore_mem>>) src(%dma_wait3A_75 : memref<10000x128xf32, #tpu.memory_space<vmem_shared>>) dst(%arg9 : memref<128x128xf32, #tpu.memory_space<vmem>>)
        } else {
        }
        %mul3A_54 = arith.constant 2 : i32
        %mul3A_55 = arith.muli %mul3A_54, %scan3A_47 : i32
        %add3A = arith.constant 1 : i32
        %add3A_56 = arith.addi %mul3A_55, %add3A : i32
        %lt3A_57 = arith.cmpi slt, %add3A_56, %min3A : i32
        %convert_element_type3A_58 = arith.extui %lt3A_57 : i1 to i32
        %cond3A_59 = arith.constant 0 : i32
        %cond3A_60 = arith.cmpi ne, %convert_element_type3A_58, %cond3A_59 : i32
        scf.if %cond3A_60 {
          %dma_start3A = arith.constant 0 : i32
          %dma_start3A_61 = tpu.memref_slice %arg8[%add3A_56, %dma_start3A] : memref<80x128xi32, #tpu.memory_space<vmem>> -> memref<1x128xi32, #tpu.memory_space<vmem>>
          %dma_start3A_62 = tpu.memref_squeeze %dma_start3A_61 : memref<1x128xi32, #tpu.memory_space<vmem>> -> memref<128xi32, #tpu.memory_space<vmem>>
          %dma_start3A_63 = arith.constant 0 : i32
          %dma_start3A_64 = arith.constant 0 : i32
          %dma_start3A_65 = tpu.memref_slice %arg11[%dma_start3A_63, %dma_start3A_64] : memref<10000x128xf32, #tpu.memory_space<vmem_shared>> -> memref<10000x128xf32, #tpu.memory_space<vmem_shared>>
          tpu.enqueue_indirect_dma source(%dma_start3A_65 : memref<10000x128xf32, #tpu.memory_space<vmem_shared>>) target(%arg10 : memref<128x128xf32, #tpu.memory_space<vmem>>) offsets(%dma_start3A_62 : memref<128xi32, #tpu.memory_space<vmem>>) semaphore(%arg12 : memref<!tpu.dma_semaphore, #tpu.memory_space<semaphore_mem>>)
          %ge3A_66 = arith.constant 1 : i32
          %ge3A_67 = arith.cmpi sge, %add3A_56, %ge3A_66 : i32
          %convert_element_type3A_68 = arith.extui %ge3A_67 : i1 to i32
          %cond3A_69 = arith.constant 0 : i32
          %cond3A_70 = arith.cmpi ne, %convert_element_type3A_68, %cond3A_69 : i32
          scf.if %cond3A_70 {
            %mul3A_76 = arith.constant 80 : i32
            %mul3A_77 = arith.muli %arg1, %mul3A_76 : i32
            %add3A_78 = arith.addi %mul3A_77, %add3A_56 : i32
            %sub3A_79 = arith.constant 1 : i32
            %sub3A_80 = arith.subi %add3A_78, %sub3A_79 : i32
            %mul3A_81 = arith.constant 128 : i32
            %mul3A_82 = arith.muli %sub3A_80, %mul3A_81 : i32
            "tpu.region"() ({
              %run_scoped3A = tpu.sem_alloc : memref<!tpu.dma_semaphore, #tpu.memory_space<semaphore_mem>>
              %dma_start3A_83 = arith.constant 0 : i32
              %dma_start3A_84 = tpu.memref_slice %arg6[%mul3A_82, %dma_start3A_83] : memref<160000x128xf32, #tpu.memory_space<hbm>> -> memref<128x128xf32, #tpu.memory_space<hbm>>
              %dma_start3A_85 = arith.constant 0 : i32
              %dma_start3A_86 = tpu.memref_slice %arg6[%mul3A_82, %dma_start3A_85] : memref<160000x128xf32, #tpu.memory_space<hbm>> -> memref<128x128xf32, #tpu.memory_space<hbm>>
              tpu.enqueue_dma source(%arg9 : memref<128x128xf32, #tpu.memory_space<vmem>>) target(%dma_start3A_86 : memref<128x128xf32, #tpu.memory_space<hbm>>) target_semaphore(%run_scoped3A : memref<!tpu.dma_semaphore, #tpu.memory_space<semaphore_mem>>)
              %dma_wait3A_87 = arith.constant 0 : i32
              %dma_wait3A_88 = tpu.memref_slice %arg6[%mul3A_82, %dma_wait3A_87] : memref<160000x128xf32, #tpu.memory_space<hbm>> -> memref<128x128xf32, #tpu.memory_space<hbm>>
              %dma_wait3A_89 = arith.constant 0 : i32
              %dma_wait3A_90 = tpu.memref_slice %arg6[%mul3A_82, %dma_wait3A_89] : memref<160000x128xf32, #tpu.memory_space<hbm>> -> memref<128x128xf32, #tpu.memory_space<hbm>>
              tpu.wait_dma2 semaphore(%run_scoped3A : memref<!tpu.dma_semaphore, #tpu.memory_space<semaphore_mem>>) src(%arg9 : memref<128x128xf32, #tpu.memory_space<vmem>>) dst(%dma_wait3A_90 : memref<128x128xf32, #tpu.memory_space<hbm>>)
              tpu.yield
            }) : () -> ()
          } else {
          }
          %dma_wait3A = arith.constant 0 : i32
          %dma_wait3A_71 = tpu.memref_slice %arg8[%add3A_56, %dma_wait3A] : memref<80x128xi32, #tpu.memory_space<vmem>> -> memref<1x128xi32, #tpu.memory_space<vmem>>
          %dma_wait3A_72 = tpu.memref_squeeze %dma_wait3A_71 : memref<1x128xi32, #tpu.memory_space<vmem>> -> memref<128xi32, #tpu.memory_space<vmem>>
          %dma_wait3A_73 = arith.constant 0 : i32
          %dma_wait3A_74 = arith.constant 0 : i32
          %dma_wait3A_75 = tpu.memref_slice %arg11[%dma_wait3A_73, %dma_wait3A_74] : memref<10000x128xf32, #tpu.memory_space<vmem_shared>> -> memref<10000x128xf32, #tpu.memory_space<vmem_shared>>
          tpu.wait_indirect_dma semaphore(%arg12 : memref<!tpu.dma_semaphore, #tpu.memory_space<semaphore_mem>>) src(%dma_wait3A_75 : memref<10000x128xf32, #tpu.memory_space<vmem_shared>>) dst(%arg10 : memref<128x128xf32, #tpu.memory_space<vmem>>)
        } else {
        }
      }
      %scan3A_25 = arith.constant 40 : i32
      %ge3A = arith.constant 1 : i32
      %ge3A_26 = arith.cmpi sge, %min3A, %ge3A : i32
      %sub3A_27 = arith.constant 1 : i32
      %sub3A_28 = arith.subi %min3A, %sub3A_27 : i32
      %rem3A = arith.constant 2 : i32
      %rem3A_29 = arith.remsi %sub3A_28, %rem3A : i32
      %eq3A_30 = arith.constant 0 : i32
      %eq3A_31 = arith.cmpi eq, %rem3A_29, %eq3A_30 : i32
      %and3A = arith.andi %ge3A_26, %eq3A_31 : i1
      %convert_element_type3A_32 = arith.extui %and3A : i1 to i32
      %cond3A_33 = arith.constant 0 : i32
      %cond3A_34 = arith.cmpi ne, %convert_element_type3A_32, %cond3A_33 : i32
      scf.if %cond3A_34 {
        %mul3A_47 = arith.constant 80 : i32
        %mul3A_48 = arith.muli %arg1, %mul3A_47 : i32
        %add3A = arith.addi %mul3A_48, %min3A : i32
        %sub3A_49 = arith.constant 1 : i32
        %sub3A_50 = arith.subi %add3A, %sub3A_49 : i32
        %mul3A_51 = arith.constant 128 : i32
        %mul3A_52 = arith.muli %sub3A_50, %mul3A_51 : i32
        "tpu.region"() ({
          %run_scoped3A = tpu.sem_alloc : memref<!tpu.dma_semaphore, #tpu.memory_space<semaphore_mem>>
          %dma_start3A = arith.constant 0 : i32
          %dma_start3A_53 = tpu.memref_slice %arg6[%mul3A_52, %dma_start3A] : memref<160000x128xf32, #tpu.memory_space<hbm>> -> memref<128x128xf32, #tpu.memory_space<hbm>>
          %dma_start3A_54 = arith.constant 0 : i32
          %dma_start3A_55 = tpu.memref_slice %arg6[%mul3A_52, %dma_start3A_54] : memref<160000x128xf32, #tpu.memory_space<hbm>> -> memref<128x128xf32, #tpu.memory_space<hbm>>
          tpu.enqueue_dma source(%arg9 : memref<128x128xf32, #tpu.memory_space<vmem>>) target(%dma_start3A_55 : memref<128x128xf32, #tpu.memory_space<hbm>>) target_semaphore(%run_scoped3A : memref<!tpu.dma_semaphore, #tpu.memory_space<semaphore_mem>>)
          %dma_wait3A = arith.constant 0 : i32
          %dma_wait3A_56 = tpu.memref_slice %arg6[%mul3A_52, %dma_wait3A] : memref<160000x128xf32, #tpu.memory_space<hbm>> -> memref<128x128xf32, #tpu.memory_space<hbm>>
          %dma_wait3A_57 = arith.constant 0 : i32
          %dma_wait3A_58 = tpu.memref_slice %arg6[%mul3A_52, %dma_wait3A_57] : memref<160000x128xf32, #tpu.memory_space<hbm>> -> memref<128x128xf32, #tpu.memory_space<hbm>>
          tpu.wait_dma2 semaphore(%run_scoped3A : memref<!tpu.dma_semaphore, #tpu.memory_space<semaphore_mem>>) src(%arg9 : memref<128x128xf32, #tpu.memory_space<vmem>>) dst(%dma_wait3A_58 : memref<128x128xf32, #tpu.memory_space<hbm>>)
          tpu.yield
        }) : () -> ()
      } else {
      }
      %ge3A_35 = arith.constant 1 : i32
      %ge3A_36 = arith.cmpi sge, %min3A, %ge3A_35 : i32
      %sub3A_37 = arith.constant 1 : i32
      %sub3A_38 = arith.subi %min3A, %sub3A_37 : i32
      %rem3A_39 = arith.constant 2 : i32
      %rem3A_40 = arith.remsi %sub3A_38, %rem3A_39 : i32
      %eq3A_41 = arith.constant 1 : i32
      %eq3A_42 = arith.cmpi eq, %rem3A_40, %eq3A_41 : i32
      %and3A_43 = arith.andi %ge3A_36, %eq3A_42 : i1
      %convert_element_type3A_44 = arith.extui %and3A_43 : i1 to i32
      %cond3A_45 = arith.constant 0 : i32
      %cond3A_46 = arith.cmpi ne, %convert_element_type3A_44, %cond3A_45 : i32
      scf.if %cond3A_46 {
        %mul3A_47 = arith.constant 80 : i32
        %mul3A_48 = arith.muli %arg1, %mul3A_47 : i32
        %add3A = arith.addi %mul3A_48, %min3A : i32
        %sub3A_49 = arith.constant 1 : i32
        %sub3A_50 = arith.subi %add3A, %sub3A_49 : i32
        %mul3A_51 = arith.constant 128 : i32
        %mul3A_52 = arith.muli %sub3A_50, %mul3A_51 : i32
        "tpu.region"() ({
          %run_scoped3A = tpu.sem_alloc : memref<!tpu.dma_semaphore, #tpu.memory_space<semaphore_mem>>
          %dma_start3A = arith.constant 0 : i32
          %dma_start3A_53 = tpu.memref_slice %arg6[%mul3A_52, %dma_start3A] : memref<160000x128xf32, #tpu.memory_space<hbm>> -> memref<128x128xf32, #tpu.memory_space<hbm>>
          %dma_start3A_54 = arith.constant 0 : i32
          %dma_start3A_55 = tpu.memref_slice %arg6[%mul3A_52, %dma_start3A_54] : memref<160000x128xf32, #tpu.memory_space<hbm>> -> memref<128x128xf32, #tpu.memory_space<hbm>>
          tpu.enqueue_dma source(%arg10 : memref<128x128xf32, #tpu.memory_space<vmem>>) target(%dma_start3A_55 : memref<128x128xf32, #tpu.memory_space<hbm>>) target_semaphore(%run_scoped3A : memref<!tpu.dma_semaphore, #tpu.memory_space<semaphore_mem>>)
          %dma_wait3A = arith.constant 0 : i32
          %dma_wait3A_56 = tpu.memref_slice %arg6[%mul3A_52, %dma_wait3A] : memref<160000x128xf32, #tpu.memory_space<hbm>> -> memref<128x128xf32, #tpu.memory_space<hbm>>
          %dma_wait3A_57 = arith.constant 0 : i32
          %dma_wait3A_58 = tpu.memref_slice %arg6[%mul3A_52, %dma_wait3A_57] : memref<160000x128xf32, #tpu.memory_space<hbm>> -> memref<128x128xf32, #tpu.memory_space<hbm>>
          tpu.wait_dma2 semaphore(%run_scoped3A : memref<!tpu.dma_semaphore, #tpu.memory_space<semaphore_mem>>) src(%arg10 : memref<128x128xf32, #tpu.memory_space<vmem>>) dst(%dma_wait3A_58 : memref<128x128xf32, #tpu.memory_space<hbm>>)
          tpu.yield
        }) : () -> ()
      } else {
      }
    } else {
    }
    %eq3A_5 = arith.constant 1 : i32
    %eq3A_6 = arith.cmpi eq, %arg0, %eq3A_5 : i32
    %convert_element_type3A_7 = arith.extui %eq3A_6 : i1 to i32
    %cond3A_8 = arith.constant 0 : i32
    %cond3A_9 = arith.cmpi ne, %convert_element_type3A_7, %cond3A_8 : i32
    scf.if %cond3A_9 {
      %lt3A = arith.constant 15 : i32
      %lt3A_10 = arith.cmpi slt, %arg1, %lt3A : i32
      %convert_element_type3A_11 = arith.extui %lt3A_10 : i1 to i32
      %cond3A_12 = arith.constant 0 : i32
      %cond3A_13 = arith.cmpi ne, %convert_element_type3A_11, %cond3A_12 : i32
      scf.if %cond3A_13 {
        %mul3A_47 = arith.constant 632 : i32
        %mul3A_48 = arith.muli %arg1, %mul3A_47 : i32
        %mul3A_49 = arith.constant 632 : i32
        %mul3A_50 = arith.muli %arg1, %mul3A_49 : i32
        "tpu.region"() ({
          %run_scoped3A = tpu.sem_alloc : memref<!tpu.dma_semaphore, #tpu.memory_space<semaphore_mem>>
          %dma_start3A = arith.constant 0 : i32
          %dma_start3A_51 = tpu.memref_slice %arg11[%mul3A_50, %dma_start3A] : memref<10000x128xf32, #tpu.memory_space<vmem_shared>> -> memref<632x128xf32, #tpu.memory_space<vmem_shared>>
          %dma_start3A_52 = arith.constant 0 : i32
          %dma_start3A_53 = tpu.memref_slice %arg3[%mul3A_48, %dma_start3A_52] : memref<10000x128xf32, #tpu.memory_space<hbm>> -> memref<632x128xf32, #tpu.memory_space<hbm>>
          tpu.enqueue_dma source(%dma_start3A_53 : memref<632x128xf32, #tpu.memory_space<hbm>>) target(%dma_start3A_51 : memref<632x128xf32, #tpu.memory_space<vmem_shared>>) target_semaphore(%run_scoped3A : memref<!tpu.dma_semaphore, #tpu.memory_space<semaphore_mem>>)
          %dma_wait3A = arith.constant 0 : i32
          %dma_wait3A_54 = tpu.memref_slice %arg11[%mul3A_50, %dma_wait3A] : memref<10000x128xf32, #tpu.memory_space<vmem_shared>> -> memref<632x128xf32, #tpu.memory_space<vmem_shared>>
          %dma_wait3A_55 = arith.constant 0 : i32
          %dma_wait3A_56 = tpu.memref_slice %arg3[%mul3A_48, %dma_wait3A_55] : memref<10000x128xf32, #tpu.memory_space<hbm>> -> memref<632x128xf32, #tpu.memory_space<hbm>>
          tpu.wait_dma2 semaphore(%run_scoped3A : memref<!tpu.dma_semaphore, #tpu.memory_space<semaphore_mem>>) src(%dma_wait3A_56 : memref<632x128xf32, #tpu.memory_space<hbm>>) dst(%dma_wait3A_54 : memref<632x128xf32, #tpu.memory_space<vmem_shared>>)
          tpu.yield
        }) : () -> ()
      } else {
      }
      %eq3A_14 = arith.constant 15 : i32
      %eq3A_15 = arith.cmpi eq, %arg1, %eq3A_14 : i32
      %convert_element_type3A_16 = arith.extui %eq3A_15 : i1 to i32
      %cond3A_17 = arith.constant 0 : i32
      %cond3A_18 = arith.cmpi ne, %convert_element_type3A_16, %cond3A_17 : i32
      scf.if %cond3A_18 {
        %mul3A_47 = arith.constant 632 : i32
        %mul3A_48 = arith.muli %arg1, %mul3A_47 : i32
        %mul3A_49 = arith.constant 632 : i32
        %mul3A_50 = arith.muli %arg1, %mul3A_49 : i32
        "tpu.region"() ({
          %run_scoped3A = tpu.sem_alloc : memref<!tpu.dma_semaphore, #tpu.memory_space<semaphore_mem>>
          %dma_start3A = arith.constant 0 : i32
          %dma_start3A_51 = tpu.memref_slice %arg11[%mul3A_50, %dma_start3A] : memref<10000x128xf32, #tpu.memory_space<vmem_shared>> -> memref<520x128xf32, #tpu.memory_space<vmem_shared>>
          %dma_start3A_52 = arith.constant 0 : i32
          %dma_start3A_53 = tpu.memref_slice %arg3[%mul3A_48, %dma_start3A_52] : memref<10000x128xf32, #tpu.memory_space<hbm>> -> memref<520x128xf32, #tpu.memory_space<hbm>>
          tpu.enqueue_dma source(%dma_start3A_53 : memref<520x128xf32, #tpu.memory_space<hbm>>) target(%dma_start3A_51 : memref<520x128xf32, #tpu.memory_space<vmem_shared>>) target_semaphore(%run_scoped3A : memref<!tpu.dma_semaphore, #tpu.memory_space<semaphore_mem>>)
          %dma_wait3A = arith.constant 0 : i32
          %dma_wait3A_54 = tpu.memref_slice %arg11[%mul3A_50, %dma_wait3A] : memref<10000x128xf32, #tpu.memory_space<vmem_shared>> -> memref<520x128xf32, #tpu.memory_space<vmem_shared>>
          %dma_wait3A_55 = arith.constant 0 : i32
          %dma_wait3A_56 = tpu.memref_slice %arg3[%mul3A_48, %dma_wait3A_55] : memref<10000x128xf32, #tpu.memory_space<hbm>> -> memref<520x128xf32, #tpu.memory_space<hbm>>
          tpu.wait_dma2 semaphore(%run_scoped3A : memref<!tpu.dma_semaphore, #tpu.memory_space<semaphore_mem>>) src(%dma_wait3A_56 : memref<520x128xf32, #tpu.memory_space<hbm>>) dst(%dma_wait3A_54 : memref<520x128xf32, #tpu.memory_space<vmem_shared>>)
          tpu.yield
        }) : () -> ()
      } else {
      }
      %mul3A_19 = arith.constant 80 : i32
      %mul3A_20 = arith.muli %arg1, %mul3A_19 : i32
      "tpu.region"() ({
        %run_scoped3A = tpu.sem_alloc : memref<!tpu.dma_semaphore, #tpu.memory_space<semaphore_mem>>
        %dma_start3A = arith.constant 0 : i32
        %dma_start3A_47 = tpu.memref_slice %arg5[%mul3A_20, %dma_start3A] : memref<1280x128xi32, #tpu.memory_space<hbm>> -> memref<80x128xi32, #tpu.memory_space<hbm>>
        %dma_start3A_48 = arith.constant 0 : i32
        %dma_start3A_49 = tpu.memref_slice %arg5[%mul3A_20, %dma_start3A_48] : memref<1280x128xi32, #tpu.memory_space<hbm>> -> memref<80x128xi32, #tpu.memory_space<hbm>>
        tpu.enqueue_dma source(%dma_start3A_49 : memref<80x128xi32, #tpu.memory_space<hbm>>) target(%arg8 : memref<80x128xi32, #tpu.memory_space<vmem>>) target_semaphore(%run_scoped3A : memref<!tpu.dma_semaphore, #tpu.memory_space<semaphore_mem>>)
        %dma_wait3A = arith.constant 0 : i32
        %dma_wait3A_50 = tpu.memref_slice %arg5[%mul3A_20, %dma_wait3A] : memref<1280x128xi32, #tpu.memory_space<hbm>> -> memref<80x128xi32, #tpu.memory_space<hbm>>
        %dma_wait3A_51 = arith.constant 0 : i32
        %dma_wait3A_52 = tpu.memref_slice %arg5[%mul3A_20, %dma_wait3A_51] : memref<1280x128xi32, #tpu.memory_space<hbm>> -> memref<80x128xi32, #tpu.memory_space<hbm>>
        tpu.wait_dma2 semaphore(%run_scoped3A : memref<!tpu.dma_semaphore, #tpu.memory_space<semaphore_mem>>) src(%dma_wait3A_52 : memref<80x128xi32, #tpu.memory_space<hbm>>) dst(%arg8 : memref<80x128xi32, #tpu.memory_space<vmem>>)
        tpu.yield
      }) : () -> ()
      %barrier3A = arith.constant 0 : index
      tpu.barrier barrier_id(%barrier3A)
      %scan3A = arith.constant 0 : i32
      %scan3A_21 = arith.constant 0 : i32
      %scan3A_22 = arith.constant 40 : i32
      %scan3A_23 = arith.addi %scan3A_21, %scan3A_22 : i32
      %scan3A_24 = arith.constant 1 : i32
      scf.for %scan3A_47 = %scan3A_21 to %scan3A_23 step %scan3A_24  : i32 {
        %mul3A_48 = arith.constant 2 : i32
        %mul3A_49 = arith.muli %mul3A_48, %scan3A_47 : i32
        %lt3A_50 = arith.cmpi slt, %mul3A_49, %min3A : i32
        %convert_element_type3A_51 = arith.extui %lt3A_50 : i1 to i32
        %cond3A_52 = arith.constant 0 : i32
        %cond3A_53 = arith.cmpi ne, %convert_element_type3A_51, %cond3A_52 : i32
        scf.if %cond3A_53 {
          %dma_start3A = arith.constant 0 : i32
          %dma_start3A_61 = tpu.memref_slice %arg8[%mul3A_49, %dma_start3A] : memref<80x128xi32, #tpu.memory_space<vmem>> -> memref<1x128xi32, #tpu.memory_space<vmem>>
          %dma_start3A_62 = tpu.memref_squeeze %dma_start3A_61 : memref<1x128xi32, #tpu.memory_space<vmem>> -> memref<128xi32, #tpu.memory_space<vmem>>
          %dma_start3A_63 = arith.constant 0 : i32
          %dma_start3A_64 = arith.constant 0 : i32
          %dma_start3A_65 = tpu.memref_slice %arg11[%dma_start3A_63, %dma_start3A_64] : memref<10000x128xf32, #tpu.memory_space<vmem_shared>> -> memref<10000x128xf32, #tpu.memory_space<vmem_shared>>
          tpu.enqueue_indirect_dma source(%dma_start3A_65 : memref<10000x128xf32, #tpu.memory_space<vmem_shared>>) target(%arg9 : memref<128x128xf32, #tpu.memory_space<vmem>>) offsets(%dma_start3A_62 : memref<128xi32, #tpu.memory_space<vmem>>) semaphore(%arg12 : memref<!tpu.dma_semaphore, #tpu.memory_space<semaphore_mem>>)
          %ge3A_66 = arith.constant 1 : i32
          %ge3A_67 = arith.cmpi sge, %mul3A_49, %ge3A_66 : i32
          %convert_element_type3A_68 = arith.extui %ge3A_67 : i1 to i32
          %cond3A_69 = arith.constant 0 : i32
          %cond3A_70 = arith.cmpi ne, %convert_element_type3A_68, %cond3A_69 : i32
          scf.if %cond3A_70 {
            %mul3A_76 = arith.constant 80 : i32
            %mul3A_77 = arith.muli %arg1, %mul3A_76 : i32
            %add3A_78 = arith.addi %mul3A_77, %mul3A_49 : i32
            %sub3A_79 = arith.constant 1 : i32
            %sub3A_80 = arith.subi %add3A_78, %sub3A_79 : i32
            %mul3A_81 = arith.constant 128 : i32
            %mul3A_82 = arith.muli %sub3A_80, %mul3A_81 : i32
            "tpu.region"() ({
              %run_scoped3A = tpu.sem_alloc : memref<!tpu.dma_semaphore, #tpu.memory_space<semaphore_mem>>
              %dma_start3A_83 = arith.constant 0 : i32
              %dma_start3A_84 = tpu.memref_slice %arg7[%mul3A_82, %dma_start3A_83] : memref<160000x128xf32, #tpu.memory_space<hbm>> -> memref<128x128xf32, #tpu.memory_space<hbm>>
              %dma_start3A_85 = arith.constant 0 : i32
              %dma_start3A_86 = tpu.memref_slice %arg7[%mul3A_82, %dma_start3A_85] : memref<160000x128xf32, #tpu.memory_space<hbm>> -> memref<128x128xf32, #tpu.memory_space<hbm>>
              tpu.enqueue_dma source(%arg10 : memref<128x128xf32, #tpu.memory_space<vmem>>) target(%dma_start3A_86 : memref<128x128xf32, #tpu.memory_space<hbm>>) target_semaphore(%run_scoped3A : memref<!tpu.dma_semaphore, #tpu.memory_space<semaphore_mem>>)
              %dma_wait3A_87 = arith.constant 0 : i32
              %dma_wait3A_88 = tpu.memref_slice %arg7[%mul3A_82, %dma_wait3A_87] : memref<160000x128xf32, #tpu.memory_space<hbm>> -> memref<128x128xf32, #tpu.memory_space<hbm>>
              %dma_wait3A_89 = arith.constant 0 : i32
              %dma_wait3A_90 = tpu.memref_slice %arg7[%mul3A_82, %dma_wait3A_89] : memref<160000x128xf32, #tpu.memory_space<hbm>> -> memref<128x128xf32, #tpu.memory_space<hbm>>
              tpu.wait_dma2 semaphore(%run_scoped3A : memref<!tpu.dma_semaphore, #tpu.memory_space<semaphore_mem>>) src(%arg10 : memref<128x128xf32, #tpu.memory_space<vmem>>) dst(%dma_wait3A_90 : memref<128x128xf32, #tpu.memory_space<hbm>>)
              tpu.yield
            }) : () -> ()
          } else {
          }
          %dma_wait3A = arith.constant 0 : i32
          %dma_wait3A_71 = tpu.memref_slice %arg8[%mul3A_49, %dma_wait3A] : memref<80x128xi32, #tpu.memory_space<vmem>> -> memref<1x128xi32, #tpu.memory_space<vmem>>
          %dma_wait3A_72 = tpu.memref_squeeze %dma_wait3A_71 : memref<1x128xi32, #tpu.memory_space<vmem>> -> memref<128xi32, #tpu.memory_space<vmem>>
          %dma_wait3A_73 = arith.constant 0 : i32
          %dma_wait3A_74 = arith.constant 0 : i32
          %dma_wait3A_75 = tpu.memref_slice %arg11[%dma_wait3A_73, %dma_wait3A_74] : memref<10000x128xf32, #tpu.memory_space<vmem_shared>> -> memref<10000x128xf32, #tpu.memory_space<vmem_shared>>
          tpu.wait_indirect_dma semaphore(%arg12 : memref<!tpu.dma_semaphore, #tpu.memory_space<semaphore_mem>>) src(%dma_wait3A_75 : memref<10000x128xf32, #tpu.memory_space<vmem_shared>>) dst(%arg9 : memref<128x128xf32, #tpu.memory_space<vmem>>)
        } else {
        }
        %mul3A_54 = arith.constant 2 : i32
        %mul3A_55 = arith.muli %mul3A_54, %scan3A_47 : i32
        %add3A = arith.constant 1 : i32
        %add3A_56 = arith.addi %mul3A_55, %add3A : i32
        %lt3A_57 = arith.cmpi slt, %add3A_56, %min3A : i32
        %convert_element_type3A_58 = arith.extui %lt3A_57 : i1 to i32
        %cond3A_59 = arith.constant 0 : i32
        %cond3A_60 = arith.cmpi ne, %convert_element_type3A_58, %cond3A_59 : i32
        scf.if %cond3A_60 {
          %dma_start3A = arith.constant 0 : i32
          %dma_start3A_61 = tpu.memref_slice %arg8[%add3A_56, %dma_start3A] : memref<80x128xi32, #tpu.memory_space<vmem>> -> memref<1x128xi32, #tpu.memory_space<vmem>>
          %dma_start3A_62 = tpu.memref_squeeze %dma_start3A_61 : memref<1x128xi32, #tpu.memory_space<vmem>> -> memref<128xi32, #tpu.memory_space<vmem>>
          %dma_start3A_63 = arith.constant 0 : i32
          %dma_start3A_64 = arith.constant 0 : i32
          %dma_start3A_65 = tpu.memref_slice %arg11[%dma_start3A_63, %dma_start3A_64] : memref<10000x128xf32, #tpu.memory_space<vmem_shared>> -> memref<10000x128xf32, #tpu.memory_space<vmem_shared>>
          tpu.enqueue_indirect_dma source(%dma_start3A_65 : memref<10000x128xf32, #tpu.memory_space<vmem_shared>>) target(%arg10 : memref<128x128xf32, #tpu.memory_space<vmem>>) offsets(%dma_start3A_62 : memref<128xi32, #tpu.memory_space<vmem>>) semaphore(%arg12 : memref<!tpu.dma_semaphore, #tpu.memory_space<semaphore_mem>>)
          %ge3A_66 = arith.constant 1 : i32
          %ge3A_67 = arith.cmpi sge, %add3A_56, %ge3A_66 : i32
          %convert_element_type3A_68 = arith.extui %ge3A_67 : i1 to i32
          %cond3A_69 = arith.constant 0 : i32
          %cond3A_70 = arith.cmpi ne, %convert_element_type3A_68, %cond3A_69 : i32
          scf.if %cond3A_70 {
            %mul3A_76 = arith.constant 80 : i32
            %mul3A_77 = arith.muli %arg1, %mul3A_76 : i32
            %add3A_78 = arith.addi %mul3A_77, %add3A_56 : i32
            %sub3A_79 = arith.constant 1 : i32
            %sub3A_80 = arith.subi %add3A_78, %sub3A_79 : i32
            %mul3A_81 = arith.constant 128 : i32
            %mul3A_82 = arith.muli %sub3A_80, %mul3A_81 : i32
            "tpu.region"() ({
              %run_scoped3A = tpu.sem_alloc : memref<!tpu.dma_semaphore, #tpu.memory_space<semaphore_mem>>
              %dma_start3A_83 = arith.constant 0 : i32
              %dma_start3A_84 = tpu.memref_slice %arg7[%mul3A_82, %dma_start3A_83] : memref<160000x128xf32, #tpu.memory_space<hbm>> -> memref<128x128xf32, #tpu.memory_space<hbm>>
              %dma_start3A_85 = arith.constant 0 : i32
              %dma_start3A_86 = tpu.memref_slice %arg7[%mul3A_82, %dma_start3A_85] : memref<160000x128xf32, #tpu.memory_space<hbm>> -> memref<128x128xf32, #tpu.memory_space<hbm>>
              tpu.enqueue_dma source(%arg9 : memref<128x128xf32, #tpu.memory_space<vmem>>) target(%dma_start3A_86 : memref<128x128xf32, #tpu.memory_space<hbm>>) target_semaphore(%run_scoped3A : memref<!tpu.dma_semaphore, #tpu.memory_space<semaphore_mem>>)
              %dma_wait3A_87 = arith.constant 0 : i32
              %dma_wait3A_88 = tpu.memref_slice %arg7[%mul3A_82, %dma_wait3A_87] : memref<160000x128xf32, #tpu.memory_space<hbm>> -> memref<128x128xf32, #tpu.memory_space<hbm>>
              %dma_wait3A_89 = arith.constant 0 : i32
              %dma_wait3A_90 = tpu.memref_slice %arg7[%mul3A_82, %dma_wait3A_89] : memref<160000x128xf32, #tpu.memory_space<hbm>> -> memref<128x128xf32, #tpu.memory_space<hbm>>
              tpu.wait_dma2 semaphore(%run_scoped3A : memref<!tpu.dma_semaphore, #tpu.memory_space<semaphore_mem>>) src(%arg9 : memref<128x128xf32, #tpu.memory_space<vmem>>) dst(%dma_wait3A_90 : memref<128x128xf32, #tpu.memory_space<hbm>>)
              tpu.yield
            }) : () -> ()
          } else {
          }
          %dma_wait3A = arith.constant 0 : i32
          %dma_wait3A_71 = tpu.memref_slice %arg8[%add3A_56, %dma_wait3A] : memref<80x128xi32, #tpu.memory_space<vmem>> -> memref<1x128xi32, #tpu.memory_space<vmem>>
          %dma_wait3A_72 = tpu.memref_squeeze %dma_wait3A_71 : memref<1x128xi32, #tpu.memory_space<vmem>> -> memref<128xi32, #tpu.memory_space<vmem>>
          %dma_wait3A_73 = arith.constant 0 : i32
          %dma_wait3A_74 = arith.constant 0 : i32
          %dma_wait3A_75 = tpu.memref_slice %arg11[%dma_wait3A_73, %dma_wait3A_74] : memref<10000x128xf32, #tpu.memory_space<vmem_shared>> -> memref<10000x128xf32, #tpu.memory_space<vmem_shared>>
          tpu.wait_indirect_dma semaphore(%arg12 : memref<!tpu.dma_semaphore, #tpu.memory_space<semaphore_mem>>) src(%dma_wait3A_75 : memref<10000x128xf32, #tpu.memory_space<vmem_shared>>) dst(%arg10 : memref<128x128xf32, #tpu.memory_space<vmem>>)
        } else {
        }
      }
      %scan3A_25 = arith.constant 40 : i32
      %ge3A = arith.constant 1 : i32
      %ge3A_26 = arith.cmpi sge, %min3A, %ge3A : i32
      %sub3A_27 = arith.constant 1 : i32
      %sub3A_28 = arith.subi %min3A, %sub3A_27 : i32
      %rem3A = arith.constant 2 : i32
      %rem3A_29 = arith.remsi %sub3A_28, %rem3A : i32
      %eq3A_30 = arith.constant 0 : i32
      %eq3A_31 = arith.cmpi eq, %rem3A_29, %eq3A_30 : i32
      %and3A = arith.andi %ge3A_26, %eq3A_31 : i1
      %convert_element_type3A_32 = arith.extui %and3A : i1 to i32
      %cond3A_33 = arith.constant 0 : i32
      %cond3A_34 = arith.cmpi ne, %convert_element_type3A_32, %cond3A_33 : i32
      scf.if %cond3A_34 {
        %mul3A_47 = arith.constant 80 : i32
        %mul3A_48 = arith.muli %arg1, %mul3A_47 : i32
        %add3A = arith.addi %mul3A_48, %min3A : i32
        %sub3A_49 = arith.constant 1 : i32
        %sub3A_50 = arith.subi %add3A, %sub3A_49 : i32
        %mul3A_51 = arith.constant 128 : i32
        %mul3A_52 = arith.muli %sub3A_50, %mul3A_51 : i32
        "tpu.region"() ({
          %run_scoped3A = tpu.sem_alloc : memref<!tpu.dma_semaphore, #tpu.memory_space<semaphore_mem>>
          %dma_start3A = arith.constant 0 : i32
          %dma_start3A_53 = tpu.memref_slice %arg7[%mul3A_52, %dma_start3A] : memref<160000x128xf32, #tpu.memory_space<hbm>> -> memref<128x128xf32, #tpu.memory_space<hbm>>
          %dma_start3A_54 = arith.constant 0 : i32
          %dma_start3A_55 = tpu.memref_slice %arg7[%mul3A_52, %dma_start3A_54] : memref<160000x128xf32, #tpu.memory_space<hbm>> -> memref<128x128xf32, #tpu.memory_space<hbm>>
          tpu.enqueue_dma source(%arg9 : memref<128x128xf32, #tpu.memory_space<vmem>>) target(%dma_start3A_55 : memref<128x128xf32, #tpu.memory_space<hbm>>) target_semaphore(%run_scoped3A : memref<!tpu.dma_semaphore, #tpu.memory_space<semaphore_mem>>)
          %dma_wait3A = arith.constant 0 : i32
          %dma_wait3A_56 = tpu.memref_slice %arg7[%mul3A_52, %dma_wait3A] : memref<160000x128xf32, #tpu.memory_space<hbm>> -> memref<128x128xf32, #tpu.memory_space<hbm>>
          %dma_wait3A_57 = arith.constant 0 : i32
          %dma_wait3A_58 = tpu.memref_slice %arg7[%mul3A_52, %dma_wait3A_57] : memref<160000x128xf32, #tpu.memory_space<hbm>> -> memref<128x128xf32, #tpu.memory_space<hbm>>
          tpu.wait_dma2 semaphore(%run_scoped3A : memref<!tpu.dma_semaphore, #tpu.memory_space<semaphore_mem>>) src(%arg9 : memref<128x128xf32, #tpu.memory_space<vmem>>) dst(%dma_wait3A_58 : memref<128x128xf32, #tpu.memory_space<hbm>>)
          tpu.yield
        }) : () -> ()
      } else {
      }
      %ge3A_35 = arith.constant 1 : i32
      %ge3A_36 = arith.cmpi sge, %min3A, %ge3A_35 : i32
      %sub3A_37 = arith.constant 1 : i32
      %sub3A_38 = arith.subi %min3A, %sub3A_37 : i32
      %rem3A_39 = arith.constant 2 : i32
      %rem3A_40 = arith.remsi %sub3A_38, %rem3A_39 : i32
      %eq3A_41 = arith.constant 1 : i32
      %eq3A_42 = arith.cmpi eq, %rem3A_40, %eq3A_41 : i32
      %and3A_43 = arith.andi %ge3A_36, %eq3A_42 : i1
      %convert_element_type3A_44 = arith.extui %and3A_43 : i1 to i32
      %cond3A_45 = arith.constant 0 : i32
      %cond3A_46 = arith.cmpi ne, %convert_element_type3A_44, %cond3A_45 : i32
      scf.if %cond3A_46 {
        %mul3A_47 = arith.constant 80 : i32
        %mul3A_48 = arith.muli %arg1, %mul3A_47 : i32
        %add3A = arith.addi %mul3A_48, %min3A : i32
        %sub3A_49 = arith.constant 1 : i32
        %sub3A_50 = arith.subi %add3A, %sub3A_49 : i32
        %mul3A_51 = arith.constant 128 : i32
        %mul3A_52 = arith.muli %sub3A_50, %mul3A_51 : i32
        "tpu.region"() ({
          %run_scoped3A = tpu.sem_alloc : memref<!tpu.dma_semaphore, #tpu.memory_space<semaphore_mem>>
          %dma_start3A = arith.constant 0 : i32
          %dma_start3A_53 = tpu.memref_slice %arg7[%mul3A_52, %dma_start3A] : memref<160000x128xf32, #tpu.memory_space<hbm>> -> memref<128x128xf32, #tpu.memory_space<hbm>>
          %dma_start3A_54 = arith.constant 0 : i32
          %dma_start3A_55 = tpu.memref_slice %arg7[%mul3A_52, %dma_start3A_54] : memref<160000x128xf32, #tpu.memory_space<hbm>> -> memref<128x128xf32, #tpu.memory_space<hbm>>
          tpu.enqueue_dma source(%arg10 : memref<128x128xf32, #tpu.memory_space<vmem>>) target(%dma_start3A_55 : memref<128x128xf32, #tpu.memory_space<hbm>>) target_semaphore(%run_scoped3A : memref<!tpu.dma_semaphore, #tpu.memory_space<semaphore_mem>>)
          %dma_wait3A = arith.constant 0 : i32
          %dma_wait3A_56 = tpu.memref_slice %arg7[%mul3A_52, %dma_wait3A] : memref<160000x128xf32, #tpu.memory_space<hbm>> -> memref<128x128xf32, #tpu.memory_space<hbm>>
          %dma_wait3A_57 = arith.constant 0 : i32
          %dma_wait3A_58 = tpu.memref_slice %arg7[%mul3A_52, %dma_wait3A_57] : memref<160000x128xf32, #tpu.memory_space<hbm>> -> memref<128x128xf32, #tpu.memory_space<hbm>>
          tpu.wait_dma2 semaphore(%run_scoped3A : memref<!tpu.dma_semaphore, #tpu.memory_space<semaphore_mem>>) src(%arg10 : memref<128x128xf32, #tpu.memory_space<vmem>>) dst(%dma_wait3A_58 : memref<128x128xf32, #tpu.memory_space<hbm>>)
          tpu.yield
        }) : () -> ()
      } else {
      }
    } else {
    }
    return
  }
}

#map = affine_map<(d0, d1) -> (0, 0)>
module attributes {stable_mosaic.version = 14 : i64} {
  func.func @scatter_k(%arg0: i32, %arg1: i32, %arg2: memref<160000x128xf32, #tpu.memory_space<hbm>>, %arg3: memref<1280x128xi32, #tpu.memory_space<hbm>>, %arg4: memref<1280x128xi32, #tpu.memory_space<hbm>>, %arg5: memref<10000x128xf32, #tpu.memory_space<hbm>>, %arg6: memref<20000x128xf32, #tpu.memory_space<hbm>>, %arg7: memref<40x128xi32, #tpu.memory_space<vmem>>, %arg8: memref<40x128xi32, #tpu.memory_space<vmem>>, %arg9: memref<128x128xf32, #tpu.memory_space<vmem>>, %arg10: memref<128x128xf32, #tpu.memory_space<vmem>>, %arg11: memref<10000x128xf32, #tpu.memory_space<vmem_shared>>, %arg12: memref<!tpu.dma_semaphore, #tpu.memory_space<semaphore_mem>>, %arg13: memref<!tpu.dma_semaphore, #tpu.memory_space<semaphore_mem>>, %arg14: memref<!tpu.dma_semaphore, #tpu.memory_space<semaphore_mem>>) attributes {dimension_semantics = [#tpu.dimension_semantics<core_parallel>, #tpu.dimension_semantics<subcore_parallel>], iteration_bounds = array<i64: 2, 16>, scalar_prefetch = 0 : i64, scratch_operands = 8 : i64, tpu.core_type = #tpu.core_type<sc_vector_subcore>, window_params = [{transform_indices = #map}, {transform_indices = #map}, {transform_indices = #map}, {transform_indices = #map}, {transform_indices = #map}]} {
    %mul3A = arith.constant 2 : i32
    %mul3A_0 = arith.muli %arg1, %mul3A : i32
    %add3A = arith.addi %mul3A_0, %arg0 : i32
    %lt3A = arith.constant 15 : i32
    %lt3A_1 = arith.cmpi slt, %arg1, %lt3A : i32
    %convert_element_type3A = arith.extui %lt3A_1 : i1 to i32
    %cond3A = arith.constant 0 : i32
    %cond3A_2 = arith.cmpi ne, %convert_element_type3A, %cond3A : i32
    scf.if %cond3A_2 {
      %mul3A_35 = arith.constant 632 : i32
      %mul3A_36 = arith.muli %arg1, %mul3A_35 : i32
      %mul3A_37 = arith.constant 632 : i32
      %mul3A_38 = arith.muli %arg1, %mul3A_37 : i32
      "tpu.region"() ({
        %run_scoped3A = tpu.sem_alloc : memref<!tpu.dma_semaphore, #tpu.memory_space<semaphore_mem>>
        %dma_start3A = arith.constant 0 : i32
        %dma_start3A_39 = tpu.memref_slice %arg11[%mul3A_38, %dma_start3A] : memref<10000x128xf32, #tpu.memory_space<vmem_shared>> -> memref<632x128xf32, #tpu.memory_space<vmem_shared>>
        %dma_start3A_40 = arith.constant 0 : i32
        %dma_start3A_41 = tpu.memref_slice %arg5[%mul3A_36, %dma_start3A_40] : memref<10000x128xf32, #tpu.memory_space<hbm>> -> memref<632x128xf32, #tpu.memory_space<hbm>>
        tpu.enqueue_dma source(%dma_start3A_41 : memref<632x128xf32, #tpu.memory_space<hbm>>) target(%dma_start3A_39 : memref<632x128xf32, #tpu.memory_space<vmem_shared>>) target_semaphore(%run_scoped3A : memref<!tpu.dma_semaphore, #tpu.memory_space<semaphore_mem>>)
        %dma_wait3A = arith.constant 0 : i32
        %dma_wait3A_42 = tpu.memref_slice %arg11[%mul3A_38, %dma_wait3A] : memref<10000x128xf32, #tpu.memory_space<vmem_shared>> -> memref<632x128xf32, #tpu.memory_space<vmem_shared>>
        %dma_wait3A_43 = arith.constant 0 : i32
        %dma_wait3A_44 = tpu.memref_slice %arg5[%mul3A_36, %dma_wait3A_43] : memref<10000x128xf32, #tpu.memory_space<hbm>> -> memref<632x128xf32, #tpu.memory_space<hbm>>
        tpu.wait_dma2 semaphore(%run_scoped3A : memref<!tpu.dma_semaphore, #tpu.memory_space<semaphore_mem>>) src(%dma_wait3A_44 : memref<632x128xf32, #tpu.memory_space<hbm>>) dst(%dma_wait3A_42 : memref<632x128xf32, #tpu.memory_space<vmem_shared>>)
        tpu.yield
      }) : () -> ()
    } else {
    }
    %eq3A = arith.constant 15 : i32
    %eq3A_3 = arith.cmpi eq, %arg1, %eq3A : i32
    %convert_element_type3A_4 = arith.extui %eq3A_3 : i1 to i32
    %cond3A_5 = arith.constant 0 : i32
    %cond3A_6 = arith.cmpi ne, %convert_element_type3A_4, %cond3A_5 : i32
    scf.if %cond3A_6 {
      %mul3A_35 = arith.constant 632 : i32
      %mul3A_36 = arith.muli %arg1, %mul3A_35 : i32
      %mul3A_37 = arith.constant 632 : i32
      %mul3A_38 = arith.muli %arg1, %mul3A_37 : i32
      "tpu.region"() ({
        %run_scoped3A = tpu.sem_alloc : memref<!tpu.dma_semaphore, #tpu.memory_space<semaphore_mem>>
        %dma_start3A = arith.constant 0 : i32
        %dma_start3A_39 = tpu.memref_slice %arg11[%mul3A_38, %dma_start3A] : memref<10000x128xf32, #tpu.memory_space<vmem_shared>> -> memref<520x128xf32, #tpu.memory_space<vmem_shared>>
        %dma_start3A_40 = arith.constant 0 : i32
        %dma_start3A_41 = tpu.memref_slice %arg5[%mul3A_36, %dma_start3A_40] : memref<10000x128xf32, #tpu.memory_space<hbm>> -> memref<520x128xf32, #tpu.memory_space<hbm>>
        tpu.enqueue_dma source(%dma_start3A_41 : memref<520x128xf32, #tpu.memory_space<hbm>>) target(%dma_start3A_39 : memref<520x128xf32, #tpu.memory_space<vmem_shared>>) target_semaphore(%run_scoped3A : memref<!tpu.dma_semaphore, #tpu.memory_space<semaphore_mem>>)
        %dma_wait3A = arith.constant 0 : i32
        %dma_wait3A_42 = tpu.memref_slice %arg11[%mul3A_38, %dma_wait3A] : memref<10000x128xf32, #tpu.memory_space<vmem_shared>> -> memref<520x128xf32, #tpu.memory_space<vmem_shared>>
        %dma_wait3A_43 = arith.constant 0 : i32
        %dma_wait3A_44 = tpu.memref_slice %arg5[%mul3A_36, %dma_wait3A_43] : memref<10000x128xf32, #tpu.memory_space<hbm>> -> memref<520x128xf32, #tpu.memory_space<hbm>>
        tpu.wait_dma2 semaphore(%run_scoped3A : memref<!tpu.dma_semaphore, #tpu.memory_space<semaphore_mem>>) src(%dma_wait3A_44 : memref<520x128xf32, #tpu.memory_space<hbm>>) dst(%dma_wait3A_42 : memref<520x128xf32, #tpu.memory_space<vmem_shared>>)
        tpu.yield
      }) : () -> ()
    } else {
    }
    %barrier3A = arith.constant 0 : index
    tpu.barrier barrier_id(%barrier3A)
    %mul3A_7 = arith.constant 40 : i32
    %mul3A_8 = arith.muli %add3A, %mul3A_7 : i32
    %sub3A = arith.constant 1250 : i32
    %sub3A_9 = arith.subi %sub3A, %mul3A_8 : i32
    %jit3A = arith.constant 0 : i32
    %jit3A_10 = arith.constant 40 : i32
    %max3A = arith.maxsi %jit3A, %sub3A_9 : i32
    %min3A = arith.minsi %jit3A_10, %max3A : i32
    %mul3A_11 = arith.constant 40 : i32
    %mul3A_12 = arith.muli %add3A, %mul3A_11 : i32
    "tpu.region"() ({
      %run_scoped3A = tpu.sem_alloc : memref<!tpu.dma_semaphore, #tpu.memory_space<semaphore_mem>>
      %dma_start3A = arith.constant 0 : i32
      %dma_start3A_35 = tpu.memref_slice %arg3[%mul3A_12, %dma_start3A] : memref<1280x128xi32, #tpu.memory_space<hbm>> -> memref<40x128xi32, #tpu.memory_space<hbm>>
      %dma_start3A_36 = arith.constant 0 : i32
      %dma_start3A_37 = tpu.memref_slice %arg3[%mul3A_12, %dma_start3A_36] : memref<1280x128xi32, #tpu.memory_space<hbm>> -> memref<40x128xi32, #tpu.memory_space<hbm>>
      tpu.enqueue_dma source(%dma_start3A_37 : memref<40x128xi32, #tpu.memory_space<hbm>>) target(%arg7 : memref<40x128xi32, #tpu.memory_space<vmem>>) target_semaphore(%run_scoped3A : memref<!tpu.dma_semaphore, #tpu.memory_space<semaphore_mem>>)
      %dma_wait3A = arith.constant 0 : i32
      %dma_wait3A_38 = tpu.memref_slice %arg3[%mul3A_12, %dma_wait3A] : memref<1280x128xi32, #tpu.memory_space<hbm>> -> memref<40x128xi32, #tpu.memory_space<hbm>>
      %dma_wait3A_39 = arith.constant 0 : i32
      %dma_wait3A_40 = tpu.memref_slice %arg3[%mul3A_12, %dma_wait3A_39] : memref<1280x128xi32, #tpu.memory_space<hbm>> -> memref<40x128xi32, #tpu.memory_space<hbm>>
      tpu.wait_dma2 semaphore(%run_scoped3A : memref<!tpu.dma_semaphore, #tpu.memory_space<semaphore_mem>>) src(%dma_wait3A_40 : memref<40x128xi32, #tpu.memory_space<hbm>>) dst(%arg7 : memref<40x128xi32, #tpu.memory_space<vmem>>)
      tpu.yield
    }) : () -> ()
    %mul3A_13 = arith.constant 40 : i32
    %mul3A_14 = arith.muli %add3A, %mul3A_13 : i32
    "tpu.region"() ({
      %run_scoped3A = tpu.sem_alloc : memref<!tpu.dma_semaphore, #tpu.memory_space<semaphore_mem>>
      %dma_start3A = arith.constant 0 : i32
      %dma_start3A_35 = tpu.memref_slice %arg4[%mul3A_14, %dma_start3A] : memref<1280x128xi32, #tpu.memory_space<hbm>> -> memref<40x128xi32, #tpu.memory_space<hbm>>
      %dma_start3A_36 = arith.constant 0 : i32
      %dma_start3A_37 = tpu.memref_slice %arg4[%mul3A_14, %dma_start3A_36] : memref<1280x128xi32, #tpu.memory_space<hbm>> -> memref<40x128xi32, #tpu.memory_space<hbm>>
      tpu.enqueue_dma source(%dma_start3A_37 : memref<40x128xi32, #tpu.memory_space<hbm>>) target(%arg8 : memref<40x128xi32, #tpu.memory_space<vmem>>) target_semaphore(%run_scoped3A : memref<!tpu.dma_semaphore, #tpu.memory_space<semaphore_mem>>)
      %dma_wait3A = arith.constant 0 : i32
      %dma_wait3A_38 = tpu.memref_slice %arg4[%mul3A_14, %dma_wait3A] : memref<1280x128xi32, #tpu.memory_space<hbm>> -> memref<40x128xi32, #tpu.memory_space<hbm>>
      %dma_wait3A_39 = arith.constant 0 : i32
      %dma_wait3A_40 = tpu.memref_slice %arg4[%mul3A_14, %dma_wait3A_39] : memref<1280x128xi32, #tpu.memory_space<hbm>> -> memref<40x128xi32, #tpu.memory_space<hbm>>
      tpu.wait_dma2 semaphore(%run_scoped3A : memref<!tpu.dma_semaphore, #tpu.memory_space<semaphore_mem>>) src(%dma_wait3A_40 : memref<40x128xi32, #tpu.memory_space<hbm>>) dst(%arg8 : memref<40x128xi32, #tpu.memory_space<vmem>>)
      tpu.yield
    }) : () -> ()
    %ge3A = arith.constant 1 : i32
    %ge3A_15 = arith.cmpi sge, %min3A, %ge3A : i32
    %convert_element_type3A_16 = arith.extui %ge3A_15 : i1 to i32
    %cond3A_17 = arith.constant 0 : i32
    %cond3A_18 = arith.cmpi ne, %convert_element_type3A_16, %cond3A_17 : i32
    scf.if %cond3A_18 {
      %mul3A_35 = arith.constant 40 : i32
      %mul3A_36 = arith.muli %add3A, %mul3A_35 : i32
      %add3A_37 = arith.constant 0 : i32
      %add3A_38 = arith.addi %mul3A_36, %add3A_37 : i32
      %mul3A_39 = arith.constant 128 : i32
      %mul3A_40 = arith.muli %add3A_38, %mul3A_39 : i32
      %dma_start3A = arith.constant 0 : i32
      %dma_start3A_41 = tpu.memref_slice %arg2[%mul3A_40, %dma_start3A] : memref<160000x128xf32, #tpu.memory_space<hbm>> -> memref<128x128xf32, #tpu.memory_space<hbm>>
      %dma_start3A_42 = arith.constant 0 : i32
      %dma_start3A_43 = tpu.memref_slice %arg2[%mul3A_40, %dma_start3A_42] : memref<160000x128xf32, #tpu.memory_space<hbm>> -> memref<128x128xf32, #tpu.memory_space<hbm>>
      tpu.enqueue_dma source(%dma_start3A_43 : memref<128x128xf32, #tpu.memory_space<hbm>>) target(%arg9 : memref<128x128xf32, #tpu.memory_space<vmem>>) target_semaphore(%arg12 : memref<!tpu.dma_semaphore, #tpu.memory_space<semaphore_mem>>)
    } else {
    }
    %scan3A = arith.constant 0 : i32
    %scan3A_19 = arith.constant 0 : i32
    %scan3A_20 = arith.constant 20 : i32
    %scan3A_21 = arith.addi %scan3A_19, %scan3A_20 : i32
    %scan3A_22 = arith.constant 1 : i32
    scf.for %scan3A_35 = %scan3A_19 to %scan3A_21 step %scan3A_22  : i32 {
      %mul3A_36 = arith.constant 2 : i32
      %mul3A_37 = arith.muli %mul3A_36, %scan3A_35 : i32
      %lt3A_38 = arith.cmpi slt, %mul3A_37, %min3A : i32
      %convert_element_type3A_39 = arith.extui %lt3A_38 : i1 to i32
      %cond3A_40 = arith.constant 0 : i32
      %cond3A_41 = arith.cmpi ne, %convert_element_type3A_39, %cond3A_40 : i32
      scf.if %cond3A_41 {
        %dma_wait3A = arith.constant 0 : i32
        %dma_wait3A_50 = arith.constant 0 : i32
        %dma_wait3A_51 = tpu.memref_slice %arg2[%dma_wait3A, %dma_wait3A_50] : memref<160000x128xf32, #tpu.memory_space<hbm>> -> memref<128x128xf32, #tpu.memory_space<hbm>>
        %dma_wait3A_52 = arith.constant 0 : i32
        %dma_wait3A_53 = arith.constant 0 : i32
        %dma_wait3A_54 = tpu.memref_slice %arg2[%dma_wait3A_52, %dma_wait3A_53] : memref<160000x128xf32, #tpu.memory_space<hbm>> -> memref<128x128xf32, #tpu.memory_space<hbm>>
        tpu.wait_dma2 semaphore(%arg12 : memref<!tpu.dma_semaphore, #tpu.memory_space<semaphore_mem>>) src(%dma_wait3A_54 : memref<128x128xf32, #tpu.memory_space<hbm>>) dst(%arg9 : memref<128x128xf32, #tpu.memory_space<vmem>>)
        %add3A_55 = arith.constant 1 : i32
        %add3A_56 = arith.addi %mul3A_37, %add3A_55 : i32
        %lt3A_57 = arith.cmpi slt, %add3A_56, %min3A : i32
        %convert_element_type3A_58 = arith.extui %lt3A_57 : i1 to i32
        %cond3A_59 = arith.constant 0 : i32
        %cond3A_60 = arith.cmpi ne, %convert_element_type3A_58, %cond3A_59 : i32
        scf.if %cond3A_60 {
          %add3A_84 = arith.constant 1 : i32
          %add3A_85 = arith.addi %mul3A_37, %add3A_84 : i32
          %mul3A_86 = arith.constant 40 : i32
          %mul3A_87 = arith.muli %add3A, %mul3A_86 : i32
          %add3A_88 = arith.addi %mul3A_87, %add3A_85 : i32
          %mul3A_89 = arith.constant 128 : i32
          %mul3A_90 = arith.muli %add3A_88, %mul3A_89 : i32
          %dma_start3A_91 = arith.constant 0 : i32
          %dma_start3A_92 = tpu.memref_slice %arg2[%mul3A_90, %dma_start3A_91] : memref<160000x128xf32, #tpu.memory_space<hbm>> -> memref<128x128xf32, #tpu.memory_space<hbm>>
          %dma_start3A_93 = arith.constant 0 : i32
          %dma_start3A_94 = tpu.memref_slice %arg2[%mul3A_90, %dma_start3A_93] : memref<160000x128xf32, #tpu.memory_space<hbm>> -> memref<128x128xf32, #tpu.memory_space<hbm>>
          tpu.enqueue_dma source(%dma_start3A_94 : memref<128x128xf32, #tpu.memory_space<hbm>>) target(%arg10 : memref<128x128xf32, #tpu.memory_space<vmem>>) target_semaphore(%arg13 : memref<!tpu.dma_semaphore, #tpu.memory_space<semaphore_mem>>)
        } else {
        }
        %dma_start3A = arith.constant 0 : i32
        %dma_start3A_61 = tpu.memref_slice %arg7[%mul3A_37, %dma_start3A] : memref<40x128xi32, #tpu.memory_space<vmem>> -> memref<1x128xi32, #tpu.memory_space<vmem>>
        %dma_start3A_62 = tpu.memref_squeeze %dma_start3A_61 : memref<1x128xi32, #tpu.memory_space<vmem>> -> memref<128xi32, #tpu.memory_space<vmem>>
        %dma_start3A_63 = arith.constant 0 : i32
        %dma_start3A_64 = arith.constant 0 : i32
        %dma_start3A_65 = tpu.memref_slice %arg11[%dma_start3A_63, %dma_start3A_64] : memref<10000x128xf32, #tpu.memory_space<vmem_shared>> -> memref<10000x128xf32, #tpu.memory_space<vmem_shared>>
        tpu.enqueue_indirect_dma source(%arg9 : memref<128x128xf32, #tpu.memory_space<vmem>>) target(%dma_start3A_65 : memref<10000x128xf32, #tpu.memory_space<vmem_shared>>) offsets(%dma_start3A_62 : memref<128xi32, #tpu.memory_space<vmem>>) semaphore(%arg14 : memref<!tpu.dma_semaphore, #tpu.memory_space<semaphore_mem>>) {add = true}
        %dma_start3A_66 = arith.constant 0 : i32
        %dma_start3A_67 = tpu.memref_slice %arg8[%mul3A_37, %dma_start3A_66] : memref<40x128xi32, #tpu.memory_space<vmem>> -> memref<1x128xi32, #tpu.memory_space<vmem>>
        %dma_start3A_68 = tpu.memref_squeeze %dma_start3A_67 : memref<1x128xi32, #tpu.memory_space<vmem>> -> memref<128xi32, #tpu.memory_space<vmem>>
        %dma_start3A_69 = arith.constant 0 : i32
        %dma_start3A_70 = arith.constant 0 : i32
        %dma_start3A_71 = tpu.memref_slice %arg11[%dma_start3A_69, %dma_start3A_70] : memref<10000x128xf32, #tpu.memory_space<vmem_shared>> -> memref<10000x128xf32, #tpu.memory_space<vmem_shared>>
        tpu.enqueue_indirect_dma source(%arg9 : memref<128x128xf32, #tpu.memory_space<vmem>>) target(%dma_start3A_71 : memref<10000x128xf32, #tpu.memory_space<vmem_shared>>) offsets(%dma_start3A_68 : memref<128xi32, #tpu.memory_space<vmem>>) semaphore(%arg14 : memref<!tpu.dma_semaphore, #tpu.memory_space<semaphore_mem>>) {add = true}
        %dma_wait3A_72 = arith.constant 0 : i32
        %dma_wait3A_73 = tpu.memref_slice %arg7[%mul3A_37, %dma_wait3A_72] : memref<40x128xi32, #tpu.memory_space<vmem>> -> memref<1x128xi32, #tpu.memory_space<vmem>>
        %dma_wait3A_74 = tpu.memref_squeeze %dma_wait3A_73 : memref<1x128xi32, #tpu.memory_space<vmem>> -> memref<128xi32, #tpu.memory_space<vmem>>
        %dma_wait3A_75 = arith.constant 0 : i32
        %dma_wait3A_76 = arith.constant 0 : i32
        %dma_wait3A_77 = tpu.memref_slice %arg11[%dma_wait3A_75, %dma_wait3A_76] : memref<10000x128xf32, #tpu.memory_space<vmem_shared>> -> memref<10000x128xf32, #tpu.memory_space<vmem_shared>>
        tpu.wait_indirect_dma semaphore(%arg14 : memref<!tpu.dma_semaphore, #tpu.memory_space<semaphore_mem>>) src(%arg9 : memref<128x128xf32, #tpu.memory_space<vmem>>) dst(%dma_wait3A_77 : memref<10000x128xf32, #tpu.memory_space<vmem_shared>>)
        %dma_wait3A_78 = arith.constant 0 : i32
        %dma_wait3A_79 = tpu.memref_slice %arg8[%mul3A_37, %dma_wait3A_78] : memref<40x128xi32, #tpu.memory_space<vmem>> -> memref<1x128xi32, #tpu.memory_space<vmem>>
        %dma_wait3A_80 = tpu.memref_squeeze %dma_wait3A_79 : memref<1x128xi32, #tpu.memory_space<vmem>> -> memref<128xi32, #tpu.memory_space<vmem>>
        %dma_wait3A_81 = arith.constant 0 : i32
        %dma_wait3A_82 = arith.constant 0 : i32
        %dma_wait3A_83 = tpu.memref_slice %arg11[%dma_wait3A_81, %dma_wait3A_82] : memref<10000x128xf32, #tpu.memory_space<vmem_shared>> -> memref<10000x128xf32, #tpu.memory_space<vmem_shared>>
        tpu.wait_indirect_dma semaphore(%arg14 : memref<!tpu.dma_semaphore, #tpu.memory_space<semaphore_mem>>) src(%arg9 : memref<128x128xf32, #tpu.memory_space<vmem>>) dst(%dma_wait3A_83 : memref<10000x128xf32, #tpu.memory_space<vmem_shared>>)
      } else {
      }
      %mul3A_42 = arith.constant 2 : i32
      %mul3A_43 = arith.muli %mul3A_42, %scan3A_35 : i32
      %add3A_44 = arith.constant 1 : i32
      %add3A_45 = arith.addi %mul3A_43, %add3A_44 : i32
      %lt3A_46 = arith.cmpi slt, %add3A_45, %min3A : i32
      %convert_element_type3A_47 = arith.extui %lt3A_46 : i1 to i32
      %cond3A_48 = arith.constant 0 : i32
      %cond3A_49 = arith.cmpi ne, %convert_element_type3A_47, %cond3A_48 : i32
      scf.if %cond3A_49 {
        %dma_wait3A = arith.constant 0 : i32
        %dma_wait3A_50 = arith.constant 0 : i32
        %dma_wait3A_51 = tpu.memref_slice %arg2[%dma_wait3A, %dma_wait3A_50] : memref<160000x128xf32, #tpu.memory_space<hbm>> -> memref<128x128xf32, #tpu.memory_space<hbm>>
        %dma_wait3A_52 = arith.constant 0 : i32
        %dma_wait3A_53 = arith.constant 0 : i32
        %dma_wait3A_54 = tpu.memref_slice %arg2[%dma_wait3A_52, %dma_wait3A_53] : memref<160000x128xf32, #tpu.memory_space<hbm>> -> memref<128x128xf32, #tpu.memory_space<hbm>>
        tpu.wait_dma2 semaphore(%arg13 : memref<!tpu.dma_semaphore, #tpu.memory_space<semaphore_mem>>) src(%dma_wait3A_54 : memref<128x128xf32, #tpu.memory_space<hbm>>) dst(%arg10 : memref<128x128xf32, #tpu.memory_space<vmem>>)
        %add3A_55 = arith.constant 1 : i32
        %add3A_56 = arith.addi %add3A_45, %add3A_55 : i32
        %lt3A_57 = arith.cmpi slt, %add3A_56, %min3A : i32
        %convert_element_type3A_58 = arith.extui %lt3A_57 : i1 to i32
        %cond3A_59 = arith.constant 0 : i32
        %cond3A_60 = arith.cmpi ne, %convert_element_type3A_58, %cond3A_59 : i32
        scf.if %cond3A_60 {
          %add3A_84 = arith.constant 1 : i32
          %add3A_85 = arith.addi %add3A_45, %add3A_84 : i32
          %mul3A_86 = arith.constant 40 : i32
          %mul3A_87 = arith.muli %add3A, %mul3A_86 : i32
          %add3A_88 = arith.addi %mul3A_87, %add3A_85 : i32
          %mul3A_89 = arith.constant 128 : i32
          %mul3A_90 = arith.muli %add3A_88, %mul3A_89 : i32
          %dma_start3A_91 = arith.constant 0 : i32
          %dma_start3A_92 = tpu.memref_slice %arg2[%mul3A_90, %dma_start3A_91] : memref<160000x128xf32, #tpu.memory_space<hbm>> -> memref<128x128xf32, #tpu.memory_space<hbm>>
          %dma_start3A_93 = arith.constant 0 : i32
          %dma_start3A_94 = tpu.memref_slice %arg2[%mul3A_90, %dma_start3A_93] : memref<160000x128xf32, #tpu.memory_space<hbm>> -> memref<128x128xf32, #tpu.memory_space<hbm>>
          tpu.enqueue_dma source(%dma_start3A_94 : memref<128x128xf32, #tpu.memory_space<hbm>>) target(%arg9 : memref<128x128xf32, #tpu.memory_space<vmem>>) target_semaphore(%arg12 : memref<!tpu.dma_semaphore, #tpu.memory_space<semaphore_mem>>)
        } else {
        }
        %dma_start3A = arith.constant 0 : i32
        %dma_start3A_61 = tpu.memref_slice %arg7[%add3A_45, %dma_start3A] : memref<40x128xi32, #tpu.memory_space<vmem>> -> memref<1x128xi32, #tpu.memory_space<vmem>>
        %dma_start3A_62 = tpu.memref_squeeze %dma_start3A_61 : memref<1x128xi32, #tpu.memory_space<vmem>> -> memref<128xi32, #tpu.memory_space<vmem>>
        %dma_start3A_63 = arith.constant 0 : i32
        %dma_start3A_64 = arith.constant 0 : i32
        %dma_start3A_65 = tpu.memref_slice %arg11[%dma_start3A_63, %dma_start3A_64] : memref<10000x128xf32, #tpu.memory_space<vmem_shared>> -> memref<10000x128xf32, #tpu.memory_space<vmem_shared>>
        tpu.enqueue_indirect_dma source(%arg10 : memref<128x128xf32, #tpu.memory_space<vmem>>) target(%dma_start3A_65 : memref<10000x128xf32, #tpu.memory_space<vmem_shared>>) offsets(%dma_start3A_62 : memref<128xi32, #tpu.memory_space<vmem>>) semaphore(%arg14 : memref<!tpu.dma_semaphore, #tpu.memory_space<semaphore_mem>>) {add = true}
        %dma_start3A_66 = arith.constant 0 : i32
        %dma_start3A_67 = tpu.memref_slice %arg8[%add3A_45, %dma_start3A_66] : memref<40x128xi32, #tpu.memory_space<vmem>> -> memref<1x128xi32, #tpu.memory_space<vmem>>
        %dma_start3A_68 = tpu.memref_squeeze %dma_start3A_67 : memref<1x128xi32, #tpu.memory_space<vmem>> -> memref<128xi32, #tpu.memory_space<vmem>>
        %dma_start3A_69 = arith.constant 0 : i32
        %dma_start3A_70 = arith.constant 0 : i32
        %dma_start3A_71 = tpu.memref_slice %arg11[%dma_start3A_69, %dma_start3A_70] : memref<10000x128xf32, #tpu.memory_space<vmem_shared>> -> memref<10000x128xf32, #tpu.memory_space<vmem_shared>>
        tpu.enqueue_indirect_dma source(%arg10 : memref<128x128xf32, #tpu.memory_space<vmem>>) target(%dma_start3A_71 : memref<10000x128xf32, #tpu.memory_space<vmem_shared>>) offsets(%dma_start3A_68 : memref<128xi32, #tpu.memory_space<vmem>>) semaphore(%arg14 : memref<!tpu.dma_semaphore, #tpu.memory_space<semaphore_mem>>) {add = true}
        %dma_wait3A_72 = arith.constant 0 : i32
        %dma_wait3A_73 = tpu.memref_slice %arg7[%add3A_45, %dma_wait3A_72] : memref<40x128xi32, #tpu.memory_space<vmem>> -> memref<1x128xi32, #tpu.memory_space<vmem>>
        %dma_wait3A_74 = tpu.memref_squeeze %dma_wait3A_73 : memref<1x128xi32, #tpu.memory_space<vmem>> -> memref<128xi32, #tpu.memory_space<vmem>>
        %dma_wait3A_75 = arith.constant 0 : i32
        %dma_wait3A_76 = arith.constant 0 : i32
        %dma_wait3A_77 = tpu.memref_slice %arg11[%dma_wait3A_75, %dma_wait3A_76] : memref<10000x128xf32, #tpu.memory_space<vmem_shared>> -> memref<10000x128xf32, #tpu.memory_space<vmem_shared>>
        tpu.wait_indirect_dma semaphore(%arg14 : memref<!tpu.dma_semaphore, #tpu.memory_space<semaphore_mem>>) src(%arg10 : memref<128x128xf32, #tpu.memory_space<vmem>>) dst(%dma_wait3A_77 : memref<10000x128xf32, #tpu.memory_space<vmem_shared>>)
        %dma_wait3A_78 = arith.constant 0 : i32
        %dma_wait3A_79 = tpu.memref_slice %arg8[%add3A_45, %dma_wait3A_78] : memref<40x128xi32, #tpu.memory_space<vmem>> -> memref<1x128xi32, #tpu.memory_space<vmem>>
        %dma_wait3A_80 = tpu.memref_squeeze %dma_wait3A_79 : memref<1x128xi32, #tpu.memory_space<vmem>> -> memref<128xi32, #tpu.memory_space<vmem>>
        %dma_wait3A_81 = arith.constant 0 : i32
        %dma_wait3A_82 = arith.constant 0 : i32
        %dma_wait3A_83 = tpu.memref_slice %arg11[%dma_wait3A_81, %dma_wait3A_82] : memref<10000x128xf32, #tpu.memory_space<vmem_shared>> -> memref<10000x128xf32, #tpu.memory_space<vmem_shared>>
        tpu.wait_indirect_dma semaphore(%arg14 : memref<!tpu.dma_semaphore, #tpu.memory_space<semaphore_mem>>) src(%arg10 : memref<128x128xf32, #tpu.memory_space<vmem>>) dst(%dma_wait3A_83 : memref<10000x128xf32, #tpu.memory_space<vmem_shared>>)
      } else {
      }
    }
    %scan3A_23 = arith.constant 20 : i32
    %barrier3A_24 = arith.constant 0 : index
    tpu.barrier barrier_id(%barrier3A_24)
    %lt3A_25 = arith.constant 15 : i32
    %lt3A_26 = arith.cmpi slt, %arg1, %lt3A_25 : i32
    %convert_element_type3A_27 = arith.extui %lt3A_26 : i1 to i32
    %cond3A_28 = arith.constant 0 : i32
    %cond3A_29 = arith.cmpi ne, %convert_element_type3A_27, %cond3A_28 : i32
    scf.if %cond3A_29 {
      %mul3A_35 = arith.constant 632 : i32
      %mul3A_36 = arith.muli %arg1, %mul3A_35 : i32
      %mul3A_37 = arith.constant 10000 : i32
      %mul3A_38 = arith.muli %arg0, %mul3A_37 : i32
      %mul3A_39 = arith.constant 632 : i32
      %mul3A_40 = arith.muli %arg1, %mul3A_39 : i32
      %add3A_41 = arith.addi %mul3A_38, %mul3A_40 : i32
      "tpu.region"() ({
        %run_scoped3A = tpu.sem_alloc : memref<!tpu.dma_semaphore, #tpu.memory_space<semaphore_mem>>
        %dma_start3A = arith.constant 0 : i32
        %dma_start3A_42 = tpu.memref_slice %arg6[%add3A_41, %dma_start3A] : memref<20000x128xf32, #tpu.memory_space<hbm>> -> memref<632x128xf32, #tpu.memory_space<hbm>>
        %dma_start3A_43 = arith.constant 0 : i32
        %dma_start3A_44 = tpu.memref_slice %arg11[%mul3A_36, %dma_start3A_43] : memref<10000x128xf32, #tpu.memory_space<vmem_shared>> -> memref<632x128xf32, #tpu.memory_space<vmem_shared>>
        tpu.enqueue_dma source(%dma_start3A_44 : memref<632x128xf32, #tpu.memory_space<vmem_shared>>) target(%dma_start3A_42 : memref<632x128xf32, #tpu.memory_space<hbm>>) target_semaphore(%run_scoped3A : memref<!tpu.dma_semaphore, #tpu.memory_space<semaphore_mem>>)
        %dma_wait3A = arith.constant 0 : i32
        %dma_wait3A_45 = tpu.memref_slice %arg6[%add3A_41, %dma_wait3A] : memref<20000x128xf32, #tpu.memory_space<hbm>> -> memref<632x128xf32, #tpu.memory_space<hbm>>
        %dma_wait3A_46 = arith.constant 0 : i32
        %dma_wait3A_47 = tpu.memref_slice %arg11[%mul3A_36, %dma_wait3A_46] : memref<10000x128xf32, #tpu.memory_space<vmem_shared>> -> memref<632x128xf32, #tpu.memory_space<vmem_shared>>
        tpu.wait_dma2 semaphore(%run_scoped3A : memref<!tpu.dma_semaphore, #tpu.memory_space<semaphore_mem>>) src(%dma_wait3A_47 : memref<632x128xf32, #tpu.memory_space<vmem_shared>>) dst(%dma_wait3A_45 : memref<632x128xf32, #tpu.memory_space<hbm>>)
        tpu.yield
      }) : () -> ()
    } else {
    }
    %eq3A_30 = arith.constant 15 : i32
    %eq3A_31 = arith.cmpi eq, %arg1, %eq3A_30 : i32
    %convert_element_type3A_32 = arith.extui %eq3A_31 : i1 to i32
    %cond3A_33 = arith.constant 0 : i32
    %cond3A_34 = arith.cmpi ne, %convert_element_type3A_32, %cond3A_33 : i32
    scf.if %cond3A_34 {
      %mul3A_35 = arith.constant 632 : i32
      %mul3A_36 = arith.muli %arg1, %mul3A_35 : i32
      %mul3A_37 = arith.constant 10000 : i32
      %mul3A_38 = arith.muli %arg0, %mul3A_37 : i32
      %mul3A_39 = arith.constant 632 : i32
      %mul3A_40 = arith.muli %arg1, %mul3A_39 : i32
      %add3A_41 = arith.addi %mul3A_38, %mul3A_40 : i32
      "tpu.region"() ({
        %run_scoped3A = tpu.sem_alloc : memref<!tpu.dma_semaphore, #tpu.memory_space<semaphore_mem>>
        %dma_start3A = arith.constant 0 : i32
        %dma_start3A_42 = tpu.memref_slice %arg6[%add3A_41, %dma_start3A] : memref<20000x128xf32, #tpu.memory_space<hbm>> -> memref<520x128xf32, #tpu.memory_space<hbm>>
        %dma_start3A_43 = arith.constant 0 : i32
        %dma_start3A_44 = tpu.memref_slice %arg11[%mul3A_36, %dma_start3A_43] : memref<10000x128xf32, #tpu.memory_space<vmem_shared>> -> memref<520x128xf32, #tpu.memory_space<vmem_shared>>
        tpu.enqueue_dma source(%dma_start3A_44 : memref<520x128xf32, #tpu.memory_space<vmem_shared>>) target(%dma_start3A_42 : memref<520x128xf32, #tpu.memory_space<hbm>>) target_semaphore(%run_scoped3A : memref<!tpu.dma_semaphore, #tpu.memory_space<semaphore_mem>>)
        %dma_wait3A = arith.constant 0 : i32
        %dma_wait3A_45 = tpu.memref_slice %arg6[%add3A_41, %dma_wait3A] : memref<20000x128xf32, #tpu.memory_space<hbm>> -> memref<520x128xf32, #tpu.memory_space<hbm>>
        %dma_wait3A_46 = arith.constant 0 : i32
        %dma_wait3A_47 = tpu.memref_slice %arg11[%mul3A_36, %dma_wait3A_46] : memref<10000x128xf32, #tpu.memory_space<vmem_shared>> -> memref<520x128xf32, #tpu.memory_space<vmem_shared>>
        tpu.wait_dma2 semaphore(%run_scoped3A : memref<!tpu.dma_semaphore, #tpu.memory_space<semaphore_mem>>) src(%dma_wait3A_47 : memref<520x128xf32, #tpu.memory_space<vmem_shared>>) dst(%dma_wait3A_45 : memref<520x128xf32, #tpu.memory_space<hbm>>)
        tpu.yield
      }) : () -> ()
    } else {
    }
    return
  }
}

module attributes {stable_mosaic.version = 14 : i64} {
  func.func @body(%arg0: i32, %arg1: memref<2000x128xf32, #tpu.memory_space<vmem>>, %arg2: memref<128x128xf32, #tpu.memory_space<vmem>>, %arg3: memref<128x128xf32, #tpu.memory_space<vmem>>, %arg4: memref<2000x128xf32, #tpu.memory_space<vmem>>, %arg5: memref<2000x128xf32, #tpu.memory_space<vmem>>) attributes {dimension_semantics = [#tpu.dimension_semantics<arbitrary>], iteration_bounds = array<i64: 5>, scalar_prefetch = 0 : i64, scratch_operands = 0 : i64, tpu.core_type = #tpu.core_type<tc>, window_params = [{transform_indices = @transform_0, window_bounds = array<i64: 2000, 128>}, {pipeline_mode = #tpu.pipeline_mode<synchronous>, transform_indices = @transform_1, window_bounds = array<i64: 128, 128>}, {pipeline_mode = #tpu.pipeline_mode<synchronous>, transform_indices = @transform_2, window_bounds = array<i64: 128, 128>}, {transform_indices = @transform_3, window_bounds = array<i64: 2000, 128>}, {transform_indices = @transform_4, window_bounds = array<i64: 2000, 128>}]} {
    %get3A = arith.constant 0 : index
    %get3A_0 = arith.constant 0 : index
    %get3A_1 = vector.load %arg1[%get3A, %get3A_0] : memref<2000x128xf32, #tpu.memory_space<vmem>>, vector<2000x128xf32>
    %get3A_2 = arith.constant 0 : index
    %get3A_3 = arith.constant 0 : index
    %get3A_4 = vector.load %arg2[%get3A_2, %get3A_3] : memref<128x128xf32, #tpu.memory_space<vmem>>, vector<128x128xf32>
    %dot_general3A = arith.constant dense<0.000000e+00> : vector<2000x128xf32>
    %dot_general3A_5 = tpu.matmul %get3A_1, %get3A_4, %dot_general3A {dimension_numbers = #tpu.dot_dimension_numbers<[1], [0], [0], [1], [0, 0, 1, 1], [], []>, transpose_lhs_hint = false} : vector<2000x128xf32>, vector<128x128xf32>, vector<2000x128xf32> -> vector<2000x128xf32>
    %swap3A = arith.constant 0 : index
    %swap3A_6 = arith.constant 0 : index
    %swap3A_7 = vector.load %arg4[%swap3A, %swap3A_6] : memref<2000x128xf32, #tpu.memory_space<vmem>>, vector<2000x128xf32>
    tpu.vector_store %arg4[%swap3A, %swap3A_6], %dot_general3A_5 {strides = array<i32>} : memref<2000x128xf32, #tpu.memory_space<vmem>>, vector<2000x128xf32>,
    %get3A_8 = arith.constant 0 : index
    %get3A_9 = arith.constant 0 : index
    %get3A_10 = vector.load %arg1[%get3A_8, %get3A_9] : memref<2000x128xf32, #tpu.memory_space<vmem>>, vector<2000x128xf32>
    %get3A_11 = arith.constant 0 : index
    %get3A_12 = arith.constant 0 : index
    %get3A_13 = vector.load %arg3[%get3A_11, %get3A_12] : memref<128x128xf32, #tpu.memory_space<vmem>>, vector<128x128xf32>
    %dot_general3A_14 = arith.constant dense<0.000000e+00> : vector<2000x128xf32>
    %dot_general3A_15 = tpu.matmul %get3A_10, %get3A_13, %dot_general3A_14 {dimension_numbers = #tpu.dot_dimension_numbers<[1], [0], [0], [1], [0, 0, 1, 1], [], []>, transpose_lhs_hint = false} : vector<2000x128xf32>, vector<128x128xf32>, vector<2000x128xf32> -> vector<2000x128xf32>
    %swap3A_16 = arith.constant 0 : index
    %swap3A_17 = arith.constant 0 : index
    %swap3A_18 = vector.load %arg5[%swap3A_16, %swap3A_17] : memref<2000x128xf32, #tpu.memory_space<vmem>>, vector<2000x128xf32>
    tpu.vector_store %arg5[%swap3A_16, %swap3A_17], %dot_general3A_15 {strides = array<i32>} : memref<2000x128xf32, #tpu.memory_space<vmem>>, vector<2000x128xf32>,
    return
  }
  func.func @transform_0(%arg0: i32) -> (i32, i32) {
    %c0_i32 = arith.constant 0 : i32
    %c0_i32_0 = arith.constant 0 : i32
    return %arg0, %c0_i32 : i32, i32
  }
  func.func @transform_1(%arg0: i32) -> (i32, i32) {
    %c0_i32 = arith.constant 0 : i32
    %c0_i32_0 = arith.constant 0 : i32
    %c0_i32_1 = arith.constant 0 : i32
    return %c0_i32, %c0_i32_0 : i32, i32
  }
  func.func @transform_2(%arg0: i32) -> (i32, i32) {
    %c0_i32 = arith.constant 0 : i32
    %c0_i32_0 = arith.constant 0 : i32
    %c0_i32_1 = arith.constant 0 : i32
    return %c0_i32, %c0_i32_0 : i32, i32
  }
  func.func @transform_3(%arg0: i32) -> (i32, i32) {
    %c0_i32 = arith.constant 0 : i32
    %c0_i32_0 = arith.constant 0 : i32
    return %arg0, %c0_i32 : i32, i32
  }
  func.func @transform_4(%arg0: i32) -> (i32, i32) {
    %c0_i32 = arith.constant 0 : i32
    %c0_i32_0 = arith.constant 0 : i32
    return %arg0, %c0_i32 : i32, i32
  }
}

module attributes {stable_mosaic.version = 14 : i64} {
  func.func @body(%arg0: i32, %arg1: memref<2000x128xf32, #tpu.memory_space<vmem>>, %arg2: memref<2000x128xf32, #tpu.memory_space<vmem>>, %arg3: memref<2000x16xf32, #tpu.memory_space<vmem>>, %arg4: memref<16x128xf32, #tpu.memory_space<vmem>>, %arg5: memref<1x128xf32, #tpu.memory_space<vmem>>, %arg6: memref<128x128xbf16, #tpu.memory_space<vmem>>, %arg7: memref<1x128xf32, #tpu.memory_space<vmem>>, %arg8: memref<128x128xbf16, #tpu.memory_space<vmem>>, %arg9: memref<1x128xf32, #tpu.memory_space<vmem>>, %arg10: memref<2000x128xf32, #tpu.memory_space<vmem>>) attributes {dimension_semantics = [#tpu.dimension_semantics<arbitrary>], iteration_bounds = array<i64: 80>, scalar_prefetch = 0 : i64, scratch_operands = 0 : i64, tpu.core_type = #tpu.core_type<tc>, window_params = [{transform_indices = @transform_0, window_bounds = array<i64: 2000, 128>}, {transform_indices = @transform_1, window_bounds = array<i64: 2000, 128>}, {transform_indices = @transform_2, window_bounds = array<i64: 2000, 16>}, {pipeline_mode = #tpu.pipeline_mode<synchronous>, transform_indices = @transform_3, window_bounds = array<i64: 16, 128>}, {pipeline_mode = #tpu.pipeline_mode<synchronous>, transform_indices = @transform_4, window_bounds = array<i64: 1, 128>}, {pipeline_mode = #tpu.pipeline_mode<synchronous>, transform_indices = @transform_5, window_bounds = array<i64: 128, 128>}, {pipeline_mode = #tpu.pipeline_mode<synchronous>, transform_indices = @transform_6, window_bounds = array<i64: 1, 128>}, {pipeline_mode = #tpu.pipeline_mode<synchronous>, transform_indices = @transform_7, window_bounds = array<i64: 128, 128>}, {pipeline_mode = #tpu.pipeline_mode<synchronous>, transform_indices = @transform_8, window_bounds = array<i64: 1, 128>}, {transform_indices = @transform_9, window_bounds = array<i64: 2000, 128>}]} {
    %get3A = arith.constant 0 : index
    %get3A_0 = arith.constant 0 : index
    %get3A_1 = vector.load %arg1[%get3A, %get3A_0] : memref<2000x128xf32, #tpu.memory_space<vmem>>, vector<2000x128xf32>
    %get3A_2 = arith.constant 0 : index
    %get3A_3 = arith.constant 0 : index
    %get3A_4 = vector.load %arg2[%get3A_2, %get3A_3] : memref<2000x128xf32, #tpu.memory_space<vmem>>, vector<2000x128xf32>
    %add3A = arith.addf %get3A_1, %get3A_4 : vector<2000x128xf32>
    %get3A_5 = arith.constant 0 : index
    %get3A_6 = arith.constant 0 : index
    %get3A_7 = vector.load %arg3[%get3A_5, %get3A_6] : memref<2000x16xf32, #tpu.memory_space<vmem>>, vector<2000x16xf32>
    %get3A_8 = arith.constant 0 : index
    %get3A_9 = arith.constant 0 : index
    %get3A_10 = vector.load %arg4[%get3A_8, %get3A_9] : memref<16x128xf32, #tpu.memory_space<vmem>>, vector<16x128xf32>
    %dot_general3A = arith.constant dense<0.000000e+00> : vector<2000x128xf32>
    %dot_general3A_11 = tpu.matmul %get3A_7, %get3A_10, %dot_general3A {dimension_numbers = #tpu.dot_dimension_numbers<[1], [0], [0], [1], [0, 0, 1, 1], [], []>, transpose_lhs_hint = false} : vector<2000x16xf32>, vector<16x128xf32>, vector<2000x128xf32> -> vector<2000x128xf32>
    %add3A_12 = arith.addf %add3A, %dot_general3A_11 : vector<2000x128xf32>
    %get3A_13 = arith.constant 0 : index
    %get3A_14 = arith.constant 0 : index
    %get3A_15 = vector.load %arg5[%get3A_13, %get3A_14] : memref<1x128xf32, #tpu.memory_space<vmem>>, vector<1x128xf32>
    %add3A_16 = vector.broadcast %get3A_15 : vector<1x128xf32> to vector<2000x128xf32>
    %add3A_17 = arith.addf %add3A_12, %add3A_16 : vector<2000x128xf32>
    %max3A = arith.constant 0.000000e+00 : f32
    %max3A_18 = vector.broadcast %max3A : f32 to vector<2000x128xf32>
    %max3A_19 = arith.maximumf %add3A_17, %max3A_18 : vector<2000x128xf32>
    %convert_element_type3A = arith.truncf %max3A_19 : vector<2000x128xf32> to vector<2000x128xbf16>
    %get3A_20 = arith.constant 0 : index
    %get3A_21 = arith.constant 0 : index
    %get3A_22 = vector.load %arg6[%get3A_20, %get3A_21] : memref<128x128xbf16, #tpu.memory_space<vmem>>, vector<128x128xbf16>
    %dot_general3A_23 = arith.constant dense<0.000000e+00> : vector<2000x128xf32>
    %dot_general3A_24 = tpu.matmul %convert_element_type3A, %get3A_22, %dot_general3A_23 {dimension_numbers = #tpu.dot_dimension_numbers<[1], [0], [0], [1], [0, 0, 1, 1], [], []>, transpose_lhs_hint = false} : vector<2000x128xbf16>, vector<128x128xbf16>, vector<2000x128xf32> -> vector<2000x128xf32>
    %get3A_25 = arith.constant 0 : index
    %get3A_26 = arith.constant 0 : index
    %get3A_27 = vector.load %arg7[%get3A_25, %get3A_26] : memref<1x128xf32, #tpu.memory_space<vmem>>, vector<1x128xf32>
    %add3A_28 = vector.broadcast %get3A_27 : vector<1x128xf32> to vector<2000x128xf32>
    %add3A_29 = arith.addf %dot_general3A_24, %add3A_28 : vector<2000x128xf32>
    %max3A_30 = arith.constant 0.000000e+00 : f32
    %max3A_31 = vector.broadcast %max3A_30 : f32 to vector<2000x128xf32>
    %max3A_32 = arith.maximumf %add3A_29, %max3A_31 : vector<2000x128xf32>
    %convert_element_type3A_33 = arith.truncf %max3A_32 : vector<2000x128xf32> to vector<2000x128xbf16>
    %get3A_34 = arith.constant 0 : index
    %get3A_35 = arith.constant 0 : index
    %get3A_36 = vector.load %arg8[%get3A_34, %get3A_35] : memref<128x128xbf16, #tpu.memory_space<vmem>>, vector<128x128xbf16>
    %dot_general3A_37 = arith.constant dense<0.000000e+00> : vector<2000x128xf32>
    %dot_general3A_38 = tpu.matmul %convert_element_type3A_33, %get3A_36, %dot_general3A_37 {dimension_numbers = #tpu.dot_dimension_numbers<[1], [0], [0], [1], [0, 0, 1, 1], [], []>, transpose_lhs_hint = false} : vector<2000x128xbf16>, vector<128x128xbf16>, vector<2000x128xf32> -> vector<2000x128xf32>
    %get3A_39 = arith.constant 0 : index
    %get3A_40 = arith.constant 0 : index
    %get3A_41 = vector.load %arg9[%get3A_39, %get3A_40] : memref<1x128xf32, #tpu.memory_space<vmem>>, vector<1x128xf32>
    %add3A_42 = vector.broadcast %get3A_41 : vector<1x128xf32> to vector<2000x128xf32>
    %add3A_43 = arith.addf %dot_general3A_38, %add3A_42 : vector<2000x128xf32>
    %swap3A = arith.constant 0 : index
    %swap3A_44 = arith.constant 0 : index
    %swap3A_45 = vector.load %arg10[%swap3A, %swap3A_44] : memref<2000x128xf32, #tpu.memory_space<vmem>>, vector<2000x128xf32>
    tpu.vector_store %arg10[%swap3A, %swap3A_44], %add3A_43 {strides = array<i32>} : memref<2000x128xf32, #tpu.memory_space<vmem>>, vector<2000x128xf32>,
    return
  }
  func.func @transform_0(%arg0: i32) -> (i32, i32) {
    %c0_i32 = arith.constant 0 : i32
    %c0_i32_0 = arith.constant 0 : i32
    return %arg0, %c0_i32 : i32, i32
  }
  func.func @transform_1(%arg0: i32) -> (i32, i32) {
    %c0_i32 = arith.constant 0 : i32
    %c0_i32_0 = arith.constant 0 : i32
    return %arg0, %c0_i32 : i32, i32
  }
  func.func @transform_2(%arg0: i32) -> (i32, i32) {
    %c0_i32 = arith.constant 0 : i32
    %c0_i32_0 = arith.constant 0 : i32
    return %arg0, %c0_i32 : i32, i32
  }
  func.func @transform_3(%arg0: i32) -> (i32, i32) {
    %c0_i32 = arith.constant 0 : i32
    %c0_i32_0 = arith.constant 0 : i32
    %c0_i32_1 = arith.constant 0 : i32
    return %c0_i32, %c0_i32_0 : i32, i32
  }
  func.func @transform_4(%arg0: i32) -> (i32, i32) {
    %c0_i32 = arith.constant 0 : i32
    %c0_i32_0 = arith.constant 0 : i32
    %c0_i32_1 = arith.constant 0 : i32
    return %c0_i32, %c0_i32_0 : i32, i32
  }
  func.func @transform_5(%arg0: i32) -> (i32, i32) {
    %c0_i32 = arith.constant 0 : i32
    %c0_i32_0 = arith.constant 0 : i32
    %c0_i32_1 = arith.constant 0 : i32
    return %c0_i32, %c0_i32_0 : i32, i32
  }
  func.func @transform_6(%arg0: i32) -> (i32, i32) {
    %c0_i32 = arith.constant 0 : i32
    %c0_i32_0 = arith.constant 0 : i32
    %c0_i32_1 = arith.constant 0 : i32
    return %c0_i32, %c0_i32_0 : i32, i32
  }
  func.func @transform_7(%arg0: i32) -> (i32, i32) {
    %c0_i32 = arith.constant 0 : i32
    %c0_i32_0 = arith.constant 0 : i32
    %c0_i32_1 = arith.constant 0 : i32
    return %c0_i32, %c0_i32_0 : i32, i32
  }
  func.func @transform_8(%arg0: i32) -> (i32, i32) {
    %c0_i32 = arith.constant 0 : i32
    %c0_i32_0 = arith.constant 0 : i32
    %c0_i32_1 = arith.constant 0 : i32
    return %c0_i32, %c0_i32_0 : i32, i32
  }
  func.func @transform_9(%arg0: i32) -> (i32, i32) {
    %c0_i32 = arith.constant 0 : i32
    %c0_i32_0 = arith.constant 0 : i32
    return %arg0, %c0_i32 : i32, i32
  }
}

module attributes {stable_mosaic.version = 14 : i64} {
  func.func @body(%arg0: i32, %arg1: memref<2000x128xf32, #tpu.memory_space<vmem>>, %arg2: memref<2000x128xf32, #tpu.memory_space<vmem>>, %arg3: memref<2000x128xf32, #tpu.memory_space<vmem>>, %arg4: memref<2000x128xf32, #tpu.memory_space<vmem>>, %arg5: memref<2000x128xf32, #tpu.memory_space<vmem>>, %arg6: memref<2000x128xf32, #tpu.memory_space<vmem>>, %arg7: memref<128x128xf32, #tpu.memory_space<vmem>>, %arg8: memref<128x128xf32, #tpu.memory_space<vmem>>, %arg9: memref<128x128xf32, #tpu.memory_space<vmem>>, %arg10: memref<1x128xf32, #tpu.memory_space<vmem>>, %arg11: memref<128x128xf32, #tpu.memory_space<vmem>>, %arg12: memref<1x128xf32, #tpu.memory_space<vmem>>, %arg13: memref<128x128xf32, #tpu.memory_space<vmem>>, %arg14: memref<1x128xf32, #tpu.memory_space<vmem>>, %arg15: memref<2000x128xf32, #tpu.memory_space<vmem>>) attributes {dimension_semantics = [#tpu.dimension_semantics<arbitrary>], iteration_bounds = array<i64: 5>, scalar_prefetch = 0 : i64, scratch_operands = 0 : i64, tpu.core_type = #tpu.core_type<tc>, window_params = [{transform_indices = @transform_0, window_bounds = array<i64: 2000, 128>}, {transform_indices = @transform_1, window_bounds = array<i64: 2000, 128>}, {transform_indices = @transform_2, window_bounds = array<i64: 2000, 128>}, {transform_indices = @transform_3, window_bounds = array<i64: 2000, 128>}, {transform_indices = @transform_4, window_bounds = array<i64: 2000, 128>}, {transform_indices = @transform_5, window_bounds = array<i64: 2000, 128>}, {pipeline_mode = #tpu.pipeline_mode<synchronous>, transform_indices = @transform_6, window_bounds = array<i64: 128, 128>}, {pipeline_mode = #tpu.pipeline_mode<synchronous>, transform_indices = @transform_7, window_bounds = array<i64: 128, 128>}, {pipeline_mode = #tpu.pipeline_mode<synchronous>, transform_indices = @transform_8, window_bounds = array<i64: 128, 128>}, {pipeline_mode = #tpu.pipeline_mode<synchronous>, transform_indices = @transform_9, window_bounds = array<i64: 1, 128>}, {pipeline_mode = #tpu.pipeline_mode<synchronous>, transform_indices = @transform_10, window_bounds = array<i64: 128, 128>}, {pipeline_mode = #tpu.pipeline_mode<synchronous>, transform_indices = @transform_11, window_bounds = array<i64: 1, 128>}, {pipeline_mode = #tpu.pipeline_mode<synchronous>, transform_indices = @transform_12, window_bounds = array<i64: 128, 128>}, {pipeline_mode = #tpu.pipeline_mode<synchronous>, transform_indices = @transform_13, window_bounds = array<i64: 1, 128>}, {transform_indices = @transform_14, window_bounds = array<i64: 2000, 128>}]} {
    %get3A = arith.constant 0 : index
    %get3A_0 = arith.constant 0 : index
    %get3A_1 = vector.load %arg1[%get3A, %get3A_0] : memref<2000x128xf32, #tpu.memory_space<vmem>>, vector<2000x128xf32>
    %get3A_2 = arith.constant 0 : index
    %get3A_3 = arith.constant 0 : index
    %get3A_4 = vector.load %arg2[%get3A_2, %get3A_3] : memref<2000x128xf32, #tpu.memory_space<vmem>>, vector<2000x128xf32>
    %sub3A = arith.subf %get3A_1, %get3A_4 : vector<2000x128xf32>
    %get3A_5 = arith.constant 0 : index
    %get3A_6 = arith.constant 0 : index
    %get3A_7 = vector.load %arg3[%get3A_5, %get3A_6] : memref<2000x128xf32, #tpu.memory_space<vmem>>, vector<2000x128xf32>
    %get3A_8 = arith.constant 0 : index
    %get3A_9 = arith.constant 0 : index
    %get3A_10 = vector.load %arg4[%get3A_8, %get3A_9] : memref<2000x128xf32, #tpu.memory_space<vmem>>, vector<2000x128xf32>
    %add3A = arith.addf %get3A_7, %get3A_10 : vector<2000x128xf32>
    %get3A_11 = arith.constant 0 : index
    %get3A_12 = arith.constant 0 : index
    %get3A_13 = vector.load %arg5[%get3A_11, %get3A_12] : memref<2000x128xf32, #tpu.memory_space<vmem>>, vector<2000x128xf32>
    %add3A_14 = arith.addf %add3A, %get3A_13 : vector<2000x128xf32>
    %get3A_15 = arith.constant 0 : index
    %get3A_16 = arith.constant 0 : index
    %get3A_17 = vector.load %arg6[%get3A_15, %get3A_16] : memref<2000x128xf32, #tpu.memory_space<vmem>>, vector<2000x128xf32>
    %add3A_18 = arith.addf %add3A_14, %get3A_17 : vector<2000x128xf32>
    %get3A_19 = arith.constant 0 : index
    %get3A_20 = arith.constant 0 : index
    %get3A_21 = vector.load %arg1[%get3A_19, %get3A_20] : memref<2000x128xf32, #tpu.memory_space<vmem>>, vector<2000x128xf32>
    %get3A_22 = arith.constant 0 : index
    %get3A_23 = arith.constant 0 : index
    %get3A_24 = vector.load %arg7[%get3A_22, %get3A_23] : memref<128x128xf32, #tpu.memory_space<vmem>>, vector<128x128xf32>
    %dot_general3A = arith.constant dense<0.000000e+00> : vector<2000x128xf32>
    %dot_general3A_25 = tpu.matmul %get3A_21, %get3A_24, %dot_general3A {dimension_numbers = #tpu.dot_dimension_numbers<[1], [0], [0], [1], [0, 0, 1, 1], [], []>, transpose_lhs_hint = false} : vector<2000x128xf32>, vector<128x128xf32>, vector<2000x128xf32> -> vector<2000x128xf32>
    %get3A_26 = arith.constant 0 : index
    %get3A_27 = arith.constant 0 : index
    %get3A_28 = vector.load %arg8[%get3A_26, %get3A_27] : memref<128x128xf32, #tpu.memory_space<vmem>>, vector<128x128xf32>
    %dot_general3A_29 = arith.constant dense<0.000000e+00> : vector<2000x128xf32>
    %dot_general3A_30 = tpu.matmul %add3A_18, %get3A_28, %dot_general3A_29 {dimension_numbers = #tpu.dot_dimension_numbers<[1], [0], [0], [1], [0, 0, 1, 1], [], []>, transpose_lhs_hint = false} : vector<2000x128xf32>, vector<128x128xf32>, vector<2000x128xf32> -> vector<2000x128xf32>
    %add3A_31 = arith.addf %dot_general3A_25, %dot_general3A_30 : vector<2000x128xf32>
    %get3A_32 = arith.constant 0 : index
    %get3A_33 = arith.constant 0 : index
    %get3A_34 = vector.load %arg9[%get3A_32, %get3A_33] : memref<128x128xf32, #tpu.memory_space<vmem>>, vector<128x128xf32>
    %dot_general3A_35 = arith.constant dense<0.000000e+00> : vector<2000x128xf32>
    %dot_general3A_36 = tpu.matmul %sub3A, %get3A_34, %dot_general3A_35 {dimension_numbers = #tpu.dot_dimension_numbers<[1], [0], [0], [1], [0, 0, 1, 1], [], []>, transpose_lhs_hint = false} : vector<2000x128xf32>, vector<128x128xf32>, vector<2000x128xf32> -> vector<2000x128xf32>
    %add3A_37 = arith.addf %add3A_31, %dot_general3A_36 : vector<2000x128xf32>
    %get3A_38 = arith.constant 0 : index
    %get3A_39 = arith.constant 0 : index
    %get3A_40 = vector.load %arg10[%get3A_38, %get3A_39] : memref<1x128xf32, #tpu.memory_space<vmem>>, vector<1x128xf32>
    %add3A_41 = vector.broadcast %get3A_40 : vector<1x128xf32> to vector<2000x128xf32>
    %add3A_42 = arith.addf %add3A_37, %add3A_41 : vector<2000x128xf32>
    %max3A = arith.constant 0.000000e+00 : f32
    %max3A_43 = vector.broadcast %max3A : f32 to vector<2000x128xf32>
    %max3A_44 = arith.maximumf %add3A_42, %max3A_43 : vector<2000x128xf32>
    %get3A_45 = arith.constant 0 : index
    %get3A_46 = arith.constant 0 : index
    %get3A_47 = vector.load %arg11[%get3A_45, %get3A_46] : memref<128x128xf32, #tpu.memory_space<vmem>>, vector<128x128xf32>
    %dot_general3A_48 = arith.constant dense<0.000000e+00> : vector<2000x128xf32>
    %dot_general3A_49 = tpu.matmul %max3A_44, %get3A_47, %dot_general3A_48 {dimension_numbers = #tpu.dot_dimension_numbers<[1], [0], [0], [1], [0, 0, 1, 1], [], []>, transpose_lhs_hint = false} : vector<2000x128xf32>, vector<128x128xf32>, vector<2000x128xf32> -> vector<2000x128xf32>
    %get3A_50 = arith.constant 0 : index
    %get3A_51 = arith.constant 0 : index
    %get3A_52 = vector.load %arg12[%get3A_50, %get3A_51] : memref<1x128xf32, #tpu.memory_space<vmem>>, vector<1x128xf32>
    %add3A_53 = vector.broadcast %get3A_52 : vector<1x128xf32> to vector<2000x128xf32>
    %add3A_54 = arith.addf %dot_general3A_49, %add3A_53 : vector<2000x128xf32>
    %max3A_55 = arith.constant 0.000000e+00 : f32
    %max3A_56 = vector.broadcast %max3A_55 : f32 to vector<2000x128xf32>
    %max3A_57 = arith.maximumf %add3A_54, %max3A_56 : vector<2000x128xf32>
    %get3A_58 = arith.constant 0 : index
    %get3A_59 = arith.constant 0 : index
    %get3A_60 = vector.load %arg13[%get3A_58, %get3A_59] : memref<128x128xf32, #tpu.memory_space<vmem>>, vector<128x128xf32>
    %dot_general3A_61 = arith.constant dense<0.000000e+00> : vector<2000x128xf32>
    %dot_general3A_62 = tpu.matmul %max3A_57, %get3A_60, %dot_general3A_61 {dimension_numbers = #tpu.dot_dimension_numbers<[1], [0], [0], [1], [0, 0, 1, 1], [], []>, transpose_lhs_hint = false} : vector<2000x128xf32>, vector<128x128xf32>, vector<2000x128xf32> -> vector<2000x128xf32>
    %get3A_63 = arith.constant 0 : index
    %get3A_64 = arith.constant 0 : index
    %get3A_65 = vector.load %arg14[%get3A_63, %get3A_64] : memref<1x128xf32, #tpu.memory_space<vmem>>, vector<1x128xf32>
    %add3A_66 = vector.broadcast %get3A_65 : vector<1x128xf32> to vector<2000x128xf32>
    %add3A_67 = arith.addf %dot_general3A_62, %add3A_66 : vector<2000x128xf32>
    %swap3A = arith.constant 0 : index
    %swap3A_68 = arith.constant 0 : index
    %swap3A_69 = vector.load %arg15[%swap3A, %swap3A_68] : memref<2000x128xf32, #tpu.memory_space<vmem>>, vector<2000x128xf32>
    tpu.vector_store %arg15[%swap3A, %swap3A_68], %add3A_67 {strides = array<i32>} : memref<2000x128xf32, #tpu.memory_space<vmem>>, vector<2000x128xf32>,
    return
  }
  func.func @transform_0(%arg0: i32) -> (i32, i32) {
    %c0_i32 = arith.constant 0 : i32
    %c0_i32_0 = arith.constant 0 : i32
    return %arg0, %c0_i32 : i32, i32
  }
  func.func @transform_1(%arg0: i32) -> (i32, i32) {
    %c0_i32 = arith.constant 0 : i32
    %c0_i32_0 = arith.constant 0 : i32
    return %arg0, %c0_i32 : i32, i32
  }
  func.func @transform_2(%arg0: i32) -> (i32, i32) {
    %c0_i32 = arith.constant 0 : i32
    %c0_i32_0 = arith.constant 0 : i32
    return %arg0, %c0_i32 : i32, i32
  }
  func.func @transform_3(%arg0: i32) -> (i32, i32) {
    %c0_i32 = arith.constant 0 : i32
    %c0_i32_0 = arith.constant 0 : i32
    return %arg0, %c0_i32 : i32, i32
  }
  func.func @transform_4(%arg0: i32) -> (i32, i32) {
    %c0_i32 = arith.constant 0 : i32
    %c0_i32_0 = arith.constant 0 : i32
    return %arg0, %c0_i32 : i32, i32
  }
  func.func @transform_5(%arg0: i32) -> (i32, i32) {
    %c0_i32 = arith.constant 0 : i32
    %c0_i32_0 = arith.constant 0 : i32
    return %arg0, %c0_i32 : i32, i32
  }
  func.func @transform_6(%arg0: i32) -> (i32, i32) {
    %c0_i32 = arith.constant 0 : i32
    %c0_i32_0 = arith.constant 0 : i32
    %c0_i32_1 = arith.constant 0 : i32
    return %c0_i32, %c0_i32_0 : i32, i32
  }
  func.func @transform_7(%arg0: i32) -> (i32, i32) {
    %c0_i32 = arith.constant 0 : i32
    %c0_i32_0 = arith.constant 0 : i32
    %c0_i32_1 = arith.constant 0 : i32
    return %c0_i32, %c0_i32_0 : i32, i32
  }
  func.func @transform_8(%arg0: i32) -> (i32, i32) {
    %c0_i32 = arith.constant 0 : i32
    %c0_i32_0 = arith.constant 0 : i32
    %c0_i32_1 = arith.constant 0 : i32
    return %c0_i32, %c0_i32_0 : i32, i32
  }
  func.func @transform_9(%arg0: i32) -> (i32, i32) {
    %c0_i32 = arith.constant 0 : i32
    %c0_i32_0 = arith.constant 0 : i32
    %c0_i32_1 = arith.constant 0 : i32
    return %c0_i32, %c0_i32_0 : i32, i32
  }
  func.func @transform_10(%arg0: i32) -> (i32, i32) {
    %c0_i32 = arith.constant 0 : i32
    %c0_i32_0 = arith.constant 0 : i32
    %c0_i32_1 = arith.constant 0 : i32
    return %c0_i32, %c0_i32_0 : i32, i32
  }
  func.func @transform_11(%arg0: i32) -> (i32, i32) {
    %c0_i32 = arith.constant 0 : i32
    %c0_i32_0 = arith.constant 0 : i32
    %c0_i32_1 = arith.constant 0 : i32
    return %c0_i32, %c0_i32_0 : i32, i32
  }
  func.func @transform_12(%arg0: i32) -> (i32, i32) {
    %c0_i32 = arith.constant 0 : i32
    %c0_i32_0 = arith.constant 0 : i32
    %c0_i32_1 = arith.constant 0 : i32
    return %c0_i32, %c0_i32_0 : i32, i32
  }
  func.func @transform_13(%arg0: i32) -> (i32, i32) {
    %c0_i32 = arith.constant 0 : i32
    %c0_i32_0 = arith.constant 0 : i32
    %c0_i32_1 = arith.constant 0 : i32
    return %c0_i32, %c0_i32_0 : i32, i32
  }
  func.func @transform_14(%arg0: i32) -> (i32, i32) {
    %c0_i32 = arith.constant 0 : i32
    %c0_i32_0 = arith.constant 0 : i32
    return %arg0, %c0_i32 : i32, i32
  }
}

</mosaic_0001>

<sc_bundles>
// kernel: kernel.10.cloned.1.call-start
scs
__scs_entry_jumppad:
0x0: {  	(pc) =	sbr.rel $0x88, $3  }
0x1: {  	(tag) =	ssettag $0x0;
	lr =	simm.s32 $0x1  }
0x2: {  	[smem:$0x3F92] =	sst lr;
	_ =	strace $0xD0000000  }
0x3: {  	_ = 	snop  }
0x4: {  	_ = 	snop  }
0x5: {  	_ = 	snop  }
0x6: {  	_ = 	snop  }
0x7: {  	_ = 	snop  }
__scs_overlays_trampoline_lowered:
0x8: {  	[smem:$0x3FA1] =	sst s0  }
0x9: {  	[smem:$0x3FA2] =	sst s1  }
0xa: {  	[smem:$0x3FA3] =	sst s2  }
0xb: {  	[smem:$0x3FA4] =	sst s3  }
0xc: {  	[smem:$0x3FA5] =	sst s4  }
0xd: {  	[smem:$0x3FA6] =	sst s5  }
0xe: {  	[smem:$0x3FA7] =	sst s6  }
0xf: {  	[smem:$0x3FA8] =	sst s7  }
0x10: {  	[smem:$0x3FA9] =	sst s8  }
0x11: {  	[smem:$0x3FAA] =	sst s9;
	s0 =	simm.s32 @!p0 $0x0  }
0x12: {  	s1 =	sld [smem:$0x3F90];
	s0 =	simm.s32 @p0 $0x1  }
0x13: {  	[smem:$0x3FAB] =	sst s0;
	s0 =	simm.s32 @!p1 $0x0  }
0x14: {  	s2 =	sld [smem:$0x3F8F];
	s0 =	simm.s32 @p1 $0x1  }
0x15: {  	[smem:$0x3FAC] =	sst s0;
	s0 =	simm.s32 @!p2 $0x0  }
0x16: {  	s3 =	sld [smem:$0x3FDB];
	s0 =	simm.s32 @p2 $0x1  }
0x17: {  	s4 =	simm.s32 $0x1BF5;
	[smem:$0x3FAE] =	sst s0  }
0x18: {  	s0 =	sld [smem:$0x3F91];
	_ =	swait.ge [sflag:s4], $0x0  }
0x19: {  	s7 =	sld [smem:$0x3F92]  }
0x1a: {  	s8 =	sadd.s32 $0xFFFFE003, lr  }
0x1b: {  	s9 =	sadd.s32 $0xFFFFFEF7, lr;
	s5 =	simm.s32 $0xFFFFFFFF;
	p2 =	slt.u32 s8, $0xFFFFF086  }
0x1c: {  	p1 =	slt.u32 s9, $0xF7A;
	s5 =	simm.s32 @!p2 $0x0  }
0x1d: {  	s5 =	simm.s32 @p1 $0x1;
	p0 =	seq.s32 s7, s2  }
0x1e: {  	s7 =	smul.u32 @!p0 $0xF7A, s2;
	p2 =	seq.s32 @!p0 s5, $0x0  }
0x1f: {  	s9 =	smul.u32 $0xF7A, s1;
	s8 =	simm.s32 @!p0 $0x1BF5;
	p2 =	por !p2, p0  }
0x20: {  	[sflag:s8] =	ssyncset.s32 @!p0 $0xFFFFF086;
	s6 =	sadd.s32 @!p0 s3, s7;
	s7 =	simm.s32 @!p0 $0x108  }
0x21: {  	s3 =	sadd.s32 s3, s9;
	s6 =	sadd.s32 @!p0 $0x88, s6;
	s7 =	simm.s32 @p2 $0x1082  }
0x22: {  	[simem:s7], [sflag:s8] =	dma.local @!p0 [hbm:s6], $0xF7A  }
0x23: {  	s9 =	sor.u32 $0xD0000000, s2;
	s6 =	simm.s32 $0x108;
	_ =	swait.ge @!p0 [sflag:s8], $0x0  }
0x24: {  	s3 =	sadd.s32 $0x88, s3;
	s6 =	simm.s32 @!p1 $0x1082;
	[sflag:s4] =	ssyncset.s32 $0xFFFFF086  }
0x25: {  	[simem:s6], [sflag:s4] =	dma.local [hbm:s3], $0xF7A  }
0x26: {  	[smem:$0x3F92] =	sst s1;
	(tag) =	ssettag s2;
	_ =	strace s9  }
0x27: {  	s1 =	sld [smem:$0x3FA2]  }
0x28: {  	s2 =	sld [smem:$0x3FA3]  }
0x29: {  	s4 =	sld [smem:$0x3FA5]  }
0x2a: {  	p0 =	seq.s32 s5, $0x0;
	s5 =	sld [smem:$0x3FA6]  }
0x2b: {  	s6 =	sld [smem:$0x3FA7]  }
0x2c: {  	s7 =	sld [smem:$0x3FA8]  }
0x2d: {  	s3 =	simm.s32 $0x108;
	s8 =	sld [smem:$0x3FA9]  }
0x2e: {  	s3 =	simm.s32 @!p0 $0x1082;
	s9 =	sld [smem:$0x3FAA]  }
0x2f: {  	lr =	sadd.s32 s0, s3;
	s0 =	sld [smem:$0x3FA1]  }
0x30: {  	s3 =	sld [smem:$0x3FA4]  }
0x31: {  	[smem:$0x3FAD] =	sst s10  }
0x32: {  	s10 =	sld [smem:$0x3FAB];
	_ =	sdelay $0x3  }
0x33: {  	p0 =	seq.s32 s10, $0x1;
	s10 =	sld [smem:$0x3FAD];
	_ =	sdelay $0x3  }
0x34: {  	[smem:$0x3FAD] =	sst s10  }
0x35: {  	s10 =	sld [smem:$0x3FAC];
	_ =	sdelay $0x3  }
0x36: {  	p1 =	seq.s32 s10, $0x1;
	s10 =	sld [smem:$0x3FAD];
	_ =	sdelay $0x3  }
0x37: {  	[smem:$0x3FAD] =	sst s10  }
0x38: {  	s10 =	sld [smem:$0x3FAE]  }
0x39: {  	_ = 	snop;
	(pc) =	sbr.ind lr, $3  }
0x3a: {  	_ = 	snop  }
0x3b: {  	_ = 	snop  }
0x3c: {  	p2 =	seq.s32 s10, $0x1;
	s10 =	sld [smem:$0x3FAD]  }
0x3d: {  	_ =	shalt  }
0x3e: {  	_ =	shalt  }
0x3f: {  	_ =	shalt  }
0x40: {  	_ =	shalt  }
0x41: {  	_ =	shalt  }
0x42: {  	_ =	shalt  }
0x43: {  	_ =	shalt  }
0x44: {  	_ =	shalt  }
0x45: {  	_ =	shalt  }
0x46: {  	_ =	shalt  }
0x47: {  	_ =	shalt  }
0x48: {  	_ =	shalt  }
0x49: {  	_ =	shalt  }
0x4a: {  	_ =	shalt  }
0x4b: {  	_ =	shalt  }
0x4c: {  	_ =	shalt  }
0x4d: {  	_ =	shalt  }
0x4e: {  	_ =	shalt  }
0x4f: {  	_ =	shalt  }
0x50: {  	_ =	shalt  }
0x51: {  	_ =	shalt  }
0x52: {  	_ =	shalt  }
0x53: {  	_ =	shalt  }
0x54: {  	_ =	shalt  }
0x55: {  	_ =	shalt  }
0x56: {  	_ =	shalt  }
0x57: {  	_ =	shalt  }
0x58: {  	_ =	shalt  }
0x59: {  	_ =	shalt  }
0x5a: {  	_ =	shalt  }
0x5b: {  	_ =	shalt  }
0x5c: {  	_ =	shalt  }
0x5d: {  	_ =	shalt  }
0x5e: {  	_ =	shalt  }
0x5f: {  	_ =	shalt  }
0x60: {  	_ =	shalt  }
0x61: {  	_ =	shalt  }
0x62: {  	_ =	shalt  }
0x63: {  	_ =	shalt  }
0x64: {  	_ =	shalt  }
0x65: {  	_ =	shalt  }
0x66: {  	_ =	shalt  }
0x67: {  	_ =	shalt  }
0x68: {  	_ =	shalt  }
0x69: {  	_ =	shalt  }
0x6a: {  	_ =	shalt  }
0x6b: {  	_ =	shalt  }
0x6c: {  	_ =	shalt  }
0x6d: {  	_ =	shalt  }
0x6e: {  	_ =	shalt  }
0x6f: {  	_ =	shalt  }
0x70: {  	_ =	shalt  }
0x71: {  	_ =	shalt  }
0x72: {  	_ =	shalt  }
0x73: {  	_ =	shalt  }
0x74: {  	_ =	shalt  }
0x75: {  	_ =	shalt  }
0x76: {  	_ =	shalt  }
0x77: {  	_ =	shalt  }
0x78: {  	_ =	shalt  }
0x79: {  	_ =	shalt  }
0x7a: {  	_ =	shalt  }
0x7b: {  	_ =	shalt  }
0x7c: {  	_ =	shalt  }
0x7d: {  	_ =	shalt  }
0x7e: {  	_ =	shalt  }
0x7f: {  	_ =	shalt  }
0x80: {  	_ =	shalt  }
0x81: {  	_ =	shalt  }
0x82: {  	_ =	shalt  }
0x83: {  	_ =	shalt  }
0x84: {  	_ =	shalt  }
0x85: {  	_ =	shalt  }
0x86: {  	_ =	shalt  }
0x87: {  	_ =	shalt  }
.Lfunc_end0:
.L_simem_size_0:
called_computation_lowered:
.L_overlay_start_0:
0x88: {  	s2 =	sld [smem:$0x3FD9]  }
0x89: {  	s3 =	sld [smem:$0x3FFE];
	_ =	sdelay $0x1  }
0x8a: {  	s1 =	srdreg.scid  }
0x8b: {  	s0 =	sand.u32 $0x1, s1  }
0x8c: {  	s17 =	sshll.u32 s0, $0xA;
	s2 =	sadd.s32 s3, s2  }
0x8d: {  	s2 =	sadd.s32 s2, s17  }
0x8e: {  	[smem:$0x3FB9] =	sst s2  }
0x8f: {  	_ = 	snop  }
0x90: {  	s18 =	sld [smem:$0x3FD0];
	(tm) =	ssettm $0x1  }
0x91: {  	s19 =	sld [smem:$0x3FFB];
	_ =	sdelay $0x3  }
0x92: {  	_ =	strace s19  }
0x93: {  	s2 =	sld [smem:$0x3FFC];
	_ =	sdelay $0x3  }
0x94: {  	_ =	strace s2  }
0x95: {  	s2 =	sld [smem:$0x3FFD];
	_ =	sdelay $0x3  }
0x96: {  	_ =	strace s2  }
0x97: {  	_ =	strace $0x8FFFFFFF  }
0x98: {  	s20 =	sld [smem:$0x3FDB];
	_ =	sdelay $0x1  }
0x99: {  	s4 =	simm.s32 $_scs_section_size  }
0x9a: {  	s5 =	simm.s32 $_size__tile_overlayer_lowered;
	s6 =	simm.s32 $_tile_overlayer_lowered  }
0x9b: {  	s7 =	simm.s32 $0x1BFF;
	s21 =	sshll.u32 s6, $0x1;
	s4 =	sadd.s32 s4, s20  }
0x9c: {  	s22 =	simm.s32 $0x0;
	s5 =	sshll.u32 s5, $0x1;
	s6 =	sadd.s32 s21, s4  }
0x9d: {  	[timem:s22], [sflag:s7] =	dma.local [hbm:s6], s5  }
0x9e: {  	_ =	swait.ge [sflag:s7], s5  }
0x9f: {  	s5 =	ssub.s32 $0x0, s5;
	[sflag:s7] =	ssyncset.done $0x0  }
0xa0: {  	[sflag:s7] =	ssyncadd.s32 s5;
	_ =	sdelay $0x1  }
0xa1: {  	s23 =	simm.s32 $0x1B8B  }
0xa2: {  	_ =	swait.ge [sflag:s23], $0x1  }
0xa3: {  	[sflag:s23] =	ssyncset.done $0x0  }
0xa4: {  	[sflag:s23] =	ssyncadd.s32 $0xFFFFFFFF  }
0xa5: {  	s5 =	sld [smem:$0x0]  }
0xa6: {  	s6 =	sand.u32 $0xFFFFFFFE, s1  }
0xa7: {  	p0 =	sne.s32 s1, s6  }
0xa8: {  	s6 =	sshll.u32 @p0 s6, $0xE  }
0xa9: {  	s6 =	sadd.s32 @p0 $0x11B8D, s6;
	s7 =	sshll.u32 @p0 s5, $0x11  }
0xaa: {  	s6 =	sor.u32 @p0 s7, s6  }
0xab: {  	[sflag:s6] =	ssyncadd.remote.s32 @p0 $0x1;
	_ =	sdelay $0x1  }
0xac: {  	s6 =	simm.s32 @p0 $0x1B8D  }
0xad: {  	_ =	swait.eq @p0 [sflag:s6], $0x1  }
0xae: {  	[sflag:s6] =	ssyncadd.s32 @p0 $0xFFFFFFFF  }
0xaf: {  	s7 =	sshll.u32 @!p0 s1, $0xE  }
0xb0: {  	s7 =	sor.u32 @!p0 $0x4000, s7;
	s6 =	simm.s32 @!p0 $0x1B8D  }
0xb1: {  	s5 =	sshll.u32 @!p0 s5, $0x11;
	s7 =	sadd.s32 @!p0 $0x11B8D, s7;
	_ =	swait.eq @!p0 [sflag:s6], $0x1  }
0xb2: {  	s5 =	sor.u32 @!p0 s5, s7;
	[sflag:s6] =	ssyncadd.s32 @!p0 $0xFFFFFFFF  }
0xb3: {  	s25 =	simm.s32 $0x1B8E;
	s24 =	sld [smem:$0x3FFE];
	[sflag:s5] =	ssyncadd.remote.s32 @!p0 $0x1  }
0xb4: {  	s26 =	simm.s32 $execute0_lowered;
	[smem:$0x3FD2] =	sst s25  }
0xb5: {  	s6 =	sshll.u32 s26, $0x1;
	_ =	strace $0x80000049;
	[dreg:$0x1] =	wrdreg $0xFFFFFFFF  }
0xb6: {  	s28 =	simm.s32 $_size_execute0_lowered;
	s4 =	sadd.s32 s4, s6;
	[dreg:$0x0] =	wrdreg $0x0  }
0xb7: {  	s6 =	sshll.u32 s28, $0x1;
	[dreg:$0x2] =	wrdreg s4  }
0xb8: {  	[dreg:$0x3] =	wrdreg s6  }
0xb9: {  	[dreg:$0x4] =	wrdreg $0xC0  }
0xba: {  	_ =	task [dreg:s22], $0x5FFFF  }
0xbb: {  	[dreg:$0x1] =	wrdreg $0xFFFFFFFF  }
0xbc: {  	[dreg:$0x0] =	wrdreg $0x60  }
0xbd: {  	[dreg:$0x2] =	wrdreg s18  }
0xbe: {  	[dreg:$0x3] =	wrdreg s24  }
0xbf: {  	[dreg:$0x4] =	wrdreg $0xA8000  }
0xc0: {  	[dreg:$0x5] =	wrdreg $0x9  }
0xc1: {  	_ =	task.clear_ibuf [dreg:s22], $0x6FFFF;
	_ =	strace $0x90000049  }
0xc2: {  	s29 =	simm.s32 $0x9;
	_ =	strace $0x8000004B  }
0xc3: {  	_ =	swait.ge [sflag:s29], $0x1  }
0xc4: {  	[sflag:s29] =	ssyncadd.s32 $0xFFFFFFFF  }
0xc5: {  	_ =	strace $0x9000004B  }
0xc6: {  	_ =	sfence  }
0xc7: {  	s30 =	sld [smem:$0x0];
	_ =	sdelay $0x2  }
0xc8: {  	s31 =	sshll.u32 s1, $0xD;
	s1 =	sshrl.u32 s1, $0x2  }
0xc9: {  	s4 =	sand.u32 $0x4000, s31;
	s1 =	sadd.s32 s1, s30  }
0xca: {  	s0 =	sor.u32 s4, s0;
	s1 =	sshll.u32 s1, $0x11  }
0xcb: {  	s0 =	sor.u32 s1, s0  }
0xcc: {  	s0 =	sadd.s32 $0x8F2B, s0  }
0xcd: {  	[sflag:s0] =	ssyncadd.remote.s32 $0x1  }
0xce: {  	_ =	sfence.sel $0xFFFF  }
0xcf: {  	[dreg:$0x0] =	wrdreg $0xFFFFFFFF;
	(pc) =	sbr.abs _section_cstart, $3  }
0xd0: {  	[dreg:$0x1] =	wrdreg $0xFFFFFFFF  }
0xd1: {  	_ =	task.clear_ibuf [dreg:s22], $0x2FFFF;
	_ =	strace $0x9FFFFFFF  }
0xd2: {  	(tm) =	ssettm $0x7FFFFFFF  }
0xd3: {  	_ =	shalt  }
tec
execute0_lowered:
.L_overlay_start_1:
0x0: {  	(tag) =	ssettag $0x1  }
0x1: {  	s0 =	rddreg [dreg:$0x0]  }
0x2: {  	s8 =	rddreg [dreg:$0x1]  }
0x3: {  	s2 =	rddreg [dreg:$0x2];
	s1 =	stileid.u32  }
0x4: {  	s3 =	simm.s32 $0x0;
	s5 =	srdreg.scid;
	s9 =	smul.u32 $0x2780, s1  }
0x5: {  	s21 =	simm.s32 $0x2;
	s22 =	simm.s32 $0x80;
	s4 =	smul.u32 $0x500, s1  }
0x6: {  	s23 =	simm.s32 $0x2800;
	s24 =	simm.s32 $0x1;
	s11 =	smul.u32 $0x50, s1  }
0x7: {  	s26 =	simm.s32 $0x0;
	[smem:$0x7FF] =	sst s3;
	s10 =	smul.u32 $0x4F000, s1  }
0x8: {  	s7 =	sand.u32 $0x1, s5;
	s5 =	sadd.s32 $0x793E00, s8;
	s17 =	smul.u32 $0x28000, s1  }
0x9: {  	p1 =	seq.s32 s1, $0xF;
	_ =	strace $0x8000004A;
	s6 =	ssub.s32 $0x2, s7  }
0xa: {  	p0 =	seq.s32 s7, $0x1;
	s13 =	sadd.s32 s9, s8;
	s15 =	sadd.s32 s4, s8  }
0xb: {  	s4 =	sadd.s32 $0x522E00, s8;
	s12 =	sshrl.u32 s6, $0x1;
	s14 =	ssub.s32 $0x4E2, s11  }
0xc: {  	s10 =	sshrl.u32 s10, $0x2;
	s9 =	sadd.s32 s0, s9;
	s0 =	sadd.s32 $0x25080, s0  }
0xd: {  	s18 =	ssub.s32 s6, s12;
	s6 =	smin.u32 s14, $0x50;
	[dreg:$0x4] =	wrdreg s9  }
0xe: {  	s7 =	sadd.s32 s10, s2;
	s9 =	sadd.s32 $0x128400, s2;
	[dreg:$0x5] =	wrdreg s0  }
0xf: {  	s30 =	sadd.s32 $0x51DE00, s15;
	s13 =	sadd.s32 $0xFC00, s13;
	s14 =	sadd.s32 $0x34C80, s8  }
0x10: {  	s15 =	sadd.s32 $0x518E00, s15;
	s16 =	sadd.s32 s4, s17;
	s17 =	sadd.s32 s5, s17  }
.Ltmp0:
0x11: {  	s29 =	sadd.s32 s11, s6;
	[dreg:$0x6] =	wrdreg s30;
	(pc) =	sbr.rel .LBB2_1-.Ltmp0, $4  }
0x12: {  	s31 =	sadd.s32 $0xFFFFFFFF, s6;
	s18 =	smax.u32 s18, $0x1;
	s0 =	sshll.u32 s29, $0xE  }
0x13: {  	s19 =	sadd.s32 $0x800, s16;
	s25 =	sand.u32 $0x80000001, s31;
	s0 =	sadd.s32 $0xFFFFC000, s0  }
0x14: {  	s20 =	sadd.s32 $0x800, s17;
	p2 =	sne.s32 s25, $0x1;
	s0 =	sshrl.u32 s0, $0x3  }
0x15: {  	p3 =	seq.s32 s25, $0x1;
	s25 =	simm.s32 $0x6800;
	[dreg:$0x7] =	wrdreg s0  }
.LBB2_8:
0x16: {  	s8 =	rddreg [dreg:$0x7]  }
0x17: {  	s0 =	sadd.s32 s0, s8  }
0x18: {  	[hbm4b:s0+s3] =	stream.linear.scatter [tilespmem:s25], [sflag:$0x2], $0x4000, $0x38;
	[tilespmem:$0x1E080] =	vst v63  }
0x19: {  	_ =	swait.ge [sflag:s21], $0x4000  }
0x1a: {  	[sflag:s21] =	ssyncset.done $0x0  }
0x1b: {  	[sflag:s21] =	ssyncadd.s32 $0xFFFFC000  }
.LBB2_9:
0x1c: {  	s26 =	sadd.s32 $0x1, s26  }
0x1d: {  	p4 =	sne.s32 s26, s18  }
.Ltmp1:
0x1e: {  	_ = 	snop;
	(pc) =	sbr.rel @!p4 .LBB2_10-.Ltmp1, $1  }
0x1f: {  	_ =	sdelay $0x3  }
.LBB2_1:
.Ltmp2:
0x20: {  	(pc) =	sbr.rel @!p0 .LBB2_2-.Ltmp2, $3  }
0x21: {  	_ =	sdelay $0x1  }
0x22: {  	s28 =	sshll.u32 @!p1 s1, $0x6  }
0x23: {  	s8 =	sshrl.u32 @p1 s9, $0x3;
	s0 =	sshrl.u32 @!p1 s7, $0x3;
	s28 =	sor.u32 @!p1 $0x1C02, s28  }
0x24: {  	s10 =	simm.s32 @p1 $0x1FC2  }
0x25: {  	[spmem:s8], [sflag:s10] =	dma.local @p1 [hbm:s14], $0x2080  }
0x26: {  	s8 =	simm.s32 @p1 $0x2  }
0x27: {  	_ =	swait.ge @p1 [sflag:s8], $0x2080  }
0x28: {  	[sflag:s8] =	ssyncset.done @p1 $0x0  }
0x29: {  	[sflag:s8] =	ssyncadd.s32 @p1 $0xFFFFDF80  }
0x2a: {  	[spmem:s0], [sflag:s28] =	dma.local @!p1 [hbm:s13], $0x2780  }
0x2b: {  	s0 =	simm.s32 @!p1 $0x2  }
0x2c: {  	_ =	swait.ge @!p1 [sflag:s0], $0x2780  }
0x2d: {  	[sflag:s0] =	ssyncset.done @!p1 $0x0  }
0x2e: {  	[sflag:s0] =	ssyncadd.s32 @!p1 $0xFFFFD880  }
0x2f: {  	[tilespmem:s3], [sflag:$0x2] =	stream.linear.gather [hbm4b:s15+s3], $0x2800, $0x38;
	[tilespmem:$0x1E080] =	vst v63  }
0x30: {  	_ =	swait.ge [sflag:s21], $0x2800  }
0x31: {  	[sflag:s21] =	ssyncset.done $0x0  }
0x32: {  	[sflag:s21] =	ssyncadd.s32 $0xFFFFD800  }
0x33: {  	[bflag:$0x0] =	sbarrier.arrive $0xFFFF  }
0x34: {  	[tilespmem:s23], [sflag:$0x1] =	stream.indirect.gather [spmem:s2], $0x80, s3, s22, $0xb8;
	[tilespmem:$0x1E080] =	vst v63  }
0x35: {  	_ =	swait.ge [sflag:s24], $0x4000  }
0x36: {  	[sflag:s24] =	ssyncset.done $0x0  }
0x37: {  	[sflag:s24] =	ssyncadd.s32 $0xFFFFC000  }
0x38: {  	[tilespmem:s25], [sflag:$0x1] =	stream.indirect.gather [spmem:s2], $0x80, s22, s22, $0xb8;
	[tilespmem:$0x1E080] =	vst v63  }
0x39: {  	_ = 	snop  }
0x3a: {  	[hbm4b:s17+s3] =	stream.linear.scatter [tilespmem:s23], [sflag:$0x2], $0x4000, $0x38;
	[tilespmem:$0x1E080] =	vst v63  }
0x3b: {  	_ =	swait.ge [sflag:s21], $0x4000  }
0x3c: {  	[sflag:s21] =	ssyncset.done $0x0  }
0x3d: {  	[sflag:s21] =	ssyncadd.s32 $0xFFFFC000  }
0x3e: {  	p5 =	sle.u32 s6, $0x2;
	_ =	swait.ge [sflag:s24], $0x4000  }
0x3f: {  	s10 =	simm.s32 @!p5 $0x2800;
	[sflag:s24] =	ssyncset.done $0x0  }
0x40: {  	s8 =	simm.s32 @!p5 $0x80;
	s0 =	simm.s32 $0x100;
	[sflag:s24] =	ssyncadd.s32 $0xFFFFC000  }
0x41: {  	[tilespmem:s10], [sflag:$0x1] =	stream.indirect.gather @!p5 [spmem:s2], $0x80, s0, s8, $0xb8;
	[tilespmem:$0x1E080] =	vst v63  }
0x42: {  	s0 =	simm.s32 @!p5 $0x0;
	s8 =	simm.s32 @!p5 $0x6800;
	s10 =	simm.s32 @!p5 $0x2  }
0x43: {  	[hbm4b:s20+s0] =	stream.linear.scatter @!p5 [tilespmem:s8], [sflag:$0x2], $0x4000, $0x38;
	[tilespmem:$0x1E080] =	vst v63  }
0x44: {  	_ =	swait.ge @!p5 [sflag:s10], $0x4000  }
0x45: {  	[sflag:s10] =	ssyncset.done @!p5 $0x0  }
0x46: {  	s0 =	simm.s32 @!p5 $0x1;
	[sflag:s10] =	ssyncadd.s32 @!p5 $0xFFFFC000  }
0x47: {  	p4 =	sle.u32 s6, $0x3;
	_ =	swait.ge @!p5 [sflag:s0], $0x4000  }
0x48: {  	s11 =	simm.s32 @!p4 $0x6800;
	s8 =	simm.s32 @!p4 $0x2800;
	[sflag:s0] =	ssyncset.done @!p5 $0x0  }
0x49: {  	s10 =	simm.s32 @!p4 $0x80;
	[sflag:s0] =	ssyncadd.s32 @!p5 $0xFFFFC000;
	s0 =	simm.s32 @!p4 $0x180  }
0x4a: {  	[tilespmem:s11], [sflag:$0x1] =	stream.indirect.gather @!p4 [spmem:s2], $0x80, s0, s10, $0xb8;
	[tilespmem:$0x1E080] =	vst v63  }
0x4b: {  	s0 =	sadd.s32 @!p4 $0x800, s20;
	s10 =	simm.s32 @!p4 $0x0;
	s11 =	simm.s32 @!p4 $0x2  }
0x4c: {  	[hbm4b:s0+s10] =	stream.linear.scatter @!p4 [tilespmem:s8], [sflag:$0x2], $0x4000, $0x38;
	[tilespmem:$0x1E080] =	vst v63  }
0x4d: {  	_ =	swait.ge @!p4 [sflag:s11], $0x4000  }
0x4e: {  	s29 =	simm.s32 $0x5;
	s31 =	simm.s32 $0x7;
	[sflag:s11] =	ssyncset.done @!p4 $0x0  }
0x4f: {  	s30 =	simm.s32 $0x200;
	s0 =	simm.s32 @!p4 $0x1;
	[sflag:s11] =	ssyncadd.s32 @!p4 $0xFFFFC000  }
0x50: {  	s28 =	sadd.s32 $0x1000, s20;
	s8 =	simm.s32 $0x4;
	_ =	swait.ge @!p4 [sflag:s0], $0x4000  }
.LBB2_6:
0x51: {  	p6 =	sge.u32 s8, s6  }
0x52: {  	[sflag:s0] =	ssyncset.done @!p4 $0x0;
	s8 =	smov.u32 s31;
	s31 =	sadd.s32 $0x2, s31  }
0x53: {  	s10 =	simm.s32 @!p6 $0x80;
	s11 =	simm.s32 @!p6 $0x2800;
	[sflag:s0] =	ssyncadd.s32 @!p4 $0xFFFFC000  }
0x54: {  	[tilespmem:s11], [sflag:$0x1] =	stream.indirect.gather @!p6 [spmem:s2], $0x80, s30, s10, $0xb8;
	[tilespmem:$0x1E080] =	vst v63  }
0x55: {  	s0 =	simm.s32 @!p6 $0x0;
	s10 =	simm.s32 @!p6 $0x6800;
	s11 =	simm.s32 @!p6 $0x2  }
0x56: {  	[hbm4b:s28+s0] =	stream.linear.scatter @!p6 [tilespmem:s10], [sflag:$0x2], $0x4000, $0x38;
	[tilespmem:$0x1E080] =	vst v63  }
0x57: {  	p5 =	sne.s32 s31, $0x51;
	_ =	swait.ge @!p6 [sflag:s11], $0x4000  }
0x58: {  	[sflag:s11] =	ssyncset.done @!p6 $0x0  }
0x59: {  	s0 =	simm.s32 @!p6 $0x1;
	[sflag:s11] =	ssyncadd.s32 @!p6 $0xFFFFC000  }
0x5a: {  	_ =	swait.ge @!p6 [sflag:s0], $0x4000  }
0x5b: {  	p4 =	sge.u32 s29, s6;
	s29 =	smov.u32 s8;
	[sflag:s0] =	ssyncset.done @!p6 $0x0  }
0x5c: {  	s8 =	simm.s32 @!p4 $0x2800;
	[sflag:s0] =	ssyncadd.s32 @!p6 $0xFFFFC000;
	s0 =	sadd.s32 @!p4 $0x80, s30  }
0x5d: {  	s12 =	sadd.s32 @!p4 $0x800, s28;
	s10 =	simm.s32 @!p4 $0x80;
	s11 =	simm.s32 @!p4 $0x6800  }
0x5e: {  	[tilespmem:s11], [sflag:$0x1] =	stream.indirect.gather @!p4 [spmem:s2], $0x80, s0, s10, $0xb8;
	[tilespmem:$0x1E080] =	vst v63  }
0x5f: {  	s0 =	simm.s32 @!p4 $0x0;
	s10 =	simm.s32 @!p4 $0x2  }
0x60: {  	[hbm4b:s12+s0] =	stream.linear.scatter @!p4 [tilespmem:s8], [sflag:$0x2], $0x4000, $0x38;
	[tilespmem:$0x1E080] =	vst v63  }
.Ltmp3:
0x61: {  	_ = 	snop;
	(pc) =	sbr.rel @p5 .LBB2_6-.Ltmp3, $4  }
0x62: {  	_ =	swait.ge @!p4 [sflag:s10], $0x4000  }
0x63: {  	s0 =	simm.s32 @!p4 $0x1;
	[sflag:s10] =	ssyncset.done @!p4 $0x0  }
0x64: {  	s28 =	sadd.s32 $0x1000, s28;
	[sflag:s10] =	ssyncadd.s32 @!p4 $0xFFFFC000  }
0x65: {  	s30 =	sadd.s32 $0x100, s30;
	s8 =	sadd.s32 $0xFFFFFFFF, s29;
	_ =	swait.ge @!p4 [sflag:s0], $0x4000  }
0x66: {  	p5 =	sge.u32 s8, s6;
	[sflag:s0] =	ssyncset.done @!p4 $0x0  }
0x67: {  	s8 =	simm.s32 @!p5 $0x80;
	s10 =	simm.s32 @!p5 $0x2800;
	[sflag:s0] =	ssyncadd.s32 @!p4 $0xFFFFC000  }
0x68: {  	[tilespmem:s10], [sflag:$0x1] =	stream.indirect.gather @!p5 [spmem:s2], $0x80, s30, s8, $0xb8;
	[tilespmem:$0x1E080] =	vst v63  }
0x69: {  	s0 =	simm.s32 @!p5 $0x0;
	s8 =	simm.s32 @!p5 $0x6800;
	s10 =	simm.s32 @!p5 $0x2  }
0x6a: {  	[hbm4b:s28+s0] =	stream.linear.scatter @!p5 [tilespmem:s8], [sflag:$0x2], $0x4000, $0x38;
	[tilespmem:$0x1E080] =	vst v63  }
0x6b: {  	_ =	swait.ge @!p5 [sflag:s10], $0x4000  }
0x6c: {  	[sflag:s10] =	ssyncset.done @!p5 $0x0  }
0x6d: {  	s0 =	simm.s32 @!p5 $0x1;
	[sflag:s10] =	ssyncadd.s32 @!p5 $0xFFFFC000  }
0x6e: {  	p4 =	sge.u32 s29, s6;
	_ =	swait.ge @!p5 [sflag:s0], $0x4000  }
0x6f: {  	s11 =	simm.s32 @!p4 $0x6800;
	s8 =	simm.s32 @!p4 $0x2800;
	[sflag:s0] =	ssyncset.done @!p5 $0x0  }
0x70: {  	s10 =	simm.s32 @!p4 $0x80;
	[sflag:s0] =	ssyncadd.s32 @!p5 $0xFFFFC000;
	s0 =	sadd.s32 @!p4 $0x80, s30  }
0x71: {  	[tilespmem:s11], [sflag:$0x1] =	stream.indirect.gather @!p4 [spmem:s2], $0x80, s0, s10, $0xb8;
	[tilespmem:$0x1E080] =	vst v63  }
0x72: {  	s0 =	sadd.s32 @!p4 $0x800, s28;
	s10 =	simm.s32 @!p4 $0x0;
	s11 =	simm.s32 @!p4 $0x2  }
0x73: {  	[hbm4b:s0+s10] =	stream.linear.scatter @!p4 [tilespmem:s8], [sflag:$0x2], $0x4000, $0x38;
	[tilespmem:$0x1E080] =	vst v63  }
0x74: {  	_ =	swait.ge @!p4 [sflag:s11], $0x4000  }
.Ltmp4:
0x75: {  	[sflag:s11] =	ssyncset.done @!p4 $0x0;
	(pc) =	sbr.rel @p2 .LBB2_9-.Ltmp4, $4  }
.Ltmp5:
0x76: {  	s0 =	simm.s32 @!p4 $0x1;
	[sflag:s11] =	ssyncadd.s32 @!p4 $0xFFFFC000;
	(pc) =	sbr.rel @!p2 .LBB2_8-.Ltmp5, $4  }
0x77: {  	_ =	swait.ge @!p4 [sflag:s0], $0x4000  }
0x78: {  	[sflag:s0] =	ssyncset.done @!p4 $0x0  }
0x79: {  	[sflag:s0] =	ssyncadd.s32 @!p4 $0xFFFFC000;
	s0 =	smov.u32 s5  }
0x7a: {  	_ = 	snop  }
.LBB2_2:
0x7b: {  	s29 =	simm.s32 @p1 $0x1FC2;
	s10 =	rddreg [dreg:$0x5]  }
0x7c: {  	[spmem:s8], [sflag:s29] =	dma.local @p1 [hbm:s10], $0x2080  }
0x7d: {  	s8 =	simm.s32 @p1 $0x2  }
0x7e: {  	_ =	swait.ge @p1 [sflag:s8], $0x2080  }
0x7f: {  	[sflag:s8] =	ssyncset.done @p1 $0x0  }
0x80: {  	[sflag:s8] =	ssyncadd.s32 @p1 $0xFFFFDF80;
	s8 =	rddreg [dreg:$0x4]  }
0x81: {  	[spmem:s0], [sflag:s28] =	dma.local @!p1 [hbm:s8], $0x2780  }
0x82: {  	s0 =	simm.s32 @!p1 $0x2  }
0x83: {  	_ =	swait.ge @!p1 [sflag:s0], $0x2780  }
0x84: {  	[sflag:s0] =	ssyncset.done @!p1 $0x0  }
0x85: {  	s12 =	rddreg [dreg:$0x6];
	[sflag:s0] =	ssyncadd.s32 @!p1 $0xFFFFD880  }
0x86: {  	[tilespmem:s3], [sflag:$0x2] =	stream.linear.gather [hbm4b:s12+s3], $0x2800, $0x38;
	[tilespmem:$0x1E080] =	vst v63  }
0x87: {  	_ =	swait.ge [sflag:s21], $0x2800  }
0x88: {  	[sflag:s21] =	ssyncset.done $0x0  }
0x89: {  	[sflag:s21] =	ssyncadd.s32 $0xFFFFD800  }
0x8a: {  	[bflag:$0x0] =	sbarrier.arrive $0xFFFF  }
0x8b: {  	[tilespmem:s23], [sflag:$0x1] =	stream.indirect.gather [spmem:s2], $0x80, s3, s22, $0xb8;
	[tilespmem:$0x1E080] =	vst v63  }
0x8c: {  	_ =	swait.ge [sflag:s24], $0x4000  }
0x8d: {  	[sflag:s24] =	ssyncset.done $0x0  }
0x8e: {  	[sflag:s24] =	ssyncadd.s32 $0xFFFFC000  }
0x8f: {  	[tilespmem:s25], [sflag:$0x1] =	stream.indirect.gather [spmem:s2], $0x80, s22, s22, $0xb8;
	[tilespmem:$0x1E080] =	vst v63  }
0x90: {  	_ = 	snop  }
0x91: {  	[hbm4b:s16+s3] =	stream.linear.scatter [tilespmem:s23], [sflag:$0x2], $0x4000, $0x38;
	[tilespmem:$0x1E080] =	vst v63  }
0x92: {  	_ =	swait.ge [sflag:s21], $0x4000  }
0x93: {  	[sflag:s21] =	ssyncset.done $0x0  }
0x94: {  	[sflag:s21] =	ssyncadd.s32 $0xFFFFC000  }
0x95: {  	p5 =	sle.u32 s6, $0x2;
	_ =	swait.ge [sflag:s24], $0x4000  }
0x96: {  	s8 =	simm.s32 @!p5 $0x80;
	[sflag:s24] =	ssyncset.done $0x0  }
0x97: {  	s28 =	simm.s32 @!p5 $0x2800;
	s0 =	simm.s32 $0x100;
	[sflag:s24] =	ssyncadd.s32 $0xFFFFC000  }
0x98: {  	[tilespmem:s28], [sflag:$0x1] =	stream.indirect.gather @!p5 [spmem:s2], $0x80, s0, s8, $0xb8;
	[tilespmem:$0x1E080] =	vst v63  }
0x99: {  	s0 =	simm.s32 @!p5 $0x0;
	s8 =	simm.s32 @!p5 $0x6800;
	s28 =	simm.s32 @!p5 $0x2  }
0x9a: {  	[hbm4b:s19+s0] =	stream.linear.scatter @!p5 [tilespmem:s8], [sflag:$0x2], $0x4000, $0x38;
	[tilespmem:$0x1E080] =	vst v63  }
0x9b: {  	_ =	swait.ge @!p5 [sflag:s28], $0x4000  }
0x9c: {  	[sflag:s28] =	ssyncset.done @!p5 $0x0  }
0x9d: {  	s0 =	simm.s32 @!p5 $0x1;
	[sflag:s28] =	ssyncadd.s32 @!p5 $0xFFFFC000  }
0x9e: {  	p4 =	sle.u32 s6, $0x3;
	_ =	swait.ge @!p5 [sflag:s0], $0x4000  }
0x9f: {  	s29 =	simm.s32 @!p4 $0x6800;
	s30 =	simm.s32 @!p4 $0x2;
	[sflag:s0] =	ssyncset.done @!p5 $0x0  }
0xa0: {  	s28 =	simm.s32 @!p4 $0x80;
	[sflag:s0] =	ssyncadd.s32 @!p5 $0xFFFFC000;
	s0 =	simm.s32 @!p4 $0x180  }
0xa1: {  	[tilespmem:s29], [sflag:$0x1] =	stream.indirect.gather @!p4 [spmem:s2], $0x80, s0, s28, $0xb8;
	[tilespmem:$0x1E080] =	vst v63  }
0xa2: {  	s8 =	simm.s32 @!p4 $0x2800;
	s0 =	sadd.s32 @!p4 $0x800, s19;
	s28 =	simm.s32 @!p4 $0x0  }
0xa3: {  	[hbm4b:s0+s28] =	stream.linear.scatter @!p4 [tilespmem:s8], [sflag:$0x2], $0x4000, $0x38;
	[tilespmem:$0x1E080] =	vst v63  }
0xa4: {  	_ =	swait.ge @!p4 [sflag:s30], $0x4000  }
0xa5: {  	s31 =	simm.s32 $0x7;
	s29 =	simm.s32 $0x5;
	[sflag:s30] =	ssyncset.done @!p4 $0x0  }
0xa6: {  	s0 =	simm.s32 @!p4 $0x1;
	s28 =	sadd.s32 $0x1000, s19;
	[sflag:s30] =	ssyncadd.s32 @!p4 $0xFFFFC000  }
0xa7: {  	s8 =	simm.s32 $0x4;
	s30 =	simm.s32 $0x200;
	_ =	swait.ge @!p4 [sflag:s0], $0x4000  }
.LBB2_3:
0xa8: {  	p6 =	sge.u32 s8, s6  }
0xa9: {  	[sflag:s0] =	ssyncset.done @!p4 $0x0;
	s8 =	smov.u32 s31;
	s31 =	sadd.s32 $0x2, s31  }
0xaa: {  	s10 =	simm.s32 @!p6 $0x80;
	s11 =	simm.s32 @!p6 $0x2800;
	[sflag:s0] =	ssyncadd.s32 @!p4 $0xFFFFC000  }
0xab: {  	[tilespmem:s11], [sflag:$0x1] =	stream.indirect.gather @!p6 [spmem:s2], $0x80, s30, s10, $0xb8;
	[tilespmem:$0x1E080] =	vst v63  }
0xac: {  	s0 =	simm.s32 @!p6 $0x0;
	s10 =	simm.s32 @!p6 $0x6800;
	s11 =	simm.s32 @!p6 $0x2  }
0xad: {  	[hbm4b:s28+s0] =	stream.linear.scatter @!p6 [tilespmem:s10], [sflag:$0x2], $0x4000, $0x38;
	[tilespmem:$0x1E080] =	vst v63  }
0xae: {  	p5 =	sne.s32 s31, $0x51;
	_ =	swait.ge @!p6 [sflag:s11], $0x4000  }
0xaf: {  	[sflag:s11] =	ssyncset.done @!p6 $0x0  }
0xb0: {  	s0 =	simm.s32 @!p6 $0x1;
	[sflag:s11] =	ssyncadd.s32 @!p6 $0xFFFFC000  }
0xb1: {  	_ =	swait.ge @!p6 [sflag:s0], $0x4000  }
0xb2: {  	p4 =	sge.u32 s29, s6;
	s29 =	smov.u32 s8;
	[sflag:s0] =	ssyncset.done @!p6 $0x0  }
0xb3: {  	s8 =	simm.s32 @!p4 $0x2800;
	[sflag:s0] =	ssyncadd.s32 @!p6 $0xFFFFC000;
	s0 =	sadd.s32 @!p4 $0x80, s30  }
0xb4: {  	s12 =	sadd.s32 @!p4 $0x800, s28;
	s10 =	simm.s32 @!p4 $0x80;
	s11 =	simm.s32 @!p4 $0x6800  }
0xb5: {  	[tilespmem:s11], [sflag:$0x1] =	stream.indirect.gather @!p4 [spmem:s2], $0x80, s0, s10, $0xb8;
	[tilespmem:$0x1E080] =	vst v63  }
0xb6: {  	s0 =	simm.s32 @!p4 $0x0;
	s10 =	simm.s32 @!p4 $0x2  }
0xb7: {  	[hbm4b:s12+s0] =	stream.linear.scatter @!p4 [tilespmem:s8], [sflag:$0x2], $0x4000, $0x38;
	[tilespmem:$0x1E080] =	vst v63  }
.Ltmp6:
0xb8: {  	_ = 	snop;
	(pc) =	sbr.rel @p5 .LBB2_3-.Ltmp6, $4  }
0xb9: {  	_ =	swait.ge @!p4 [sflag:s10], $0x4000  }
0xba: {  	s0 =	simm.s32 @!p4 $0x1;
	[sflag:s10] =	ssyncset.done @!p4 $0x0  }
0xbb: {  	s28 =	sadd.s32 $0x1000, s28;
	[sflag:s10] =	ssyncadd.s32 @!p4 $0xFFFFC000  }
0xbc: {  	s30 =	sadd.s32 $0x100, s30;
	s8 =	sadd.s32 $0xFFFFFFFF, s29;
	_ =	swait.ge @!p4 [sflag:s0], $0x4000  }
0xbd: {  	p5 =	sge.u32 s8, s6;
	[sflag:s0] =	ssyncset.done @!p4 $0x0  }
0xbe: {  	s8 =	simm.s32 @!p5 $0x80;
	s10 =	simm.s32 @!p5 $0x2800;
	[sflag:s0] =	ssyncadd.s32 @!p4 $0xFFFFC000  }
0xbf: {  	[tilespmem:s10], [sflag:$0x1] =	stream.indirect.gather @!p5 [spmem:s2], $0x80, s30, s8, $0xb8;
	[tilespmem:$0x1E080] =	vst v63  }
0xc0: {  	s0 =	simm.s32 @!p5 $0x0;
	s8 =	simm.s32 @!p5 $0x6800;
	s10 =	simm.s32 @!p5 $0x2  }
0xc1: {  	[hbm4b:s28+s0] =	stream.linear.scatter @!p5 [tilespmem:s8], [sflag:$0x2], $0x4000, $0x38;
	[tilespmem:$0x1E080] =	vst v63  }
0xc2: {  	_ =	swait.ge @!p5 [sflag:s10], $0x4000  }
0xc3: {  	[sflag:s10] =	ssyncset.done @!p5 $0x0  }
0xc4: {  	s0 =	simm.s32 @!p5 $0x1;
	[sflag:s10] =	ssyncadd.s32 @!p5 $0xFFFFC000  }
0xc5: {  	p4 =	sge.u32 s29, s6;
	_ =	swait.ge @!p5 [sflag:s0], $0x4000  }
0xc6: {  	s11 =	simm.s32 @!p4 $0x6800;
	s8 =	simm.s32 @!p4 $0x2800;
	[sflag:s0] =	ssyncset.done @!p5 $0x0  }
0xc7: {  	s10 =	simm.s32 @!p4 $0x80;
	[sflag:s0] =	ssyncadd.s32 @!p5 $0xFFFFC000;
	s0 =	sadd.s32 @!p4 $0x80, s30  }
0xc8: {  	[tilespmem:s11], [sflag:$0x1] =	stream.indirect.gather @!p4 [spmem:s2], $0x80, s0, s10, $0xb8;
	[tilespmem:$0x1E080] =	vst v63  }
0xc9: {  	s0 =	sadd.s32 @!p4 $0x800, s28;
	s10 =	simm.s32 @!p4 $0x0;
	s11 =	simm.s32 @!p4 $0x2  }
0xca: {  	[hbm4b:s0+s10] =	stream.linear.scatter @!p4 [tilespmem:s8], [sflag:$0x2], $0x4000, $0x38;
	[tilespmem:$0x1E080] =	vst v63  }
0xcb: {  	_ =	swait.ge @!p4 [sflag:s11], $0x4000  }
.Ltmp7:
0xcc: {  	[sflag:s11] =	ssyncset.done @!p4 $0x0;
	(pc) =	sbr.rel @p3 .LBB2_8-.Ltmp7, $4  }
.Ltmp8:
0xcd: {  	s0 =	simm.s32 @!p4 $0x1;
	[sflag:s11] =	ssyncadd.s32 @!p4 $0xFFFFC000;
	(pc) =	sbr.rel @!p3 .LBB2_9-.Ltmp8, $4  }
0xce: {  	_ =	swait.ge @!p4 [sflag:s0], $0x4000  }
0xcf: {  	[sflag:s0] =	ssyncset.done @!p4 $0x0  }
0xd0: {  	[sflag:s0] =	ssyncadd.s32 @!p4 $0xFFFFC000;
	s0 =	smov.u32 s4  }
0xd1: {  	_ = 	snop  }
.LBB2_10:
0xd2: {  	_ =	sfence.sel $0x180000  }
0xd3: {  	[bflag:$0x0] =	sbarrier.arrive $0xFFFF  }
0xd4: {  	_ =	strace $0x9000004A  }
0xd5: {  	[bflag:$0x2] =	sbarrier.arrive $0xFFFF  }
0xd6: {  	p0 =	sne.s32 s1, $0x0;
	s0 =	rddreg [dreg:$0x3]  }
0xd7: {  	s0 =	sadd.s32 @!p0 $0x100000, s0  }
0xd8: {  	[sflag:s0] =	ssyncadd.tile.s32 @!p0 $0x1;
	_ =	shalt  }
.Lfunc_end2:
_tile_overlayer_lowered:
.L_overlay_start_2:
0xd9: {  	(tag) =	ssettag $0x2  }
0xda: {  	s0 =	rddreg [dreg:$0x0];
	s2 =	stileid.u32  }
0xdb: {  	s1 =	rddreg [dreg:$0x1];
	p0 =	sne.s32 s2, $0x0  }
0xdc: {  	s3 =	rddreg [dreg:$0x2];
	[bflag:$0x3] =	sbarrier.arrive $0xFFFF;
	s2 =	simm.s32 @!p0 $0x1C02  }
0xdd: {  	[timem:s3], [sflag:s2] =	dma.local @!p0 [hbm:s0], s1  }
0xde: {  	s0 =	simm.s32 @!p0 $0x2  }
0xdf: {  	_ =	swait.ge @!p0 [sflag:s0], s1  }
0xe0: {  	s1 =	ssub.s32 @!p0 $0x0, s1;
	[sflag:s0] =	ssyncset.done @!p0 $0x0  }
0xe1: {  	[sflag:s0] =	ssyncadd.s32 @!p0 s1  }
0xe2: {  	[bflag:$0x3] =	sbarrier.arrive $0xFFFF  }
0xe3: {  	_ =	shalt  }

// kernel: kernel.13.cloned.1.call-start
scs
__scs_entry_jumppad:
0x0: {  	(pc) =	sbr.rel $0x88, $3  }
0x1: {  	(tag) =	ssettag $0x0;
	lr =	simm.s32 $0x1  }
0x2: {  	[smem:$0x3F92] =	sst lr;
	_ =	strace $0xD0000000  }
0x3: {  	_ = 	snop  }
0x4: {  	_ = 	snop  }
0x5: {  	_ = 	snop  }
0x6: {  	_ = 	snop  }
0x7: {  	_ = 	snop  }
__scs_overlays_trampoline_lowered:
0x8: {  	[smem:$0x3FA1] =	sst s0  }
0x9: {  	[smem:$0x3FA2] =	sst s1  }
0xa: {  	[smem:$0x3FA3] =	sst s2  }
0xb: {  	[smem:$0x3FA4] =	sst s3  }
0xc: {  	[smem:$0x3FA5] =	sst s4  }
0xd: {  	[smem:$0x3FA6] =	sst s5  }
0xe: {  	[smem:$0x3FA7] =	sst s6  }
0xf: {  	[smem:$0x3FA8] =	sst s7  }
0x10: {  	[smem:$0x3FA9] =	sst s8  }
0x11: {  	[smem:$0x3FAA] =	sst s9;
	s0 =	simm.s32 @!p0 $0x0  }
0x12: {  	s1 =	sld [smem:$0x3F90];
	s0 =	simm.s32 @p0 $0x1  }
0x13: {  	[smem:$0x3FAB] =	sst s0;
	s0 =	simm.s32 @!p1 $0x0  }
0x14: {  	s2 =	sld [smem:$0x3F8F];
	s0 =	simm.s32 @p1 $0x1  }
0x15: {  	[smem:$0x3FAC] =	sst s0;
	s0 =	simm.s32 @!p2 $0x0  }
0x16: {  	s3 =	sld [smem:$0x3FDB];
	s0 =	simm.s32 @p2 $0x1  }
0x17: {  	s4 =	simm.s32 $0x1BF5;
	[smem:$0x3FAE] =	sst s0  }
0x18: {  	s0 =	sld [smem:$0x3F91];
	_ =	swait.ge [sflag:s4], $0x0  }
0x19: {  	s7 =	sld [smem:$0x3F92]  }
0x1a: {  	s8 =	sadd.s32 $0xFFFFE003, lr  }
0x1b: {  	s9 =	sadd.s32 $0xFFFFFEF7, lr;
	s5 =	simm.s32 $0xFFFFFFFF;
	p2 =	slt.u32 s8, $0xFFFFF086  }
0x1c: {  	p1 =	slt.u32 s9, $0xF7A;
	s5 =	simm.s32 @!p2 $0x0  }
0x1d: {  	s5 =	simm.s32 @p1 $0x1;
	p0 =	seq.s32 s7, s2  }
0x1e: {  	s7 =	smul.u32 @!p0 $0xF7A, s2;
	p2 =	seq.s32 @!p0 s5, $0x0  }
0x1f: {  	s9 =	smul.u32 $0xF7A, s1;
	s8 =	simm.s32 @!p0 $0x1BF5;
	p2 =	por !p2, p0  }
0x20: {  	[sflag:s8] =	ssyncset.s32 @!p0 $0xFFFFF086;
	s6 =	sadd.s32 @!p0 s3, s7;
	s7 =	simm.s32 @!p0 $0x108  }
0x21: {  	s3 =	sadd.s32 s3, s9;
	s6 =	sadd.s32 @!p0 $0x88, s6;
	s7 =	simm.s32 @p2 $0x1082  }
0x22: {  	[simem:s7], [sflag:s8] =	dma.local @!p0 [hbm:s6], $0xF7A  }
0x23: {  	s9 =	sor.u32 $0xD0000000, s2;
	s6 =	simm.s32 $0x108;
	_ =	swait.ge @!p0 [sflag:s8], $0x0  }
0x24: {  	s3 =	sadd.s32 $0x88, s3;
	s6 =	simm.s32 @!p1 $0x1082;
	[sflag:s4] =	ssyncset.s32 $0xFFFFF086  }
0x25: {  	[simem:s6], [sflag:s4] =	dma.local [hbm:s3], $0xF7A  }
0x26: {  	[smem:$0x3F92] =	sst s1;
	(tag) =	ssettag s2;
	_ =	strace s9  }
0x27: {  	s1 =	sld [smem:$0x3FA2]  }
0x28: {  	s2 =	sld [smem:$0x3FA3]  }
0x29: {  	s4 =	sld [smem:$0x3FA5]  }
0x2a: {  	p0 =	seq.s32 s5, $0x0;
	s5 =	sld [smem:$0x3FA6]  }
0x2b: {  	s6 =	sld [smem:$0x3FA7]  }
0x2c: {  	s7 =	sld [smem:$0x3FA8]  }
0x2d: {  	s3 =	simm.s32 $0x108;
	s8 =	sld [smem:$0x3FA9]  }
0x2e: {  	s3 =	simm.s32 @!p0 $0x1082;
	s9 =	sld [smem:$0x3FAA]  }
0x2f: {  	lr =	sadd.s32 s0, s3;
	s0 =	sld [smem:$0x3FA1]  }
0x30: {  	s3 =	sld [smem:$0x3FA4]  }
0x31: {  	[smem:$0x3FAD] =	sst s10  }
0x32: {  	s10 =	sld [smem:$0x3FAB];
	_ =	sdelay $0x3  }
0x33: {  	p0 =	seq.s32 s10, $0x1;
	s10 =	sld [smem:$0x3FAD];
	_ =	sdelay $0x3  }
0x34: {  	[smem:$0x3FAD] =	sst s10  }
0x35: {  	s10 =	sld [smem:$0x3FAC];
	_ =	sdelay $0x3  }
0x36: {  	p1 =	seq.s32 s10, $0x1;
	s10 =	sld [smem:$0x3FAD];
	_ =	sdelay $0x3  }
0x37: {  	[smem:$0x3FAD] =	sst s10  }
0x38: {  	s10 =	sld [smem:$0x3FAE]  }
0x39: {  	_ = 	snop;
	(pc) =	sbr.ind lr, $3  }
0x3a: {  	_ = 	snop  }
0x3b: {  	_ = 	snop  }
0x3c: {  	p2 =	seq.s32 s10, $0x1;
	s10 =	sld [smem:$0x3FAD]  }
0x3d: {  	_ =	shalt  }
0x3e: {  	_ =	shalt  }
0x3f: {  	_ =	shalt  }
0x40: {  	_ =	shalt  }
0x41: {  	_ =	shalt  }
0x42: {  	_ =	shalt  }
0x43: {  	_ =	shalt  }
0x44: {  	_ =	shalt  }
0x45: {  	_ =	shalt  }
0x46: {  	_ =	shalt  }
0x47: {  	_ =	shalt  }
0x48: {  	_ =	shalt  }
0x49: {  	_ =	shalt  }
0x4a: {  	_ =	shalt  }
0x4b: {  	_ =	shalt  }
0x4c: {  	_ =	shalt  }
0x4d: {  	_ =	shalt  }
0x4e: {  	_ =	shalt  }
0x4f: {  	_ =	shalt  }
0x50: {  	_ =	shalt  }
0x51: {  	_ =	shalt  }
0x52: {  	_ =	shalt  }
0x53: {  	_ =	shalt  }
0x54: {  	_ =	shalt  }
0x55: {  	_ =	shalt  }
0x56: {  	_ =	shalt  }
0x57: {  	_ =	shalt  }
0x58: {  	_ =	shalt  }
0x59: {  	_ =	shalt  }
0x5a: {  	_ =	shalt  }
0x5b: {  	_ =	shalt  }
0x5c: {  	_ =	shalt  }
0x5d: {  	_ =	shalt  }
0x5e: {  	_ =	shalt  }
0x5f: {  	_ =	shalt  }
0x60: {  	_ =	shalt  }
0x61: {  	_ =	shalt  }
0x62: {  	_ =	shalt  }
0x63: {  	_ =	shalt  }
0x64: {  	_ =	shalt  }
0x65: {  	_ =	shalt  }
0x66: {  	_ =	shalt  }
0x67: {  	_ =	shalt  }
0x68: {  	_ =	shalt  }
0x69: {  	_ =	shalt  }
0x6a: {  	_ =	shalt  }
0x6b: {  	_ =	shalt  }
0x6c: {  	_ =	shalt  }
0x6d: {  	_ =	shalt  }
0x6e: {  	_ =	shalt  }
0x6f: {  	_ =	shalt  }
0x70: {  	_ =	shalt  }
0x71: {  	_ =	shalt  }
0x72: {  	_ =	shalt  }
0x73: {  	_ =	shalt  }
0x74: {  	_ =	shalt  }
0x75: {  	_ =	shalt  }
0x76: {  	_ =	shalt  }
0x77: {  	_ =	shalt  }
0x78: {  	_ =	shalt  }
0x79: {  	_ =	shalt  }
0x7a: {  	_ =	shalt  }
0x7b: {  	_ =	shalt  }
0x7c: {  	_ =	shalt  }
0x7d: {  	_ =	shalt  }
0x7e: {  	_ =	shalt  }
0x7f: {  	_ =	shalt  }
0x80: {  	_ =	shalt  }
0x81: {  	_ =	shalt  }
0x82: {  	_ =	shalt  }
0x83: {  	_ =	shalt  }
0x84: {  	_ =	shalt  }
0x85: {  	_ =	shalt  }
0x86: {  	_ =	shalt  }
0x87: {  	_ =	shalt  }
.Lfunc_end0:
.L_simem_size_0:
called_computation.1_lowered:
.L_overlay_start_0:
0x88: {  	s2 =	sld [smem:$0x3FD9]  }
0x89: {  	s3 =	sld [smem:$0x3FFE];
	_ =	sdelay $0x1  }
0x8a: {  	s1 =	srdreg.scid  }
0x8b: {  	s0 =	sand.u32 $0x1, s1  }
0x8c: {  	s17 =	sshll.u32 s0, $0xA;
	s2 =	sadd.s32 s3, s2  }
0x8d: {  	s2 =	sadd.s32 s2, s17  }
0x8e: {  	[smem:$0x3FB9] =	sst s2  }
0x8f: {  	_ = 	snop  }
0x90: {  	s2 =	sld [smem:$0x3FD0];
	(tm) =	ssettm $0x1  }
0x91: {  	s18 =	sld [smem:$0x3FFB];
	_ =	sdelay $0x3  }
0x92: {  	_ =	strace s18  }
0x93: {  	s3 =	sld [smem:$0x3FFC];
	_ =	sdelay $0x3  }
0x94: {  	_ =	strace s3  }
0x95: {  	s3 =	sld [smem:$0x3FFD];
	_ =	sdelay $0x3  }
0x96: {  	_ =	strace s3  }
0x97: {  	_ =	strace $0x8FFFFFFF  }
0x98: {  	s19 =	sld [smem:$0x3FDB];
	_ =	sdelay $0x1  }
0x99: {  	s4 =	simm.s32 $_scs_section_size  }
0x9a: {  	s5 =	simm.s32 $_size__tile_overlayer_lowered;
	s6 =	simm.s32 $_tile_overlayer_lowered  }
0x9b: {  	s22 =	simm.s32 $0x1BFF;
	s21 =	sshll.u32 s6, $0x1;
	s3 =	sadd.s32 s4, s19  }
0x9c: {  	s7 =	simm.s32 $0x0;
	s20 =	sshll.u32 s5, $0x1;
	s5 =	sadd.s32 s21, s3  }
0x9d: {  	[timem:s7], [sflag:s22] =	dma.local [hbm:s5], s20  }
0x9e: {  	_ =	swait.ge [sflag:s22], s20  }
0x9f: {  	s4 =	ssub.s32 $0x0, s20;
	[sflag:s22] =	ssyncset.done $0x0  }
0xa0: {  	[sflag:s22] =	ssyncadd.s32 s4;
	_ =	sdelay $0x1  }
0xa1: {  	s23 =	simm.s32 $0x1B8B  }
0xa2: {  	_ =	swait.ge [sflag:s23], $0x1  }
0xa3: {  	[sflag:s23] =	ssyncset.done $0x0  }
0xa4: {  	s25 =	simm.s32 $0x1B8E;
	s24 =	sld [smem:$0x3FFE];
	[sflag:s23] =	ssyncadd.s32 $0xFFFFFFFF  }
0xa5: {  	s26 =	simm.s32 $execute0_lowered;
	[smem:$0x3FD2] =	sst s25  }
0xa6: {  	s5 =	sshll.u32 s26, $0x1;
	_ =	strace $0x80000046;
	[dreg:$0x1] =	wrdreg $0xFFFFFFFF  }
0xa7: {  	s28 =	simm.s32 $_size_execute0_lowered;
	s3 =	sadd.s32 s3, s5;
	[dreg:$0x0] =	wrdreg $0x0  }
0xa8: {  	s5 =	sshll.u32 s28, $0x1;
	[dreg:$0x2] =	wrdreg s3  }
0xa9: {  	[dreg:$0x3] =	wrdreg s5  }
0xaa: {  	[dreg:$0x4] =	wrdreg $0xC0  }
0xab: {  	_ =	task [dreg:s7], $0x5FFFF  }
0xac: {  	[dreg:$0x1] =	wrdreg $0xFFFFFFFF  }
0xad: {  	[dreg:$0x0] =	wrdreg $0x60  }
0xae: {  	[dreg:$0x2] =	wrdreg s2  }
0xaf: {  	[dreg:$0x3] =	wrdreg s24  }
0xb0: {  	[dreg:$0x4] =	wrdreg $0xA8000  }
0xb1: {  	[dreg:$0x5] =	wrdreg $0xA  }
0xb2: {  	_ =	task.clear_ibuf [dreg:s7], $0x6FFFF;
	_ =	strace $0x90000046  }
0xb3: {  	s29 =	simm.s32 $0xA;
	_ =	strace $0x80000048  }
0xb4: {  	_ =	swait.ge [sflag:s29], $0x1  }
0xb5: {  	[sflag:s29] =	ssyncadd.s32 $0xFFFFFFFF  }
0xb6: {  	_ =	strace $0x90000048  }
0xb7: {  	_ =	sfence  }
0xb8: {  	s30 =	sld [smem:$0x0];
	_ =	sdelay $0x2  }
0xb9: {  	s31 =	sshll.u32 s1, $0xD;
	s1 =	sshrl.u32 s1, $0x2  }
0xba: {  	s3 =	sand.u32 $0x4000, s31;
	s1 =	sadd.s32 s1, s30  }
0xbb: {  	s0 =	sor.u32 s3, s0;
	s1 =	sshll.u32 s1, $0x11  }
0xbc: {  	s0 =	sor.u32 s1, s0  }
0xbd: {  	s0 =	sadd.s32 $0x8F2B, s0  }
0xbe: {  	[sflag:s0] =	ssyncadd.remote.s32 $0x1  }
0xbf: {  	_ =	sfence.sel $0xFFFF  }
0xc0: {  	[dreg:$0x0] =	wrdreg $0xFFFFFFFF;
	(pc) =	sbr.abs _section_cstart, $3  }
0xc1: {  	[dreg:$0x1] =	wrdreg $0xFFFFFFFF  }
0xc2: {  	_ =	task.clear_ibuf [dreg:s7], $0x2FFFF;
	_ =	strace $0x9FFFFFFF  }
0xc3: {  	(tm) =	ssettm $0x7FFFFFFF  }
tec
execute0_lowered:
.L_overlay_start_1:
0x0: {  	(tag) =	ssettag $0x1  }
0x1: {  	s0 =	rddreg [dreg:$0x0]  }
0x2: {  	s8 =	rddreg [dreg:$0x1]  }
0x3: {  	s2 =	rddreg [dreg:$0x2];
	s1 =	stileid.u32  }
0x4: {  	s3 =	simm.s32 $0x0;
	s5 =	srdreg.scid;
	s9 =	smul.u32 $0x2780, s1  }
0x5: {  	s21 =	simm.s32 $0x2;
	s22 =	simm.s32 $0x80;
	s4 =	smul.u32 $0x500, s1  }
0x6: {  	s23 =	simm.s32 $0x2800;
	s24 =	simm.s32 $0x1;
	s11 =	smul.u32 $0x50, s1  }
0x7: {  	s26 =	simm.s32 $0x0;
	[smem:$0x7FF] =	sst s3;
	s10 =	smul.u32 $0x4F000, s1  }
0x8: {  	s7 =	sand.u32 $0x1, s5;
	s5 =	sadd.s32 $0x2A7E00, s8;
	s17 =	smul.u32 $0x28000, s1  }
0x9: {  	p1 =	seq.s32 s1, $0xF;
	_ =	strace $0x80000047;
	s6 =	ssub.s32 $0x2, s7  }
0xa: {  	p0 =	seq.s32 s7, $0x1;
	s13 =	sadd.s32 s9, s8;
	s15 =	sadd.s32 s4, s8  }
0xb: {  	s4 =	sadd.s32 $0x36E00, s8;
	s12 =	sshrl.u32 s6, $0x1;
	s14 =	ssub.s32 $0x4E2, s11  }
0xc: {  	s10 =	sshrl.u32 s10, $0x2;
	s9 =	sadd.s32 s0, s9;
	s0 =	sadd.s32 $0x25080, s0  }
0xd: {  	s18 =	ssub.s32 s6, s12;
	s6 =	smin.u32 s14, $0x50;
	[dreg:$0x4] =	wrdreg s9  }
0xe: {  	s7 =	sadd.s32 s10, s2;
	s9 =	sadd.s32 $0x128400, s2;
	[dreg:$0x5] =	wrdreg s0  }
0xf: {  	s30 =	sadd.s32 $0xAC00, s15;
	s13 =	sadd.s32 $0xFC00, s13;
	s14 =	sadd.s32 $0x34C80, s8  }
0x10: {  	s15 =	sadd.s32 $0x5C00, s15;
	s16 =	sadd.s32 s4, s17;
	s17 =	sadd.s32 s5, s17  }
.Ltmp0:
0x11: {  	s29 =	sadd.s32 s11, s6;
	[dreg:$0x6] =	wrdreg s30;
	(pc) =	sbr.rel .LBB2_1-.Ltmp0, $4  }
0x12: {  	s31 =	sadd.s32 $0xFFFFFFFF, s6;
	s18 =	smax.u32 s18, $0x1;
	s0 =	sshll.u32 s29, $0xE  }
0x13: {  	s19 =	sadd.s32 $0x800, s16;
	s25 =	sand.u32 $0x80000001, s31;
	s0 =	sadd.s32 $0xFFFFC000, s0  }
0x14: {  	s20 =	sadd.s32 $0x800, s17;
	p2 =	sne.s32 s25, $0x1;
	s0 =	sshrl.u32 s0, $0x3  }
0x15: {  	p3 =	seq.s32 s25, $0x1;
	s25 =	simm.s32 $0x6800;
	[dreg:$0x7] =	wrdreg s0  }
.LBB2_8:
0x16: {  	s8 =	rddreg [dreg:$0x7]  }
0x17: {  	s0 =	sadd.s32 s0, s8  }
0x18: {  	[hbm4b:s0+s3] =	stream.linear.scatter [tilespmem:s25], [sflag:$0x2], $0x4000, $0x38;
	[tilespmem:$0x1E080] =	vst v63  }
0x19: {  	_ =	swait.ge [sflag:s21], $0x4000  }
0x1a: {  	[sflag:s21] =	ssyncset.done $0x0  }
0x1b: {  	[sflag:s21] =	ssyncadd.s32 $0xFFFFC000  }
.LBB2_9:
0x1c: {  	s26 =	sadd.s32 $0x1, s26  }
0x1d: {  	p4 =	sne.s32 s26, s18  }
.Ltmp1:
0x1e: {  	_ = 	snop;
	(pc) =	sbr.rel @!p4 .LBB2_10-.Ltmp1, $1  }
0x1f: {  	_ =	sdelay $0x3  }
.LBB2_1:
.Ltmp2:
0x20: {  	(pc) =	sbr.rel @!p0 .LBB2_2-.Ltmp2, $3  }
0x21: {  	_ =	sdelay $0x1  }
0x22: {  	s28 =	sshll.u32 @!p1 s1, $0x6  }
0x23: {  	s8 =	sshrl.u32 @p1 s9, $0x3;
	s0 =	sshrl.u32 @!p1 s7, $0x3;
	s28 =	sor.u32 @!p1 $0x1C02, s28  }
0x24: {  	s10 =	simm.s32 @p1 $0x1FC2  }
0x25: {  	[spmem:s8], [sflag:s10] =	dma.local @p1 [hbm:s14], $0x2080  }
0x26: {  	s8 =	simm.s32 @p1 $0x2  }
0x27: {  	_ =	swait.ge @p1 [sflag:s8], $0x2080  }
0x28: {  	[sflag:s8] =	ssyncset.done @p1 $0x0  }
0x29: {  	[sflag:s8] =	ssyncadd.s32 @p1 $0xFFFFDF80  }
0x2a: {  	[spmem:s0], [sflag:s28] =	dma.local @!p1 [hbm:s13], $0x2780  }
0x2b: {  	s0 =	simm.s32 @!p1 $0x2  }
0x2c: {  	_ =	swait.ge @!p1 [sflag:s0], $0x2780  }
0x2d: {  	[sflag:s0] =	ssyncset.done @!p1 $0x0  }
0x2e: {  	[sflag:s0] =	ssyncadd.s32 @!p1 $0xFFFFD880  }
0x2f: {  	[tilespmem:s3], [sflag:$0x2] =	stream.linear.gather [hbm4b:s15+s3], $0x2800, $0x38;
	[tilespmem:$0x1E080] =	vst v63  }
0x30: {  	_ =	swait.ge [sflag:s21], $0x2800  }
0x31: {  	[sflag:s21] =	ssyncset.done $0x0  }
0x32: {  	[sflag:s21] =	ssyncadd.s32 $0xFFFFD800  }
0x33: {  	[bflag:$0x0] =	sbarrier.arrive $0xFFFF  }
0x34: {  	[tilespmem:s23], [sflag:$0x1] =	stream.indirect.gather [spmem:s2], $0x80, s3, s22, $0xb8;
	[tilespmem:$0x1E080] =	vst v63  }
0x35: {  	_ =	swait.ge [sflag:s24], $0x4000  }
0x36: {  	[sflag:s24] =	ssyncset.done $0x0  }
0x37: {  	[sflag:s24] =	ssyncadd.s32 $0xFFFFC000  }
0x38: {  	[tilespmem:s25], [sflag:$0x1] =	stream.indirect.gather [spmem:s2], $0x80, s22, s22, $0xb8;
	[tilespmem:$0x1E080] =	vst v63  }
0x39: {  	_ = 	snop  }
0x3a: {  	[hbm4b:s17+s3] =	stream.linear.scatter [tilespmem:s23], [sflag:$0x2], $0x4000, $0x38;
	[tilespmem:$0x1E080] =	vst v63  }
0x3b: {  	_ =	swait.ge [sflag:s21], $0x4000  }
0x3c: {  	[sflag:s21] =	ssyncset.done $0x0  }
0x3d: {  	[sflag:s21] =	ssyncadd.s32 $0xFFFFC000  }
0x3e: {  	p5 =	sle.u32 s6, $0x2;
	_ =	swait.ge [sflag:s24], $0x4000  }
0x3f: {  	s10 =	simm.s32 @!p5 $0x2800;
	[sflag:s24] =	ssyncset.done $0x0  }
0x40: {  	s8 =	simm.s32 @!p5 $0x80;
	s0 =	simm.s32 $0x100;
	[sflag:s24] =	ssyncadd.s32 $0xFFFFC000  }
0x41: {  	[tilespmem:s10], [sflag:$0x1] =	stream.indirect.gather @!p5 [spmem:s2], $0x80, s0, s8, $0xb8;
	[tilespmem:$0x1E080] =	vst v63  }
0x42: {  	s0 =	simm.s32 @!p5 $0x0;
	s8 =	simm.s32 @!p5 $0x6800;
	s10 =	simm.s32 @!p5 $0x2  }
0x43: {  	[hbm4b:s20+s0] =	stream.linear.scatter @!p5 [tilespmem:s8], [sflag:$0x2], $0x4000, $0x38;
	[tilespmem:$0x1E080] =	vst v63  }
0x44: {  	_ =	swait.ge @!p5 [sflag:s10], $0x4000  }
0x45: {  	[sflag:s10] =	ssyncset.done @!p5 $0x0  }
0x46: {  	s0 =	simm.s32 @!p5 $0x1;
	[sflag:s10] =	ssyncadd.s32 @!p5 $0xFFFFC000  }
0x47: {  	p4 =	sle.u32 s6, $0x3;
	_ =	swait.ge @!p5 [sflag:s0], $0x4000  }
0x48: {  	s11 =	simm.s32 @!p4 $0x6800;
	s8 =	simm.s32 @!p4 $0x2800;
	[sflag:s0] =	ssyncset.done @!p5 $0x0  }
0x49: {  	s10 =	simm.s32 @!p4 $0x80;
	[sflag:s0] =	ssyncadd.s32 @!p5 $0xFFFFC000;
	s0 =	simm.s32 @!p4 $0x180  }
0x4a: {  	[tilespmem:s11], [sflag:$0x1] =	stream.indirect.gather @!p4 [spmem:s2], $0x80, s0, s10, $0xb8;
	[tilespmem:$0x1E080] =	vst v63  }
0x4b: {  	s0 =	sadd.s32 @!p4 $0x800, s20;
	s10 =	simm.s32 @!p4 $0x0;
	s11 =	simm.s32 @!p4 $0x2  }
0x4c: {  	[hbm4b:s0+s10] =	stream.linear.scatter @!p4 [tilespmem:s8], [sflag:$0x2], $0x4000, $0x38;
	[tilespmem:$0x1E080] =	vst v63  }
0x4d: {  	_ =	swait.ge @!p4 [sflag:s11], $0x4000  }
0x4e: {  	s29 =	simm.s32 $0x5;
	s31 =	simm.s32 $0x7;
	[sflag:s11] =	ssyncset.done @!p4 $0x0  }
0x4f: {  	s30 =	simm.s32 $0x200;
	s0 =	simm.s32 @!p4 $0x1;
	[sflag:s11] =	ssyncadd.s32 @!p4 $0xFFFFC000  }
0x50: {  	s28 =	sadd.s32 $0x1000, s20;
	s8 =	simm.s32 $0x4;
	_ =	swait.ge @!p4 [sflag:s0], $0x4000  }
.LBB2_6:
0x51: {  	p6 =	sge.u32 s8, s6  }
0x52: {  	[sflag:s0] =	ssyncset.done @!p4 $0x0;
	s8 =	smov.u32 s31;
	s31 =	sadd.s32 $0x2, s31  }
0x53: {  	s10 =	simm.s32 @!p6 $0x80;
	s11 =	simm.s32 @!p6 $0x2800;
	[sflag:s0] =	ssyncadd.s32 @!p4 $0xFFFFC000  }
0x54: {  	[tilespmem:s11], [sflag:$0x1] =	stream.indirect.gather @!p6 [spmem:s2], $0x80, s30, s10, $0xb8;
	[tilespmem:$0x1E080] =	vst v63  }
0x55: {  	s0 =	simm.s32 @!p6 $0x0;
	s10 =	simm.s32 @!p6 $0x6800;
	s11 =	simm.s32 @!p6 $0x2  }
0x56: {  	[hbm4b:s28+s0] =	stream.linear.scatter @!p6 [tilespmem:s10], [sflag:$0x2], $0x4000, $0x38;
	[tilespmem:$0x1E080] =	vst v63  }
0x57: {  	p5 =	sne.s32 s31, $0x51;
	_ =	swait.ge @!p6 [sflag:s11], $0x4000  }
0x58: {  	[sflag:s11] =	ssyncset.done @!p6 $0x0  }
0x59: {  	s0 =	simm.s32 @!p6 $0x1;
	[sflag:s11] =	ssyncadd.s32 @!p6 $0xFFFFC000  }
0x5a: {  	_ =	swait.ge @!p6 [sflag:s0], $0x4000  }
0x5b: {  	p4 =	sge.u32 s29, s6;
	s29 =	smov.u32 s8;
	[sflag:s0] =	ssyncset.done @!p6 $0x0  }
0x5c: {  	s8 =	simm.s32 @!p4 $0x2800;
	[sflag:s0] =	ssyncadd.s32 @!p6 $0xFFFFC000;
	s0 =	sadd.s32 @!p4 $0x80, s30  }
0x5d: {  	s12 =	sadd.s32 @!p4 $0x800, s28;
	s10 =	simm.s32 @!p4 $0x80;
	s11 =	simm.s32 @!p4 $0x6800  }
0x5e: {  	[tilespmem:s11], [sflag:$0x1] =	stream.indirect.gather @!p4 [spmem:s2], $0x80, s0, s10, $0xb8;
	[tilespmem:$0x1E080] =	vst v63  }
0x5f: {  	s0 =	simm.s32 @!p4 $0x0;
	s10 =	simm.s32 @!p4 $0x2  }
0x60: {  	[hbm4b:s12+s0] =	stream.linear.scatter @!p4 [tilespmem:s8], [sflag:$0x2], $0x4000, $0x38;
	[tilespmem:$0x1E080] =	vst v63  }
.Ltmp3:
0x61: {  	_ = 	snop;
	(pc) =	sbr.rel @p5 .LBB2_6-.Ltmp3, $4  }
0x62: {  	_ =	swait.ge @!p4 [sflag:s10], $0x4000  }
0x63: {  	s0 =	simm.s32 @!p4 $0x1;
	[sflag:s10] =	ssyncset.done @!p4 $0x0  }
0x64: {  	s28 =	sadd.s32 $0x1000, s28;
	[sflag:s10] =	ssyncadd.s32 @!p4 $0xFFFFC000  }
0x65: {  	s30 =	sadd.s32 $0x100, s30;
	s8 =	sadd.s32 $0xFFFFFFFF, s29;
	_ =	swait.ge @!p4 [sflag:s0], $0x4000  }
0x66: {  	p5 =	sge.u32 s8, s6;
	[sflag:s0] =	ssyncset.done @!p4 $0x0  }
0x67: {  	s8 =	simm.s32 @!p5 $0x80;
	s10 =	simm.s32 @!p5 $0x2800;
	[sflag:s0] =	ssyncadd.s32 @!p4 $0xFFFFC000  }
0x68: {  	[tilespmem:s10], [sflag:$0x1] =	stream.indirect.gather @!p5 [spmem:s2], $0x80, s30, s8, $0xb8;
	[tilespmem:$0x1E080] =	vst v63  }
0x69: {  	s0 =	simm.s32 @!p5 $0x0;
	s8 =	simm.s32 @!p5 $0x6800;
	s10 =	simm.s32 @!p5 $0x2  }
0x6a: {  	[hbm4b:s28+s0] =	stream.linear.scatter @!p5 [tilespmem:s8], [sflag:$0x2], $0x4000, $0x38;
	[tilespmem:$0x1E080] =	vst v63  }
0x6b: {  	_ =	swait.ge @!p5 [sflag:s10], $0x4000  }
0x6c: {  	[sflag:s10] =	ssyncset.done @!p5 $0x0  }
0x6d: {  	s0 =	simm.s32 @!p5 $0x1;
	[sflag:s10] =	ssyncadd.s32 @!p5 $0xFFFFC000  }
0x6e: {  	p4 =	sge.u32 s29, s6;
	_ =	swait.ge @!p5 [sflag:s0], $0x4000  }
0x6f: {  	s11 =	simm.s32 @!p4 $0x6800;
	s8 =	simm.s32 @!p4 $0x2800;
	[sflag:s0] =	ssyncset.done @!p5 $0x0  }
0x70: {  	s10 =	simm.s32 @!p4 $0x80;
	[sflag:s0] =	ssyncadd.s32 @!p5 $0xFFFFC000;
	s0 =	sadd.s32 @!p4 $0x80, s30  }
0x71: {  	[tilespmem:s11], [sflag:$0x1] =	stream.indirect.gather @!p4 [spmem:s2], $0x80, s0, s10, $0xb8;
	[tilespmem:$0x1E080] =	vst v63  }
0x72: {  	s0 =	sadd.s32 @!p4 $0x800, s28;
	s10 =	simm.s32 @!p4 $0x0;
	s11 =	simm.s32 @!p4 $0x2  }
0x73: {  	[hbm4b:s0+s10] =	stream.linear.scatter @!p4 [tilespmem:s8], [sflag:$0x2], $0x4000, $0x38;
	[tilespmem:$0x1E080] =	vst v63  }
0x74: {  	_ =	swait.ge @!p4 [sflag:s11], $0x4000  }
.Ltmp4:
0x75: {  	[sflag:s11] =	ssyncset.done @!p4 $0x0;
	(pc) =	sbr.rel @p2 .LBB2_9-.Ltmp4, $4  }
.Ltmp5:
0x76: {  	s0 =	simm.s32 @!p4 $0x1;
	[sflag:s11] =	ssyncadd.s32 @!p4 $0xFFFFC000;
	(pc) =	sbr.rel @!p2 .LBB2_8-.Ltmp5, $4  }
0x77: {  	_ =	swait.ge @!p4 [sflag:s0], $0x4000  }
0x78: {  	[sflag:s0] =	ssyncset.done @!p4 $0x0  }
0x79: {  	[sflag:s0] =	ssyncadd.s32 @!p4 $0xFFFFC000;
	s0 =	smov.u32 s5  }
0x7a: {  	_ = 	snop  }
.LBB2_2:
0x7b: {  	s29 =	simm.s32 @p1 $0x1FC2;
	s10 =	rddreg [dreg:$0x5]  }
0x7c: {  	[spmem:s8], [sflag:s29] =	dma.local @p1 [hbm:s10], $0x2080  }
0x7d: {  	s8 =	simm.s32 @p1 $0x2  }
0x7e: {  	_ =	swait.ge @p1 [sflag:s8], $0x2080  }
0x7f: {  	[sflag:s8] =	ssyncset.done @p1 $0x0  }
0x80: {  	[sflag:s8] =	ssyncadd.s32 @p1 $0xFFFFDF80;
	s8 =	rddreg [dreg:$0x4]  }
0x81: {  	[spmem:s0], [sflag:s28] =	dma.local @!p1 [hbm:s8], $0x2780  }
0x82: {  	s0 =	simm.s32 @!p1 $0x2  }
0x83: {  	_ =	swait.ge @!p1 [sflag:s0], $0x2780  }
0x84: {  	[sflag:s0] =	ssyncset.done @!p1 $0x0  }
0x85: {  	s12 =	rddreg [dreg:$0x6];
	[sflag:s0] =	ssyncadd.s32 @!p1 $0xFFFFD880  }
0x86: {  	[tilespmem:s3], [sflag:$0x2] =	stream.linear.gather [hbm4b:s12+s3], $0x2800, $0x38;
	[tilespmem:$0x1E080] =	vst v63  }
0x87: {  	_ =	swait.ge [sflag:s21], $0x2800  }
0x88: {  	[sflag:s21] =	ssyncset.done $0x0  }
0x89: {  	[sflag:s21] =	ssyncadd.s32 $0xFFFFD800  }
0x8a: {  	[bflag:$0x0] =	sbarrier.arrive $0xFFFF  }
0x8b: {  	[tilespmem:s23], [sflag:$0x1] =	stream.indirect.gather [spmem:s2], $0x80, s3, s22, $0xb8;
	[tilespmem:$0x1E080] =	vst v63  }
0x8c: {  	_ =	swait.ge [sflag:s24], $0x4000  }
0x8d: {  	[sflag:s24] =	ssyncset.done $0x0  }
0x8e: {  	[sflag:s24] =	ssyncadd.s32 $0xFFFFC000  }
0x8f: {  	[tilespmem:s25], [sflag:$0x1] =	stream.indirect.gather [spmem:s2], $0x80, s22, s22, $0xb8;
	[tilespmem:$0x1E080] =	vst v63  }
0x90: {  	_ = 	snop  }
0x91: {  	[hbm4b:s16+s3] =	stream.linear.scatter [tilespmem:s23], [sflag:$0x2], $0x4000, $0x38;
	[tilespmem:$0x1E080] =	vst v63  }
0x92: {  	_ =	swait.ge [sflag:s21], $0x4000  }
0x93: {  	[sflag:s21] =	ssyncset.done $0x0  }
0x94: {  	[sflag:s21] =	ssyncadd.s32 $0xFFFFC000  }
0x95: {  	p5 =	sle.u32 s6, $0x2;
	_ =	swait.ge [sflag:s24], $0x4000  }
0x96: {  	s8 =	simm.s32 @!p5 $0x80;
	[sflag:s24] =	ssyncset.done $0x0  }
0x97: {  	s28 =	simm.s32 @!p5 $0x2800;
	s0 =	simm.s32 $0x100;
	[sflag:s24] =	ssyncadd.s32 $0xFFFFC000  }
0x98: {  	[tilespmem:s28], [sflag:$0x1] =	stream.indirect.gather @!p5 [spmem:s2], $0x80, s0, s8, $0xb8;
	[tilespmem:$0x1E080] =	vst v63  }
0x99: {  	s0 =	simm.s32 @!p5 $0x0;
	s8 =	simm.s32 @!p5 $0x6800;
	s28 =	simm.s32 @!p5 $0x2  }
0x9a: {  	[hbm4b:s19+s0] =	stream.linear.scatter @!p5 [tilespmem:s8], [sflag:$0x2], $0x4000, $0x38;
	[tilespmem:$0x1E080] =	vst v63  }
0x9b: {  	_ =	swait.ge @!p5 [sflag:s28], $0x4000  }
0x9c: {  	[sflag:s28] =	ssyncset.done @!p5 $0x0  }
0x9d: {  	s0 =	simm.s32 @!p5 $0x1;
	[sflag:s28] =	ssyncadd.s32 @!p5 $0xFFFFC000  }
0x9e: {  	p4 =	sle.u32 s6, $0x3;
	_ =	swait.ge @!p5 [sflag:s0], $0x4000  }
0x9f: {  	s29 =	simm.s32 @!p4 $0x6800;
	s30 =	simm.s32 @!p4 $0x2;
	[sflag:s0] =	ssyncset.done @!p5 $0x0  }
0xa0: {  	s28 =	simm.s32 @!p4 $0x80;
	[sflag:s0] =	ssyncadd.s32 @!p5 $0xFFFFC000;
	s0 =	simm.s32 @!p4 $0x180  }
0xa1: {  	[tilespmem:s29], [sflag:$0x1] =	stream.indirect.gather @!p4 [spmem:s2], $0x80, s0, s28, $0xb8;
	[tilespmem:$0x1E080] =	vst v63  }
0xa2: {  	s8 =	simm.s32 @!p4 $0x2800;
	s0 =	sadd.s32 @!p4 $0x800, s19;
	s28 =	simm.s32 @!p4 $0x0  }
0xa3: {  	[hbm4b:s0+s28] =	stream.linear.scatter @!p4 [tilespmem:s8], [sflag:$0x2], $0x4000, $0x38;
	[tilespmem:$0x1E080] =	vst v63  }
0xa4: {  	_ =	swait.ge @!p4 [sflag:s30], $0x4000  }
0xa5: {  	s31 =	simm.s32 $0x7;
	s29 =	simm.s32 $0x5;
	[sflag:s30] =	ssyncset.done @!p4 $0x0  }
0xa6: {  	s0 =	simm.s32 @!p4 $0x1;
	s28 =	sadd.s32 $0x1000, s19;
	[sflag:s30] =	ssyncadd.s32 @!p4 $0xFFFFC000  }
0xa7: {  	s8 =	simm.s32 $0x4;
	s30 =	simm.s32 $0x200;
	_ =	swait.ge @!p4 [sflag:s0], $0x4000  }
.LBB2_3:
0xa8: {  	p6 =	sge.u32 s8, s6  }
0xa9: {  	[sflag:s0] =	ssyncset.done @!p4 $0x0;
	s8 =	smov.u32 s31;
	s31 =	sadd.s32 $0x2, s31  }
0xaa: {  	s10 =	simm.s32 @!p6 $0x80;
	s11 =	simm.s32 @!p6 $0x2800;
	[sflag:s0] =	ssyncadd.s32 @!p4 $0xFFFFC000  }
0xab: {  	[tilespmem:s11], [sflag:$0x1] =	stream.indirect.gather @!p6 [spmem:s2], $0x80, s30, s10, $0xb8;
	[tilespmem:$0x1E080] =	vst v63  }
0xac: {  	s0 =	simm.s32 @!p6 $0x0;
	s10 =	simm.s32 @!p6 $0x6800;
	s11 =	simm.s32 @!p6 $0x2  }
0xad: {  	[hbm4b:s28+s0] =	stream.linear.scatter @!p6 [tilespmem:s10], [sflag:$0x2], $0x4000, $0x38;
	[tilespmem:$0x1E080] =	vst v63  }
0xae: {  	p5 =	sne.s32 s31, $0x51;
	_ =	swait.ge @!p6 [sflag:s11], $0x4000  }
0xaf: {  	[sflag:s11] =	ssyncset.done @!p6 $0x0  }
0xb0: {  	s0 =	simm.s32 @!p6 $0x1;
	[sflag:s11] =	ssyncadd.s32 @!p6 $0xFFFFC000  }
0xb1: {  	_ =	swait.ge @!p6 [sflag:s0], $0x4000  }
0xb2: {  	p4 =	sge.u32 s29, s6;
	s29 =	smov.u32 s8;
	[sflag:s0] =	ssyncset.done @!p6 $0x0  }
0xb3: {  	s8 =	simm.s32 @!p4 $0x2800;
	[sflag:s0] =	ssyncadd.s32 @!p6 $0xFFFFC000;
	s0 =	sadd.s32 @!p4 $0x80, s30  }
0xb4: {  	s12 =	sadd.s32 @!p4 $0x800, s28;
	s10 =	simm.s32 @!p4 $0x80;
	s11 =	simm.s32 @!p4 $0x6800  }
0xb5: {  	[tilespmem:s11], [sflag:$0x1] =	stream.indirect.gather @!p4 [spmem:s2], $0x80, s0, s10, $0xb8;
	[tilespmem:$0x1E080] =	vst v63  }
0xb6: {  	s0 =	simm.s32 @!p4 $0x0;
	s10 =	simm.s32 @!p4 $0x2  }
0xb7: {  	[hbm4b:s12+s0] =	stream.linear.scatter @!p4 [tilespmem:s8], [sflag:$0x2], $0x4000, $0x38;
	[tilespmem:$0x1E080] =	vst v63  }
.Ltmp6:
0xb8: {  	_ = 	snop;
	(pc) =	sbr.rel @p5 .LBB2_3-.Ltmp6, $4  }
0xb9: {  	_ =	swait.ge @!p4 [sflag:s10], $0x4000  }
0xba: {  	s0 =	simm.s32 @!p4 $0x1;
	[sflag:s10] =	ssyncset.done @!p4 $0x0  }
0xbb: {  	s28 =	sadd.s32 $0x1000, s28;
	[sflag:s10] =	ssyncadd.s32 @!p4 $0xFFFFC000  }
0xbc: {  	s30 =	sadd.s32 $0x100, s30;
	s8 =	sadd.s32 $0xFFFFFFFF, s29;
	_ =	swait.ge @!p4 [sflag:s0], $0x4000  }
0xbd: {  	p5 =	sge.u32 s8, s6;
	[sflag:s0] =	ssyncset.done @!p4 $0x0  }
0xbe: {  	s8 =	simm.s32 @!p5 $0x80;
	s10 =	simm.s32 @!p5 $0x2800;
	[sflag:s0] =	ssyncadd.s32 @!p4 $0xFFFFC000  }
0xbf: {  	[tilespmem:s10], [sflag:$0x1] =	stream.indirect.gather @!p5 [spmem:s2], $0x80, s30, s8, $0xb8;
	[tilespmem:$0x1E080] =	vst v63  }
0xc0: {  	s0 =	simm.s32 @!p5 $0x0;
	s8 =	simm.s32 @!p5 $0x6800;
	s10 =	simm.s32 @!p5 $0x2  }
0xc1: {  	[hbm4b:s28+s0] =	stream.linear.scatter @!p5 [tilespmem:s8], [sflag:$0x2], $0x4000, $0x38;
	[tilespmem:$0x1E080] =	vst v63  }
0xc2: {  	_ =	swait.ge @!p5 [sflag:s10], $0x4000  }
0xc3: {  	[sflag:s10] =	ssyncset.done @!p5 $0x0  }
0xc4: {  	s0 =	simm.s32 @!p5 $0x1;
	[sflag:s10] =	ssyncadd.s32 @!p5 $0xFFFFC000  }
0xc5: {  	p4 =	sge.u32 s29, s6;
	_ =	swait.ge @!p5 [sflag:s0], $0x4000  }
0xc6: {  	s11 =	simm.s32 @!p4 $0x6800;
	s8 =	simm.s32 @!p4 $0x2800;
	[sflag:s0] =	ssyncset.done @!p5 $0x0  }
0xc7: {  	s10 =	simm.s32 @!p4 $0x80;
	[sflag:s0] =	ssyncadd.s32 @!p5 $0xFFFFC000;
	s0 =	sadd.s32 @!p4 $0x80, s30  }
0xc8: {  	[tilespmem:s11], [sflag:$0x1] =	stream.indirect.gather @!p4 [spmem:s2], $0x80, s0, s10, $0xb8;
	[tilespmem:$0x1E080] =	vst v63  }
0xc9: {  	s0 =	sadd.s32 @!p4 $0x800, s28;
	s10 =	simm.s32 @!p4 $0x0;
	s11 =	simm.s32 @!p4 $0x2  }
0xca: {  	[hbm4b:s0+s10] =	stream.linear.scatter @!p4 [tilespmem:s8], [sflag:$0x2], $0x4000, $0x38;
	[tilespmem:$0x1E080] =	vst v63  }
0xcb: {  	_ =	swait.ge @!p4 [sflag:s11], $0x4000  }
.Ltmp7:
0xcc: {  	[sflag:s11] =	ssyncset.done @!p4 $0x0;
	(pc) =	sbr.rel @p3 .LBB2_8-.Ltmp7, $4  }
.Ltmp8:
0xcd: {  	s0 =	simm.s32 @!p4 $0x1;
	[sflag:s11] =	ssyncadd.s32 @!p4 $0xFFFFC000;
	(pc) =	sbr.rel @!p3 .LBB2_9-.Ltmp8, $4  }
0xce: {  	_ =	swait.ge @!p4 [sflag:s0], $0x4000  }
0xcf: {  	[sflag:s0] =	ssyncset.done @!p4 $0x0  }
0xd0: {  	[sflag:s0] =	ssyncadd.s32 @!p4 $0xFFFFC000;
	s0 =	smov.u32 s4  }
0xd1: {  	_ = 	snop  }
.LBB2_10:
0xd2: {  	_ =	sfence.sel $0x180000  }
0xd3: {  	[bflag:$0x0] =	sbarrier.arrive $0xFFFF  }
0xd4: {  	_ =	strace $0x90000047  }
0xd5: {  	[bflag:$0x2] =	sbarrier.arrive $0xFFFF  }
0xd6: {  	p0 =	sne.s32 s1, $0x0;
	s0 =	rddreg [dreg:$0x3]  }
0xd7: {  	s0 =	sadd.s32 @!p0 $0x100000, s0  }
0xd8: {  	[sflag:s0] =	ssyncadd.tile.s32 @!p0 $0x1;
	_ =	shalt  }
.Lfunc_end2:
_tile_overlayer_lowered:
.L_overlay_start_2:
0xd9: {  	(tag) =	ssettag $0x2  }
0xda: {  	s0 =	rddreg [dreg:$0x0];
	s2 =	stileid.u32  }
0xdb: {  	s1 =	rddreg [dreg:$0x1];
	p0 =	sne.s32 s2, $0x0  }
0xdc: {  	s3 =	rddreg [dreg:$0x2];
	[bflag:$0x3] =	sbarrier.arrive $0xFFFF;
	s2 =	simm.s32 @!p0 $0x1C02  }
0xdd: {  	[timem:s3], [sflag:s2] =	dma.local @!p0 [hbm:s0], s1  }
0xde: {  	s0 =	simm.s32 @!p0 $0x2  }
0xdf: {  	_ =	swait.ge @!p0 [sflag:s0], s1  }
0xe0: {  	s1 =	ssub.s32 @!p0 $0x0, s1;
	[sflag:s0] =	ssyncset.done @!p0 $0x0  }
0xe1: {  	[sflag:s0] =	ssyncadd.s32 @!p0 s1  }
0xe2: {  	[bflag:$0x3] =	sbarrier.arrive $0xFFFF  }
0xe3: {  	_ =	shalt  }

// kernel: kernel.16.cloned.1.call-start
scs
__scs_entry_jumppad:
0x0: {  	(pc) =	sbr.rel $0x88, $3  }
0x1: {  	(tag) =	ssettag $0x0;
	lr =	simm.s32 $0x1  }
0x2: {  	[smem:$0x3F92] =	sst lr;
	_ =	strace $0xD0000000  }
0x3: {  	_ = 	snop  }
0x4: {  	_ = 	snop  }
0x5: {  	_ = 	snop  }
0x6: {  	_ = 	snop  }
0x7: {  	_ = 	snop  }
__scs_overlays_trampoline_lowered:
0x8: {  	[smem:$0x3FA1] =	sst s0  }
0x9: {  	[smem:$0x3FA2] =	sst s1  }
0xa: {  	[smem:$0x3FA3] =	sst s2  }
0xb: {  	[smem:$0x3FA4] =	sst s3  }
0xc: {  	[smem:$0x3FA5] =	sst s4  }
0xd: {  	[smem:$0x3FA6] =	sst s5  }
0xe: {  	[smem:$0x3FA7] =	sst s6  }
0xf: {  	[smem:$0x3FA8] =	sst s7  }
0x10: {  	[smem:$0x3FA9] =	sst s8  }
0x11: {  	[smem:$0x3FAA] =	sst s9;
	s0 =	simm.s32 @!p0 $0x0  }
0x12: {  	s1 =	sld [smem:$0x3F90];
	s0 =	simm.s32 @p0 $0x1  }
0x13: {  	[smem:$0x3FAB] =	sst s0;
	s0 =	simm.s32 @!p1 $0x0  }
0x14: {  	s2 =	sld [smem:$0x3F8F];
	s0 =	simm.s32 @p1 $0x1  }
0x15: {  	[smem:$0x3FAC] =	sst s0;
	s0 =	simm.s32 @!p2 $0x0  }
0x16: {  	s3 =	sld [smem:$0x3FDB];
	s0 =	simm.s32 @p2 $0x1  }
0x17: {  	s4 =	simm.s32 $0x1BF5;
	[smem:$0x3FAE] =	sst s0  }
0x18: {  	s0 =	sld [smem:$0x3F91];
	_ =	swait.ge [sflag:s4], $0x0  }
0x19: {  	s7 =	sld [smem:$0x3F92]  }
0x1a: {  	s8 =	sadd.s32 $0xFFFFE003, lr  }
0x1b: {  	s9 =	sadd.s32 $0xFFFFFEF7, lr;
	s5 =	simm.s32 $0xFFFFFFFF;
	p2 =	slt.u32 s8, $0xFFFFF086  }
0x1c: {  	p1 =	slt.u32 s9, $0xF7A;
	s5 =	simm.s32 @!p2 $0x0  }
0x1d: {  	s5 =	simm.s32 @p1 $0x1;
	p0 =	seq.s32 s7, s2  }
0x1e: {  	s7 =	smul.u32 @!p0 $0xF7A, s2;
	p2 =	seq.s32 @!p0 s5, $0x0  }
0x1f: {  	s9 =	smul.u32 $0xF7A, s1;
	s8 =	simm.s32 @!p0 $0x1BF5;
	p2 =	por !p2, p0  }
0x20: {  	[sflag:s8] =	ssyncset.s32 @!p0 $0xFFFFF086;
	s6 =	sadd.s32 @!p0 s3, s7;
	s7 =	simm.s32 @!p0 $0x108  }
0x21: {  	s3 =	sadd.s32 s3, s9;
	s6 =	sadd.s32 @!p0 $0x88, s6;
	s7 =	simm.s32 @p2 $0x1082  }
0x22: {  	[simem:s7], [sflag:s8] =	dma.local @!p0 [hbm:s6], $0xF7A  }
0x23: {  	s9 =	sor.u32 $0xD0000000, s2;
	s6 =	simm.s32 $0x108;
	_ =	swait.ge @!p0 [sflag:s8], $0x0  }
0x24: {  	s3 =	sadd.s32 $0x88, s3;
	s6 =	simm.s32 @!p1 $0x1082;
	[sflag:s4] =	ssyncset.s32 $0xFFFFF086  }
0x25: {  	[simem:s6], [sflag:s4] =	dma.local [hbm:s3], $0xF7A  }
0x26: {  	[smem:$0x3F92] =	sst s1;
	(tag) =	ssettag s2;
	_ =	strace s9  }
0x27: {  	s1 =	sld [smem:$0x3FA2]  }
0x28: {  	s2 =	sld [smem:$0x3FA3]  }
0x29: {  	s4 =	sld [smem:$0x3FA5]  }
0x2a: {  	p0 =	seq.s32 s5, $0x0;
	s5 =	sld [smem:$0x3FA6]  }
0x2b: {  	s6 =	sld [smem:$0x3FA7]  }
0x2c: {  	s7 =	sld [smem:$0x3FA8]  }
0x2d: {  	s3 =	simm.s32 $0x108;
	s8 =	sld [smem:$0x3FA9]  }
0x2e: {  	s3 =	simm.s32 @!p0 $0x1082;
	s9 =	sld [smem:$0x3FAA]  }
0x2f: {  	lr =	sadd.s32 s0, s3;
	s0 =	sld [smem:$0x3FA1]  }
0x30: {  	s3 =	sld [smem:$0x3FA4]  }
0x31: {  	[smem:$0x3FAD] =	sst s10  }
0x32: {  	s10 =	sld [smem:$0x3FAB];
	_ =	sdelay $0x3  }
0x33: {  	p0 =	seq.s32 s10, $0x1;
	s10 =	sld [smem:$0x3FAD];
	_ =	sdelay $0x3  }
0x34: {  	[smem:$0x3FAD] =	sst s10  }
0x35: {  	s10 =	sld [smem:$0x3FAC];
	_ =	sdelay $0x3  }
0x36: {  	p1 =	seq.s32 s10, $0x1;
	s10 =	sld [smem:$0x3FAD];
	_ =	sdelay $0x3  }
0x37: {  	[smem:$0x3FAD] =	sst s10  }
0x38: {  	s10 =	sld [smem:$0x3FAE]  }
0x39: {  	_ = 	snop;
	(pc) =	sbr.ind lr, $3  }
0x3a: {  	_ = 	snop  }
0x3b: {  	_ = 	snop  }
0x3c: {  	p2 =	seq.s32 s10, $0x1;
	s10 =	sld [smem:$0x3FAD]  }
0x3d: {  	_ =	shalt  }
0x3e: {  	_ =	shalt  }
0x3f: {  	_ =	shalt  }
0x40: {  	_ =	shalt  }
0x41: {  	_ =	shalt  }
0x42: {  	_ =	shalt  }
0x43: {  	_ =	shalt  }
0x44: {  	_ =	shalt  }
0x45: {  	_ =	shalt  }
0x46: {  	_ =	shalt  }
0x47: {  	_ =	shalt  }
0x48: {  	_ =	shalt  }
0x49: {  	_ =	shalt  }
0x4a: {  	_ =	shalt  }
0x4b: {  	_ =	shalt  }
0x4c: {  	_ =	shalt  }
0x4d: {  	_ =	shalt  }
0x4e: {  	_ =	shalt  }
0x4f: {  	_ =	shalt  }
0x50: {  	_ =	shalt  }
0x51: {  	_ =	shalt  }
0x52: {  	_ =	shalt  }
0x53: {  	_ =	shalt  }
0x54: {  	_ =	shalt  }
0x55: {  	_ =	shalt  }
0x56: {  	_ =	shalt  }
0x57: {  	_ =	shalt  }
0x58: {  	_ =	shalt  }
0x59: {  	_ =	shalt  }
0x5a: {  	_ =	shalt  }
0x5b: {  	_ =	shalt  }
0x5c: {  	_ =	shalt  }
0x5d: {  	_ =	shalt  }
0x5e: {  	_ =	shalt  }
0x5f: {  	_ =	shalt  }
0x60: {  	_ =	shalt  }
0x61: {  	_ =	shalt  }
0x62: {  	_ =	shalt  }
0x63: {  	_ =	shalt  }
0x64: {  	_ =	shalt  }
0x65: {  	_ =	shalt  }
0x66: {  	_ =	shalt  }
0x67: {  	_ =	shalt  }
0x68: {  	_ =	shalt  }
0x69: {  	_ =	shalt  }
0x6a: {  	_ =	shalt  }
0x6b: {  	_ =	shalt  }
0x6c: {  	_ =	shalt  }
0x6d: {  	_ =	shalt  }
0x6e: {  	_ =	shalt  }
0x6f: {  	_ =	shalt  }
0x70: {  	_ =	shalt  }
0x71: {  	_ =	shalt  }
0x72: {  	_ =	shalt  }
0x73: {  	_ =	shalt  }
0x74: {  	_ =	shalt  }
0x75: {  	_ =	shalt  }
0x76: {  	_ =	shalt  }
0x77: {  	_ =	shalt  }
0x78: {  	_ =	shalt  }
0x79: {  	_ =	shalt  }
0x7a: {  	_ =	shalt  }
0x7b: {  	_ =	shalt  }
0x7c: {  	_ =	shalt  }
0x7d: {  	_ =	shalt  }
0x7e: {  	_ =	shalt  }
0x7f: {  	_ =	shalt  }
0x80: {  	_ =	shalt  }
0x81: {  	_ =	shalt  }
0x82: {  	_ =	shalt  }
0x83: {  	_ =	shalt  }
0x84: {  	_ =	shalt  }
0x85: {  	_ =	shalt  }
0x86: {  	_ =	shalt  }
0x87: {  	_ =	shalt  }
.Lfunc_end0:
.L_simem_size_0:
called_computation.2_lowered:
.L_overlay_start_0:
0x88: {  	s2 =	sld [smem:$0x3FD9]  }
0x89: {  	s3 =	sld [smem:$0x3FFE];
	_ =	sdelay $0x1  }
0x8a: {  	s1 =	srdreg.scid  }
0x8b: {  	s0 =	sand.u32 $0x1, s1  }
0x8c: {  	s17 =	sshll.u32 s0, $0xA;
	s2 =	sadd.s32 s3, s2  }
0x8d: {  	s2 =	sadd.s32 s2, s17  }
0x8e: {  	[smem:$0x3FB9] =	sst s2  }
0x8f: {  	_ = 	snop  }
0x90: {  	(tm) =	ssettm $0x1  }
0x91: {  	s18 =	sld [smem:$0x3FFB];
	_ =	sdelay $0x3  }
0x92: {  	_ =	strace s18  }
0x93: {  	s2 =	sld [smem:$0x3FFC];
	_ =	sdelay $0x3  }
0x94: {  	_ =	strace s2  }
0x95: {  	s2 =	sld [smem:$0x3FFD];
	_ =	sdelay $0x3  }
0x96: {  	_ =	strace s2  }
0x97: {  	_ =	strace $0x8FFFFFFF  }
0x98: {  	s19 =	sld [smem:$0x3FDB];
	_ =	sdelay $0x1  }
0x99: {  	s20 =	simm.s32 $_scs_section_size  }
0x9a: {  	s4 =	simm.s32 $_size__tile_overlayer_lowered;
	s5 =	simm.s32 $_tile_overlayer_lowered  }
0x9b: {  	s6 =	simm.s32 $0x1BFF;
	s21 =	sshll.u32 s5, $0x1;
	s3 =	sadd.s32 s20, s19  }
0x9c: {  	s22 =	simm.s32 $0x0;
	s4 =	sshll.u32 s4, $0x1;
	s5 =	sadd.s32 s21, s3  }
0x9d: {  	[timem:s22], [sflag:s6] =	dma.local [hbm:s5], s4  }
0x9e: {  	_ =	swait.ge [sflag:s6], s4  }
0x9f: {  	s4 =	ssub.s32 $0x0, s4;
	[sflag:s6] =	ssyncset.done $0x0  }
0xa0: {  	[sflag:s6] =	ssyncadd.s32 s4;
	_ =	sdelay $0x1  }
0xa1: {  	s23 =	simm.s32 $0x1B8B  }
0xa2: {  	_ =	swait.ge [sflag:s23], $0x1  }
0xa3: {  	[sflag:s23] =	ssyncset.done $0x0  }
0xa4: {  	[sflag:s23] =	ssyncadd.s32 $0xFFFFFFFF  }
0xa5: {  	s4 =	sld [smem:$0x0]  }
0xa6: {  	s5 =	sand.u32 $0xFFFFFFFE, s1  }
0xa7: {  	p0 =	sne.s32 s1, s5  }
0xa8: {  	s5 =	sshll.u32 @p0 s5, $0xE  }
0xa9: {  	s5 =	sadd.s32 @p0 $0x11B8D, s5;
	s6 =	sshll.u32 @p0 s4, $0x11  }
0xaa: {  	s5 =	sor.u32 @p0 s6, s5  }
0xab: {  	[sflag:s5] =	ssyncadd.remote.s32 @p0 $0x1;
	_ =	sdelay $0x1  }
0xac: {  	s5 =	simm.s32 @p0 $0x1B8D  }
0xad: {  	_ =	swait.eq @p0 [sflag:s5], $0x1  }
0xae: {  	[sflag:s5] =	ssyncadd.s32 @p0 $0xFFFFFFFF  }
0xaf: {  	s6 =	sshll.u32 @!p0 s1, $0xE  }
0xb0: {  	s6 =	sor.u32 @!p0 $0x4000, s6;
	s5 =	simm.s32 @!p0 $0x1B8D  }
0xb1: {  	s4 =	sshll.u32 @!p0 s4, $0x11;
	s6 =	sadd.s32 @!p0 $0x11B8D, s6;
	_ =	swait.eq @!p0 [sflag:s5], $0x1  }
0xb2: {  	s4 =	sor.u32 @!p0 s4, s6;
	[sflag:s5] =	ssyncadd.s32 @!p0 $0xFFFFFFFF  }
0xb3: {  	s25 =	simm.s32 $0x1B8E;
	s24 =	sld [smem:$0x3FFE];
	[sflag:s4] =	ssyncadd.remote.s32 @!p0 $0x1  }
0xb4: {  	s26 =	simm.s32 $execute0_lowered;
	[smem:$0x3FD2] =	sst s25  }
0xb5: {  	s5 =	sshll.u32 s26, $0x1;
	_ =	strace $0x8000004F;
	[dreg:$0x1] =	wrdreg $0xFFFFFFFF  }
0xb6: {  	s28 =	simm.s32 $_size_execute0_lowered;
	s3 =	sadd.s32 s3, s5;
	[dreg:$0x0] =	wrdreg $0x0  }
0xb7: {  	s5 =	sshll.u32 s28, $0x1;
	[dreg:$0x2] =	wrdreg s3  }
0xb8: {  	[dreg:$0x3] =	wrdreg s5  }
0xb9: {  	[dreg:$0x4] =	wrdreg $0xC0  }
0xba: {  	_ =	task [dreg:s22], $0x5FFFF  }
0xbb: {  	[dreg:$0x1] =	wrdreg $0xFFFFFFFF  }
0xbc: {  	[dreg:$0x0] =	wrdreg $0x60  }
0xbd: {  	[dreg:$0x2] =	wrdreg s24  }
0xbe: {  	[dreg:$0x3] =	wrdreg $0xA8000  }
0xbf: {  	[dreg:$0x4] =	wrdreg $0x9  }
0xc0: {  	_ =	task.clear_ibuf [dreg:s22], $0x5FFFF;
	_ =	strace $0x9000004F  }
0xc1: {  	s29 =	simm.s32 $0x9;
	_ =	strace $0x80000051  }
0xc2: {  	_ =	swait.ge [sflag:s29], $0x1  }
0xc3: {  	[sflag:s29] =	ssyncadd.s32 $0xFFFFFFFF  }
0xc4: {  	_ =	strace $0x90000051  }
0xc5: {  	_ =	sfence  }
0xc6: {  	s30 =	sld [smem:$0x0];
	_ =	sdelay $0x2  }
0xc7: {  	s31 =	sshll.u32 s1, $0xD;
	s1 =	sshrl.u32 s1, $0x2  }
0xc8: {  	s4 =	sand.u32 $0x4000, s31;
	s1 =	sadd.s32 s1, s30  }
0xc9: {  	s0 =	sor.u32 s4, s0;
	s1 =	sshll.u32 s1, $0x11  }
0xca: {  	s0 =	sor.u32 s1, s0  }
0xcb: {  	s0 =	sadd.s32 $0x8F2B, s0  }
0xcc: {  	[sflag:s0] =	ssyncadd.remote.s32 $0x1  }
0xcd: {  	_ =	sfence.sel $0xFFFF  }
0xce: {  	[dreg:$0x0] =	wrdreg $0xFFFFFFFF;
	(pc) =	sbr.abs _section_cstart, $3  }
0xcf: {  	[dreg:$0x1] =	wrdreg $0xFFFFFFFF  }
0xd0: {  	_ =	task.clear_ibuf [dreg:s22], $0x2FFFF;
	_ =	strace $0x9FFFFFFF  }
0xd1: {  	(tm) =	ssettm $0x7FFFFFFF  }
tec
execute0_lowered:
.L_overlay_start_1:
0x0: {  	(tag) =	ssettag $0x1  }
0x1: {  	s1 =	srdreg.scid  }
0x2: {  	s0 =	stileid.u32;
	s5 =	rddreg [dreg:$0x0]  }
0x3: {  	s2 =	rddreg [dreg:$0x1];
	s10 =	smul.u32 $0x2780, s0  }
0x4: {  	s3 =	simm.s32 $0x0;
	s21 =	simm.s32 $0x0;
	s11 =	smul.u32 $0x4F000, s0  }
0x5: {  	s9 =	sand.u32 $0x1, s1;
	s12 =	sadd.s32 $0x2A7E00, s5;
	s19 =	smul.u32 $0x50, s0  }
0x6: {  	s24 =	sshll.u32 s0, $0x1;
	s13 =	sadd.s32 $0xAC8400, s5;
	s18 =	smul.u32 $0x138800, s9  }
0x7: {  	[smem:$0x7FF] =	sst s3;
	s16 =	sadd.s32 $0x128400, s2;
	s30 =	smul.u32 $0x28, s9  }
0x8: {  	p0 =	seq.s32 s0, $0xF;
	s4 =	sor.u32 s9, s24;
	s20 =	smul.u32 $0x27100, s9  }
0x9: {  	_ =	strace $0x80000050;
	s7 =	ssub.s32 $0x2, s9;
	s6 =	smul.u32 $0x280, s4  }
0xa: {  	s25 =	sadd.s32 s10, s5;
	s14 =	sshrl.u32 s7, $0x1;
	s15 =	smul.u32 $0x28, s4  }
0xb: {  	s26 =	sshrl.u32 s11, $0x2;
	s28 =	smul.u32 $0x14000, s4;
	s14 =	ssub.s32 s7, s14  }
0xc: {  	s17 =	sadd.s32 s26, s2;
	s4 =	sadd.s32 $0xA53000, s25;
	s31 =	sshrl.u32 s18, $0x3  }
0xd: {  	s10 =	sadd.s32 s10, s20;
	s18 =	simm.s32 $0x4;
	s20 =	simm.s32 $0x2800  }
0xe: {  	s8 =	sadd.s32 s6, s5;
	s5 =	sadd.s32 $0xA78080, s5;
	s29 =	ssub.s32 $0x4E2, s15  }
0xf: {  	s9 =	sadd.s32 s12, s28;
	s15 =	sadd.s32 s30, s19;
	s11 =	sadd.s32 s13, s31  }
0x10: {  	s10 =	sadd.s32 s13, s10;
	s17 =	sshrl.u32 @!p0 s17, $0x3;
	s15 =	sshll.u32 s15, $0xB  }
0x11: {  	s19 =	simm.s32 $0x1400;
	s6 =	sadd.s32 $0x51DE00, s8;
	s15 =	sadd.s32 s15, s12  }
0x12: {  	s7 =	smin.u32 s29, $0x28;
	s12 =	smax.u32 s14, $0x1;
	s13 =	sadd.s32 $0x800, s15  }
0x13: {  	s14 =	sadd.s32 $0x1000, s15;
	s15 =	sshrl.u32 @p0 s16, $0x3;
	s16 =	sshll.u32 @!p0 s0, $0x6  }
0x14: {  	s8 =	sadd.s32 $0x518E00, s8;
	s11 =	sadd.s32 $0x25080, s11;
	s16 =	sor.u32 @!p0 $0x1C04, s16  }
.LBB2_1:
0x15: {  	s22 =	simm.s32 @p0 $0x1FC4  }
0x16: {  	[spmem:s15], [sflag:s22] =	dma.local @p0 [hbm:s5], $0x2080  }
0x17: {  	s22 =	simm.s32 @p0 $0x4  }
0x18: {  	_ =	swait.ge @p0 [sflag:s22], $0x2080  }
0x19: {  	[sflag:s22] =	ssyncset.done @p0 $0x0  }
0x1a: {  	[sflag:s22] =	ssyncadd.s32 @p0 $0xFFFFDF80;
	s22 =	simm.s32 @!p0 $0x4  }
0x1b: {  	[spmem:s17], [sflag:s16] =	dma.local @!p0 [hbm:s4], $0x2780  }
0x1c: {  	_ =	swait.ge @!p0 [sflag:s22], $0x2780  }
0x1d: {  	[sflag:s22] =	ssyncset.done @!p0 $0x0  }
0x1e: {  	[sflag:s22] =	ssyncadd.s32 @!p0 $0xFFFFD880  }
0x1f: {  	[bflag:$0x0] =	sbarrier.arrive $0xFFFF  }
0x20: {  	[tilespmem:s3], [sflag:$0x4] =	stream.linear.gather [hbm4b:s6+s3], $0x1400, $0x38;
	[tilespmem:$0x1E080] =	vst v63  }
0x21: {  	_ =	swait.ge [sflag:s18], $0x1400  }
0x22: {  	[sflag:s18] =	ssyncset.done $0x0  }
0x23: {  	[sflag:s18] =	ssyncadd.s32 $0xFFFFEC00  }
0x24: {  	[tilespmem:s19], [sflag:$0x4] =	stream.linear.gather [hbm4b:s8+s3], $0x1400, $0x38;
	[tilespmem:$0x1E080] =	vst v63  }
0x25: {  	_ =	swait.ge [sflag:s18], $0x1400  }
0x26: {  	p2 =	sle.u32 s7, $0x0;
	[sflag:s18] =	ssyncset.done $0x0  }
0x27: {  	s22 =	simm.s32 @!p2 $0x1;
	[sflag:s18] =	ssyncadd.s32 $0xFFFFEC00  }
0x28: {  	[tilespmem:s20], [sflag:$0x1] =	stream.linear.gather [hbm4b:s9+s3], $0x4000, $0x38;
	[tilespmem:$0x1E080] =	vst v63  }
0x29: {  	p1 =	sle.u32 @!p2 s7, $0x1;
	_ =	swait.ge @!p2 [sflag:s22], $0x4000  }
0x2a: {  	p1 =	por p1, p2;
	[sflag:s22] =	ssyncset.done @!p2 $0x0  }
0x2b: {  	s23 =	simm.s32 @!p1 $0x6800;
	[sflag:s22] =	ssyncadd.s32 @!p2 $0xFFFFC000;
	s22 =	simm.s32 @!p1 $0x0  }
0x2c: {  	[tilespmem:s23], [sflag:$0x2] =	stream.linear.gather @!p1 [hbm4b:s13+s22], $0x4000, $0x38;
	[tilespmem:$0x1E080] =	vst v63  }
0x2d: {  	s24 =	simm.s32 @!p2 $0x2800;
	s22 =	simm.s32 @!p2 $0x0;
	s23 =	simm.s32 @!p2 $0x80  }
0x2e: {  	[spmem:s2] =	stream.indirect.scatter.add.f32 @!p2 [tilespmem:s24], [sflag:$0x3], $0x80, s22, s23, $0xb8;
	[tilespmem:$0x1E080] =	vst v63  }
0x2f: {  	s25 =	simm.s32 @!p2 $0x3;
	s22 =	simm.s32 @!p2 $0x1400  }
0x30: {  	[spmem:s2] =	stream.indirect.scatter.add.f32 @!p2 [tilespmem:s24], [sflag:$0x3], $0x80, s22, s23, $0xb8;
	[tilespmem:$0x1E080] =	vst v63  }
0x31: {  	_ =	swait.ge @!p2 [sflag:s25], $0x4000  }
0x32: {  	[sflag:s25] =	ssyncset.done @!p2 $0x0  }
0x33: {  	[sflag:s25] =	ssyncadd.s32 @!p2 $0xFFFFC000  }
0x34: {  	_ =	swait.ge @!p2 [sflag:s25], $0x4000  }
0x35: {  	p1 =	sle.u32 s7, $0x1;
	[sflag:s25] =	ssyncset.done @!p2 $0x0  }
0x36: {  	s22 =	simm.s32 @!p1 $0x2;
	[sflag:s25] =	ssyncadd.s32 @!p2 $0xFFFFC000  }
0x37: {  	p2 =	sle.u32 @!p1 s7, $0x2;
	_ =	swait.ge @!p1 [sflag:s22], $0x4000  }
0x38: {  	p2 =	por p2, p1;
	[sflag:s22] =	ssyncset.done @!p1 $0x0  }
0x39: {  	s23 =	simm.s32 @!p2 $0x2800;
	[sflag:s22] =	ssyncadd.s32 @!p1 $0xFFFFC000;
	s22 =	simm.s32 @!p2 $0x0  }
0x3a: {  	[tilespmem:s23], [sflag:$0x1] =	stream.linear.gather @!p2 [hbm4b:s14+s22], $0x4000, $0x38;
	[tilespmem:$0x1E080] =	vst v63  }
0x3b: {  	s24 =	simm.s32 @!p1 $0x6800;
	s22 =	simm.s32 @!p1 $0x80;
	s23 =	simm.s32 @!p1 $0x80  }
0x3c: {  	[spmem:s2] =	stream.indirect.scatter.add.f32 @!p1 [tilespmem:s24], [sflag:$0x3], $0x80, s22, s23, $0xb8;
	[tilespmem:$0x1E080] =	vst v63  }
0x3d: {  	s29 =	simm.s32 @!p1 $0x3;
	s22 =	simm.s32 @!p1 $0x1480  }
0x3e: {  	[spmem:s2] =	stream.indirect.scatter.add.f32 @!p1 [tilespmem:s24], [sflag:$0x3], $0x80, s22, s23, $0xb8;
	[tilespmem:$0x1E080] =	vst v63  }
0x3f: {  	_ =	swait.ge @!p1 [sflag:s29], $0x4000  }
0x40: {  	[sflag:s29] =	ssyncset.done @!p1 $0x0  }
0x41: {  	s26 =	simm.s32 $0x800;
	s25 =	sadd.s32 $0x1000, s13;
	[sflag:s29] =	ssyncadd.s32 @!p1 $0xFFFFC000  }
0x42: {  	p2 =	sle.u32 s7, $0x2;
	s24 =	simm.s32 $0x400;
	_ =	swait.ge @!p1 [sflag:s29], $0x4000  }
0x43: {  	s23 =	simm.s32 $0x2;
	s22 =	sadd.s32 $0x1000, s14;
	[sflag:s29] =	ssyncset.done @!p1 $0x0  }
.LBB2_2:
0x44: {  	s30 =	simm.s32 @!p2 $0x1  }
0x45: {  	s31 =	sadd.s32 @!p2 $0x1, s23;
	[sflag:s29] =	ssyncadd.s32 @!p1 $0xFFFFC000;
	s28 =	smov.u32 s26  }
0x46: {  	s26 =	sadd.s32 $0x400, s26;
	_ =	swait.ge @!p2 [sflag:s30], $0x4000;
	p1 =	sge.u32 @!p2 s31, s7  }
0x47: {  	p3 =	sne.s32 s26, $0x5000;
	[sflag:s30] =	ssyncset.done @!p2 $0x0;
	p1 =	por p1, p2  }
0x48: {  	[sflag:s30] =	ssyncadd.s32 @!p2 $0xFFFFC000;
	s29 =	simm.s32 @!p1 $0x0;
	s30 =	simm.s32 @!p1 $0x6800  }
0x49: {  	[tilespmem:s30], [sflag:$0x2] =	stream.linear.gather @!p1 [hbm4b:s25+s29], $0x4000, $0x38;
	[tilespmem:$0x1E080] =	vst v63  }
0x4a: {  	s31 =	simm.s32 @!p2 $0x2800;
	s29 =	sshra.s32 @!p2 s24, $0x2;
	s30 =	simm.s32 @!p2 $0x80  }
0x4b: {  	[spmem:s2] =	stream.indirect.scatter.add.f32 @!p2 [tilespmem:s31], [sflag:$0x3], $0x80, s29, s30, $0xb8;
	[tilespmem:$0x1E080] =	vst v63  }
0x4c: {  	s1 =	simm.s32 @!p2 $0x3;
	s29 =	sadd.s32 @!p2 $0x1400, s29  }
0x4d: {  	[spmem:s2] =	stream.indirect.scatter.add.f32 @!p2 [tilespmem:s31], [sflag:$0x3], $0x80, s29, s30, $0xb8;
	[tilespmem:$0x1E080] =	vst v63  }
0x4e: {  	_ =	swait.ge @!p2 [sflag:s1], $0x4000  }
0x4f: {  	[sflag:s1] =	ssyncset.done @!p2 $0x0  }
0x50: {  	[sflag:s1] =	ssyncadd.s32 @!p2 $0xFFFFC000  }
0x51: {  	s29 =	sadd.s32 $0x1, s23;
	_ =	swait.ge @!p2 [sflag:s1], $0x4000  }
0x52: {  	p1 =	sge.u32 s29, s7;
	[sflag:s1] =	ssyncset.done @!p2 $0x0  }
0x53: {  	s29 =	sadd.s32 @!p1 $0x2, s23;
	[sflag:s1] =	ssyncadd.s32 @!p2 $0xFFFFC000;
	s1 =	simm.s32 @!p1 $0x2  }
0x54: {  	s24 =	sshra.s32 @!p1 s24, $0x2;
	p2 =	sge.u32 @!p1 s29, s7;
	_ =	swait.ge @!p1 [sflag:s1], $0x4000  }
0x55: {  	s29 =	sadd.s32 @!p1 $0x80, s24;
	p2 =	por p2, p1;
	[sflag:s1] =	ssyncset.done @!p1 $0x0  }
0x56: {  	s30 =	simm.s32 @!p2 $0x2800;
	[sflag:s1] =	ssyncadd.s32 @!p1 $0xFFFFC000;
	s1 =	simm.s32 @!p2 $0x0  }
0x57: {  	[tilespmem:s30], [sflag:$0x1] =	stream.linear.gather @!p2 [hbm4b:s22+s1], $0x4000, $0x38;
	[tilespmem:$0x1E080] =	vst v63  }
0x58: {  	s31 =	sadd.s32 @!p1 $0x1480, s24;
	s1 =	simm.s32 @!p1 $0x80;
	s30 =	simm.s32 @!p1 $0x6800  }
0x59: {  	[spmem:s2] =	stream.indirect.scatter.add.f32 @!p1 [tilespmem:s30], [sflag:$0x3], $0x80, s29, s1, $0xb8;
	[tilespmem:$0x1E080] =	vst v63  }
0x5a: {  	s24 =	smov.u32 s28;
	s29 =	simm.s32 @!p1 $0x3  }
0x5b: {  	[spmem:s2] =	stream.indirect.scatter.add.f32 @!p1 [tilespmem:s30], [sflag:$0x3], $0x80, s31, s1, $0xb8;
	[tilespmem:$0x1E080] =	vst v63  }
.Ltmp0:
0x5c: {  	_ =	swait.ge @!p1 [sflag:s29], $0x4000;
	(pc) =	sbr.rel @p3 .LBB2_2-.Ltmp0, $4  }
0x5d: {  	[sflag:s29] =	ssyncset.done @!p1 $0x0  }
0x5e: {  	[sflag:s29] =	ssyncadd.s32 @!p1 $0xFFFFC000  }
0x5f: {  	s23 =	sadd.s32 $0x2, s23;
	s22 =	sadd.s32 $0x1000, s22;
	_ =	swait.ge @!p1 [sflag:s29], $0x4000  }
0x60: {  	s25 =	sadd.s32 $0x1000, s25;
	p2 =	sge.u32 s23, s7;
	[sflag:s29] =	ssyncset.done @!p1 $0x0  }
0x61: {  	s1 =	simm.s32 @!p2 $0x1;
	s26 =	sadd.s32 @!p2 $0x1, s23;
	[sflag:s29] =	ssyncadd.s32 @!p1 $0xFFFFC000  }
0x62: {  	_ =	swait.ge @!p2 [sflag:s1], $0x4000;
	p1 =	sge.u32 @!p2 s26, s7  }
0x63: {  	[sflag:s1] =	ssyncset.done @!p2 $0x0;
	p1 =	por p1, p2  }
0x64: {  	[sflag:s1] =	ssyncadd.s32 @!p2 $0xFFFFC000;
	s1 =	simm.s32 @!p1 $0x0;
	s26 =	simm.s32 @!p1 $0x6800  }
0x65: {  	[tilespmem:s26], [sflag:$0x2] =	stream.linear.gather @!p1 [hbm4b:s25+s1], $0x4000, $0x38;
	[tilespmem:$0x1E080] =	vst v63  }
0x66: {  	s1 =	sshra.s32 @!p2 s24, $0x2;
	s25 =	simm.s32 @!p2 $0x80;
	s26 =	simm.s32 @!p2 $0x2800  }
0x67: {  	[spmem:s2] =	stream.indirect.scatter.add.f32 @!p2 [tilespmem:s26], [sflag:$0x3], $0x80, s1, s25, $0xb8;
	[tilespmem:$0x1E080] =	vst v63  }
0x68: {  	s28 =	simm.s32 @!p2 $0x3;
	s1 =	sadd.s32 @!p2 $0x1400, s1  }
0x69: {  	[spmem:s2] =	stream.indirect.scatter.add.f32 @!p2 [tilespmem:s26], [sflag:$0x3], $0x80, s1, s25, $0xb8;
	[tilespmem:$0x1E080] =	vst v63  }
0x6a: {  	_ =	swait.ge @!p2 [sflag:s28], $0x4000  }
0x6b: {  	[sflag:s28] =	ssyncset.done @!p2 $0x0  }
0x6c: {  	[sflag:s28] =	ssyncadd.s32 @!p2 $0xFFFFC000  }
0x6d: {  	s31 =	sadd.s32 $0x1, s23;
	_ =	swait.ge @!p2 [sflag:s28], $0x4000  }
0x6e: {  	p1 =	sge.u32 s31, s7;
	[sflag:s28] =	ssyncset.done @!p2 $0x0  }
0x6f: {  	s23 =	sadd.s32 @!p1 $0x2, s23;
	s1 =	simm.s32 @!p1 $0x2;
	[sflag:s28] =	ssyncadd.s32 @!p2 $0xFFFFC000  }
0x70: {  	p2 =	sge.u32 @!p1 s23, s7;
	_ =	swait.ge @!p1 [sflag:s1], $0x4000  }
0x71: {  	s23 =	sshra.s32 @!p1 s24, $0x2;
	p2 =	por p2, p1;
	[sflag:s1] =	ssyncset.done @!p1 $0x0  }
0x72: {  	s24 =	simm.s32 @!p2 $0x2800;
	[sflag:s1] =	ssyncadd.s32 @!p1 $0xFFFFC000;
	s1 =	simm.s32 @!p2 $0x0  }
0x73: {  	[tilespmem:s24], [sflag:$0x1] =	stream.linear.gather @!p2 [hbm4b:s22+s1], $0x4000, $0x38;
	[tilespmem:$0x1E080] =	vst v63  }
0x74: {  	s1 =	sadd.s32 @!p1 $0x80, s23;
	s22 =	simm.s32 @!p1 $0x80;
	s24 =	simm.s32 @!p1 $0x6800  }
0x75: {  	[spmem:s2] =	stream.indirect.scatter.add.f32 @!p1 [tilespmem:s24], [sflag:$0x3], $0x80, s1, s22, $0xb8;
	[tilespmem:$0x1E080] =	vst v63  }
0x76: {  	s1 =	sadd.s32 @!p1 $0x1480, s23;
	s23 =	simm.s32 @!p1 $0x3  }
0x77: {  	[spmem:s2] =	stream.indirect.scatter.add.f32 @!p1 [tilespmem:s24], [sflag:$0x3], $0x80, s1, s22, $0xb8;
	[tilespmem:$0x1E080] =	vst v63  }
0x78: {  	_ =	swait.ge @!p1 [sflag:s23], $0x4000  }
0x79: {  	[sflag:s23] =	ssyncset.done @!p1 $0x0  }
0x7a: {  	[sflag:s23] =	ssyncadd.s32 @!p1 $0xFFFFC000  }
0x7b: {  	_ =	swait.ge @!p1 [sflag:s23], $0x4000  }
0x7c: {  	[sflag:s23] =	ssyncset.done @!p1 $0x0  }
0x7d: {  	[sflag:s23] =	ssyncadd.s32 @!p1 $0xFFFFC000  }
0x7e: {  	s1 =	simm.s32 @p0 $0x1FC4;
	[bflag:$0x0] =	sbarrier.arrive $0xFFFF  }
0x7f: {  	[hbm:s11], [sflag:s1] =	dma.local @p0 [spmem:s15], $0x2080  }
0x80: {  	s1 =	simm.s32 @p0 $0x4  }
0x81: {  	s21 =	sadd.s32 $0x1, s21;
	_ =	swait.ge @p0 [sflag:s1], $0x2080  }
0x82: {  	p1 =	sne.s32 s21, s12;
	[sflag:s1] =	ssyncset.done @p0 $0x0  }
.Ltmp1:
0x83: {  	[sflag:s1] =	ssyncadd.s32 @p0 $0xFFFFDF80;
	s1 =	simm.s32 @!p0 $0x4;
	(pc) =	sbr.rel @p1 .LBB2_1-.Ltmp1, $4  }
0x84: {  	[hbm:s10], [sflag:s16] =	dma.local @!p0 [spmem:s17], $0x2780  }
0x85: {  	_ =	swait.ge @!p0 [sflag:s1], $0x2780  }
0x86: {  	[sflag:s1] =	ssyncset.done @!p0 $0x0  }
0x87: {  	[sflag:s1] =	ssyncadd.s32 @!p0 $0xFFFFD880  }
0x88: {  	_ =	sfence.sel $0x180000  }
0x89: {  	[bflag:$0x0] =	sbarrier.arrive $0xFFFF  }
0x8a: {  	_ =	strace $0x90000050  }
0x8b: {  	[bflag:$0x2] =	sbarrier.arrive $0xFFFF  }
0x8c: {  	p0 =	sne.s32 s0, $0x0;
	s0 =	rddreg [dreg:$0x2]  }
0x8d: {  	s0 =	sadd.s32 @!p0 $0x100000, s0  }
0x8e: {  	[sflag:s0] =	ssyncadd.tile.s32 @!p0 $0x1;
	_ =	shalt  }
.Lfunc_end2:
_tile_overlayer_lowered:
.L_overlay_start_2:
0x8f: {  	(tag) =	ssettag $0x2  }
0x90: {  	s0 =	rddreg [dreg:$0x0];
	s2 =	stileid.u32  }
0x91: {  	s1 =	rddreg [dreg:$0x1];
	p0 =	sne.s32 s2, $0x0  }
0x92: {  	s3 =	rddreg [dreg:$0x2];
	[bflag:$0x3] =	sbarrier.arrive $0xFFFF;
	s2 =	simm.s32 @!p0 $0x1C04  }
0x93: {  	[timem:s3], [sflag:s2] =	dma.local @!p0 [hbm:s0], s1  }
0x94: {  	s0 =	simm.s32 @!p0 $0x4  }
0x95: {  	_ =	swait.ge @!p0 [sflag:s0], s1  }
0x96: {  	s1 =	ssub.s32 @!p0 $0x0, s1;
	[sflag:s0] =	ssyncset.done @!p0 $0x0  }
0x97: {  	[sflag:s0] =	ssyncadd.s32 @!p0 s1  }
0x98: {  	[bflag:$0x3] =	sbarrier.arrive $0xFFFF  }
0x99: {  	_ =	shalt  }

// kernel: kernel.19.cloned.1.call-start
scs
__scs_entry_jumppad:
0x0: {  	(pc) =	sbr.rel $0x88, $3  }
0x1: {  	(tag) =	ssettag $0x0;
	lr =	simm.s32 $0x1  }
0x2: {  	[smem:$0x3F92] =	sst lr;
	_ =	strace $0xD0000000  }
0x3: {  	_ = 	snop  }
0x4: {  	_ = 	snop  }
0x5: {  	_ = 	snop  }
0x6: {  	_ = 	snop  }
0x7: {  	_ = 	snop  }
__scs_overlays_trampoline_lowered:
0x8: {  	[smem:$0x3FA1] =	sst s0  }
0x9: {  	[smem:$0x3FA2] =	sst s1  }
0xa: {  	[smem:$0x3FA3] =	sst s2  }
0xb: {  	[smem:$0x3FA4] =	sst s3  }
0xc: {  	[smem:$0x3FA5] =	sst s4  }
0xd: {  	[smem:$0x3FA6] =	sst s5  }
0xe: {  	[smem:$0x3FA7] =	sst s6  }
0xf: {  	[smem:$0x3FA8] =	sst s7  }
0x10: {  	[smem:$0x3FA9] =	sst s8  }
0x11: {  	[smem:$0x3FAA] =	sst s9;
	s0 =	simm.s32 @!p0 $0x0  }
0x12: {  	s1 =	sld [smem:$0x3F90];
	s0 =	simm.s32 @p0 $0x1  }
0x13: {  	[smem:$0x3FAB] =	sst s0;
	s0 =	simm.s32 @!p1 $0x0  }
0x14: {  	s2 =	sld [smem:$0x3F8F];
	s0 =	simm.s32 @p1 $0x1  }
0x15: {  	[smem:$0x3FAC] =	sst s0;
	s0 =	simm.s32 @!p2 $0x0  }
0x16: {  	s3 =	sld [smem:$0x3FDB];
	s0 =	simm.s32 @p2 $0x1  }
0x17: {  	s4 =	simm.s32 $0x1BF5;
	[smem:$0x3FAE] =	sst s0  }
0x18: {  	s0 =	sld [smem:$0x3F91];
	_ =	swait.ge [sflag:s4], $0x0  }
0x19: {  	s7 =	sld [smem:$0x3F92]  }
0x1a: {  	s8 =	sadd.s32 $0xFFFFE003, lr  }
0x1b: {  	s9 =	sadd.s32 $0xFFFFFEF7, lr;
	s5 =	simm.s32 $0xFFFFFFFF;
	p2 =	slt.u32 s8, $0xFFFFF086  }
0x1c: {  	p1 =	slt.u32 s9, $0xF7A;
	s5 =	simm.s32 @!p2 $0x0  }
0x1d: {  	s5 =	simm.s32 @p1 $0x1;
	p0 =	seq.s32 s7, s2  }
0x1e: {  	s7 =	smul.u32 @!p0 $0xF7A, s2;
	p2 =	seq.s32 @!p0 s5, $0x0  }
0x1f: {  	s9 =	smul.u32 $0xF7A, s1;
	s8 =	simm.s32 @!p0 $0x1BF5;
	p2 =	por !p2, p0  }
0x20: {  	[sflag:s8] =	ssyncset.s32 @!p0 $0xFFFFF086;
	s6 =	sadd.s32 @!p0 s3, s7;
	s7 =	simm.s32 @!p0 $0x108  }
0x21: {  	s3 =	sadd.s32 s3, s9;
	s6 =	sadd.s32 @!p0 $0x88, s6;
	s7 =	simm.s32 @p2 $0x1082  }
0x22: {  	[simem:s7], [sflag:s8] =	dma.local @!p0 [hbm:s6], $0xF7A  }
0x23: {  	s9 =	sor.u32 $0xD0000000, s2;
	s6 =	simm.s32 $0x108;
	_ =	swait.ge @!p0 [sflag:s8], $0x0  }
0x24: {  	s3 =	sadd.s32 $0x88, s3;
	s6 =	simm.s32 @!p1 $0x1082;
	[sflag:s4] =	ssyncset.s32 $0xFFFFF086  }
0x25: {  	[simem:s6], [sflag:s4] =	dma.local [hbm:s3], $0xF7A  }
0x26: {  	[smem:$0x3F92] =	sst s1;
	(tag) =	ssettag s2;
	_ =	strace s9  }
0x27: {  	s1 =	sld [smem:$0x3FA2]  }
0x28: {  	s2 =	sld [smem:$0x3FA3]  }
0x29: {  	s4 =	sld [smem:$0x3FA5]  }
0x2a: {  	p0 =	seq.s32 s5, $0x0;
	s5 =	sld [smem:$0x3FA6]  }
0x2b: {  	s6 =	sld [smem:$0x3FA7]  }
0x2c: {  	s7 =	sld [smem:$0x3FA8]  }
0x2d: {  	s3 =	simm.s32 $0x108;
	s8 =	sld [smem:$0x3FA9]  }
0x2e: {  	s3 =	simm.s32 @!p0 $0x1082;
	s9 =	sld [smem:$0x3FAA]  }
0x2f: {  	lr =	sadd.s32 s0, s3;
	s0 =	sld [smem:$0x3FA1]  }
0x30: {  	s3 =	sld [smem:$0x3FA4]  }
0x31: {  	[smem:$0x3FAD] =	sst s10  }
0x32: {  	s10 =	sld [smem:$0x3FAB];
	_ =	sdelay $0x3  }
0x33: {  	p0 =	seq.s32 s10, $0x1;
	s10 =	sld [smem:$0x3FAD];
	_ =	sdelay $0x3  }
0x34: {  	[smem:$0x3FAD] =	sst s10  }
0x35: {  	s10 =	sld [smem:$0x3FAC];
	_ =	sdelay $0x3  }
0x36: {  	p1 =	seq.s32 s10, $0x1;
	s10 =	sld [smem:$0x3FAD];
	_ =	sdelay $0x3  }
0x37: {  	[smem:$0x3FAD] =	sst s10  }
0x38: {  	s10 =	sld [smem:$0x3FAE]  }
0x39: {  	_ = 	snop;
	(pc) =	sbr.ind lr, $3  }
0x3a: {  	_ = 	snop  }
0x3b: {  	_ = 	snop  }
0x3c: {  	p2 =	seq.s32 s10, $0x1;
	s10 =	sld [smem:$0x3FAD]  }
0x3d: {  	_ =	shalt  }
0x3e: {  	_ =	shalt  }
0x3f: {  	_ =	shalt  }
0x40: {  	_ =	shalt  }
0x41: {  	_ =	shalt  }
0x42: {  	_ =	shalt  }
0x43: {  	_ =	shalt  }
0x44: {  	_ =	shalt  }
0x45: {  	_ =	shalt  }
0x46: {  	_ =	shalt  }
0x47: {  	_ =	shalt  }
0x48: {  	_ =	shalt  }
0x49: {  	_ =	shalt  }
0x4a: {  	_ =	shalt  }
0x4b: {  	_ =	shalt  }
0x4c: {  	_ =	shalt  }
0x4d: {  	_ =	shalt  }
0x4e: {  	_ =	shalt  }
0x4f: {  	_ =	shalt  }
0x50: {  	_ =	shalt  }
0x51: {  	_ =	shalt  }
0x52: {  	_ =	shalt  }
0x53: {  	_ =	shalt  }
0x54: {  	_ =	shalt  }
0x55: {  	_ =	shalt  }
0x56: {  	_ =	shalt  }
0x57: {  	_ =	shalt  }
0x58: {  	_ =	shalt  }
0x59: {  	_ =	shalt  }
0x5a: {  	_ =	shalt  }
0x5b: {  	_ =	shalt  }
0x5c: {  	_ =	shalt  }
0x5d: {  	_ =	shalt  }
0x5e: {  	_ =	shalt  }
0x5f: {  	_ =	shalt  }
0x60: {  	_ =	shalt  }
0x61: {  	_ =	shalt  }
0x62: {  	_ =	shalt  }
0x63: {  	_ =	shalt  }
0x64: {  	_ =	shalt  }
0x65: {  	_ =	shalt  }
0x66: {  	_ =	shalt  }
0x67: {  	_ =	shalt  }
0x68: {  	_ =	shalt  }
0x69: {  	_ =	shalt  }
0x6a: {  	_ =	shalt  }
0x6b: {  	_ =	shalt  }
0x6c: {  	_ =	shalt  }
0x6d: {  	_ =	shalt  }
0x6e: {  	_ =	shalt  }
0x6f: {  	_ =	shalt  }
0x70: {  	_ =	shalt  }
0x71: {  	_ =	shalt  }
0x72: {  	_ =	shalt  }
0x73: {  	_ =	shalt  }
0x74: {  	_ =	shalt  }
0x75: {  	_ =	shalt  }
0x76: {  	_ =	shalt  }
0x77: {  	_ =	shalt  }
0x78: {  	_ =	shalt  }
0x79: {  	_ =	shalt  }
0x7a: {  	_ =	shalt  }
0x7b: {  	_ =	shalt  }
0x7c: {  	_ =	shalt  }
0x7d: {  	_ =	shalt  }
0x7e: {  	_ =	shalt  }
0x7f: {  	_ =	shalt  }
0x80: {  	_ =	shalt  }
0x81: {  	_ =	shalt  }
0x82: {  	_ =	shalt  }
0x83: {  	_ =	shalt  }
0x84: {  	_ =	shalt  }
0x85: {  	_ =	shalt  }
0x86: {  	_ =	shalt  }
0x87: {  	_ =	shalt  }
.Lfunc_end0:
.L_simem_size_0:
called_computation.3_lowered:
.L_overlay_start_0:
0x88: {  	s2 =	sld [smem:$0x3FD9]  }
0x89: {  	s3 =	sld [smem:$0x3FFE];
	_ =	sdelay $0x1  }
0x8a: {  	s1 =	srdreg.scid  }
0x8b: {  	s0 =	sand.u32 $0x1, s1  }
0x8c: {  	s17 =	sshll.u32 s0, $0xA;
	s2 =	sadd.s32 s3, s2  }
0x8d: {  	s2 =	sadd.s32 s2, s17  }
0x8e: {  	[smem:$0x3FB9] =	sst s2  }
0x8f: {  	_ = 	snop  }
0x90: {  	(tm) =	ssettm $0x1  }
0x91: {  	s18 =	sld [smem:$0x3FFB];
	_ =	sdelay $0x3  }
0x92: {  	_ =	strace s18  }
0x93: {  	s2 =	sld [smem:$0x3FFC];
	_ =	sdelay $0x3  }
0x94: {  	_ =	strace s2  }
0x95: {  	s2 =	sld [smem:$0x3FFD];
	_ =	sdelay $0x3  }
0x96: {  	_ =	strace s2  }
0x97: {  	_ =	strace $0x8FFFFFFF  }
0x98: {  	s19 =	sld [smem:$0x3FDB];
	_ =	sdelay $0x1  }
0x99: {  	s20 =	simm.s32 $_scs_section_size  }
0x9a: {  	s4 =	simm.s32 $_size__tile_overlayer_lowered;
	s5 =	simm.s32 $_tile_overlayer_lowered  }
0x9b: {  	s6 =	simm.s32 $0x1BFF;
	s21 =	sshll.u32 s5, $0x1;
	s3 =	sadd.s32 s20, s19  }
0x9c: {  	s22 =	simm.s32 $0x0;
	s4 =	sshll.u32 s4, $0x1;
	s5 =	sadd.s32 s21, s3  }
0x9d: {  	[timem:s22], [sflag:s6] =	dma.local [hbm:s5], s4  }
0x9e: {  	_ =	swait.ge [sflag:s6], s4  }
0x9f: {  	s4 =	ssub.s32 $0x0, s4;
	[sflag:s6] =	ssyncset.done $0x0  }
0xa0: {  	[sflag:s6] =	ssyncadd.s32 s4;
	_ =	sdelay $0x1  }
0xa1: {  	s23 =	simm.s32 $0x1B8B  }
0xa2: {  	_ =	swait.ge [sflag:s23], $0x1  }
0xa3: {  	[sflag:s23] =	ssyncset.done $0x0  }
0xa4: {  	[sflag:s23] =	ssyncadd.s32 $0xFFFFFFFF  }
0xa5: {  	s4 =	sld [smem:$0x0]  }
0xa6: {  	s5 =	sand.u32 $0xFFFFFFFE, s1  }
0xa7: {  	p0 =	sne.s32 s1, s5  }
0xa8: {  	s5 =	sshll.u32 @p0 s5, $0xE  }
0xa9: {  	s5 =	sadd.s32 @p0 $0x11B8D, s5;
	s6 =	sshll.u32 @p0 s4, $0x11  }
0xaa: {  	s5 =	sor.u32 @p0 s6, s5  }
0xab: {  	[sflag:s5] =	ssyncadd.remote.s32 @p0 $0x1;
	_ =	sdelay $0x1  }
0xac: {  	s5 =	simm.s32 @p0 $0x1B8D  }
0xad: {  	_ =	swait.eq @p0 [sflag:s5], $0x1  }
0xae: {  	[sflag:s5] =	ssyncadd.s32 @p0 $0xFFFFFFFF  }
0xaf: {  	s6 =	sshll.u32 @!p0 s1, $0xE  }
0xb0: {  	s6 =	sor.u32 @!p0 $0x4000, s6;
	s5 =	simm.s32 @!p0 $0x1B8D  }
0xb1: {  	s4 =	sshll.u32 @!p0 s4, $0x11;
	s6 =	sadd.s32 @!p0 $0x11B8D, s6;
	_ =	swait.eq @!p0 [sflag:s5], $0x1  }
0xb2: {  	s4 =	sor.u32 @!p0 s4, s6;
	[sflag:s5] =	ssyncadd.s32 @!p0 $0xFFFFFFFF  }
0xb3: {  	s25 =	simm.s32 $0x1B8E;
	s24 =	sld [smem:$0x3FFE];
	[sflag:s4] =	ssyncadd.remote.s32 @!p0 $0x1  }
0xb4: {  	s26 =	simm.s32 $execute0_lowered;
	[smem:$0x3FD2] =	sst s25  }
0xb5: {  	s5 =	sshll.u32 s26, $0x1;
	_ =	strace $0x8000004C;
	[dreg:$0x1] =	wrdreg $0xFFFFFFFF  }
0xb6: {  	s28 =	simm.s32 $_size_execute0_lowered;
	s3 =	sadd.s32 s3, s5;
	[dreg:$0x0] =	wrdreg $0x0  }
0xb7: {  	s5 =	sshll.u32 s28, $0x1;
	[dreg:$0x2] =	wrdreg s3  }
0xb8: {  	[dreg:$0x3] =	wrdreg s5  }
0xb9: {  	[dreg:$0x4] =	wrdreg $0xC0  }
0xba: {  	_ =	task [dreg:s22], $0x5FFFF  }
0xbb: {  	[dreg:$0x1] =	wrdreg $0xFFFFFFFF  }
0xbc: {  	[dreg:$0x0] =	wrdreg $0x60  }
0xbd: {  	[dreg:$0x2] =	wrdreg s24  }
0xbe: {  	[dreg:$0x3] =	wrdreg $0xA8000  }
0xbf: {  	[dreg:$0x4] =	wrdreg $0xA  }
0xc0: {  	_ =	task.clear_ibuf [dreg:s22], $0x5FFFF;
	_ =	strace $0x9000004C  }
0xc1: {  	s29 =	simm.s32 $0xA;
	_ =	strace $0x8000004E  }
0xc2: {  	_ =	swait.ge [sflag:s29], $0x1  }
0xc3: {  	[sflag:s29] =	ssyncadd.s32 $0xFFFFFFFF  }
0xc4: {  	_ =	strace $0x9000004E  }
0xc5: {  	_ =	sfence  }
0xc6: {  	s30 =	sld [smem:$0x0];
	_ =	sdelay $0x2  }
0xc7: {  	s31 =	sshll.u32 s1, $0xD;
	s1 =	sshrl.u32 s1, $0x2  }
0xc8: {  	s4 =	sand.u32 $0x4000, s31;
	s1 =	sadd.s32 s1, s30  }
0xc9: {  	s0 =	sor.u32 s4, s0;
	s1 =	sshll.u32 s1, $0x11  }
0xca: {  	s0 =	sor.u32 s1, s0  }
0xcb: {  	s0 =	sadd.s32 $0x8F2B, s0  }
0xcc: {  	[sflag:s0] =	ssyncadd.remote.s32 $0x1  }
0xcd: {  	_ =	sfence.sel $0xFFFF  }
0xce: {  	[dreg:$0x0] =	wrdreg $0xFFFFFFFF;
	(pc) =	sbr.abs _section_cstart, $3  }
0xcf: {  	[dreg:$0x1] =	wrdreg $0xFFFFFFFF  }
0xd0: {  	_ =	task.clear_ibuf [dreg:s22], $0x2FFFF;
	_ =	strace $0x9FFFFFFF  }
0xd1: {  	(tm) =	ssettm $0x7FFFFFFF  }
tec
execute0_lowered:
.L_overlay_start_1:
0x0: {  	(tag) =	ssettag $0x1  }
0x1: {  	s1 =	srdreg.scid  }
0x2: {  	s0 =	stileid.u32;
	s5 =	rddreg [dreg:$0x0]  }
0x3: {  	s2 =	rddreg [dreg:$0x1];
	s10 =	smul.u32 $0x2780, s0  }
0x4: {  	s3 =	simm.s32 $0x0;
	s21 =	simm.s32 $0x0;
	s11 =	smul.u32 $0x4F000, s0  }
0x5: {  	s9 =	sand.u32 $0x1, s1;
	[smem:$0x7FF] =	sst s3;
	s30 =	smul.u32 $0x50, s0  }
0x6: {  	s24 =	sshll.u32 s0, $0x1;
	s13 =	sadd.s32 $0xA7A200, s5;
	s16 =	smul.u32 $0x138800, s9  }
0x7: {  	s12 =	sadd.s32 $0xCC4000, s5;
	s18 =	sadd.s32 $0x128400, s2;
	s19 =	smul.u32 $0x28, s9  }
0x8: {  	p0 =	seq.s32 s0, $0xF;
	s4 =	sor.u32 s9, s24;
	s20 =	smul.u32 $0x27100, s9  }
0x9: {  	_ =	strace $0x8000004D;
	s7 =	ssub.s32 $0x2, s9;
	s6 =	smul.u32 $0x280, s4  }
0xa: {  	s25 =	sadd.s32 s10, s5;
	s14 =	sshrl.u32 s7, $0x1;
	s15 =	smul.u32 $0x28, s4  }
0xb: {  	s26 =	sshrl.u32 s11, $0x2;
	s28 =	smul.u32 $0x14000, s4;
	s14 =	ssub.s32 s7, s14  }
0xc: {  	s17 =	sadd.s32 s26, s2;
	s4 =	sadd.s32 $0xA53000, s25;
	s31 =	sshrl.u32 s16, $0x3  }
0xd: {  	s10 =	sadd.s32 s10, s20;
	s16 =	sshll.u32 @!p0 s0, $0x6;
	s20 =	simm.s32 $0x2800  }
0xe: {  	s8 =	sadd.s32 s6, s5;
	s29 =	ssub.s32 $0x4E2, s15;
	s5 =	sadd.s32 $0xA78080, s5  }
0xf: {  	s9 =	sadd.s32 s12, s28;
	s15 =	sadd.s32 s19, s30;
	s11 =	sadd.s32 s13, s31  }
0x10: {  	s10 =	sadd.s32 s13, s10;
	s16 =	sor.u32 @!p0 $0x1C04, s16;
	s17 =	sshrl.u32 @!p0 s17, $0x3  }
0x11: {  	s19 =	simm.s32 $0x1400;
	s6 =	smin.u32 s29, $0x28;
	s15 =	sshll.u32 s15, $0xB  }
0x12: {  	s7 =	sadd.s32 $0xAC00, s8;
	s8 =	sadd.s32 $0x5C00, s8;
	s15 =	sadd.s32 s15, s12  }
0x13: {  	s11 =	sadd.s32 $0x25080, s11;
	s12 =	smax.u32 s14, $0x1;
	s13 =	sadd.s32 $0x800, s15  }
0x14: {  	s14 =	sadd.s32 $0x1000, s15;
	s15 =	sshrl.u32 @p0 s18, $0x3;
	s18 =	simm.s32 $0x4  }
.LBB2_1:
0x15: {  	s22 =	simm.s32 @p0 $0x1FC4  }
0x16: {  	[spmem:s15], [sflag:s22] =	dma.local @p0 [hbm:s5], $0x2080  }
0x17: {  	s22 =	simm.s32 @p0 $0x4  }
0x18: {  	_ =	swait.ge @p0 [sflag:s22], $0x2080  }
0x19: {  	[sflag:s22] =	ssyncset.done @p0 $0x0  }
0x1a: {  	[sflag:s22] =	ssyncadd.s32 @p0 $0xFFFFDF80;
	s22 =	simm.s32 @!p0 $0x4  }
0x1b: {  	[spmem:s17], [sflag:s16] =	dma.local @!p0 [hbm:s4], $0x2780  }
0x1c: {  	_ =	swait.ge @!p0 [sflag:s22], $0x2780  }
0x1d: {  	[sflag:s22] =	ssyncset.done @!p0 $0x0  }
0x1e: {  	[sflag:s22] =	ssyncadd.s32 @!p0 $0xFFFFD880  }
0x1f: {  	[bflag:$0x0] =	sbarrier.arrive $0xFFFF  }
0x20: {  	[tilespmem:s3], [sflag:$0x4] =	stream.linear.gather [hbm4b:s7+s3], $0x1400, $0x38;
	[tilespmem:$0x1E080] =	vst v63  }
0x21: {  	_ =	swait.ge [sflag:s18], $0x1400  }
0x22: {  	[sflag:s18] =	ssyncset.done $0x0  }
0x23: {  	[sflag:s18] =	ssyncadd.s32 $0xFFFFEC00  }
0x24: {  	[tilespmem:s19], [sflag:$0x4] =	stream.linear.gather [hbm4b:s8+s3], $0x1400, $0x38;
	[tilespmem:$0x1E080] =	vst v63  }
0x25: {  	_ =	swait.ge [sflag:s18], $0x1400  }
0x26: {  	p2 =	sle.u32 s6, $0x0;
	[sflag:s18] =	ssyncset.done $0x0  }
0x27: {  	s22 =	simm.s32 @!p2 $0x1;
	[sflag:s18] =	ssyncadd.s32 $0xFFFFEC00  }
0x28: {  	[tilespmem:s20], [sflag:$0x1] =	stream.linear.gather [hbm4b:s9+s3], $0x4000, $0x38;
	[tilespmem:$0x1E080] =	vst v63  }
0x29: {  	p1 =	sle.u32 @!p2 s6, $0x1;
	_ =	swait.ge @!p2 [sflag:s22], $0x4000  }
0x2a: {  	p1 =	por p1, p2;
	[sflag:s22] =	ssyncset.done @!p2 $0x0  }
0x2b: {  	s23 =	simm.s32 @!p1 $0x6800;
	[sflag:s22] =	ssyncadd.s32 @!p2 $0xFFFFC000;
	s22 =	simm.s32 @!p1 $0x0  }
0x2c: {  	[tilespmem:s23], [sflag:$0x2] =	stream.linear.gather @!p1 [hbm4b:s13+s22], $0x4000, $0x38;
	[tilespmem:$0x1E080] =	vst v63  }
0x2d: {  	s24 =	simm.s32 @!p2 $0x2800;
	s22 =	simm.s32 @!p2 $0x0;
	s23 =	simm.s32 @!p2 $0x80  }
0x2e: {  	[spmem:s2] =	stream.indirect.scatter.add.f32 @!p2 [tilespmem:s24], [sflag:$0x3], $0x80, s22, s23, $0xb8;
	[tilespmem:$0x1E080] =	vst v63  }
0x2f: {  	s25 =	simm.s32 @!p2 $0x3;
	s22 =	simm.s32 @!p2 $0x1400  }
0x30: {  	[spmem:s2] =	stream.indirect.scatter.add.f32 @!p2 [tilespmem:s24], [sflag:$0x3], $0x80, s22, s23, $0xb8;
	[tilespmem:$0x1E080] =	vst v63  }
0x31: {  	_ =	swait.ge @!p2 [sflag:s25], $0x4000  }
0x32: {  	[sflag:s25] =	ssyncset.done @!p2 $0x0  }
0x33: {  	[sflag:s25] =	ssyncadd.s32 @!p2 $0xFFFFC000  }
0x34: {  	_ =	swait.ge @!p2 [sflag:s25], $0x4000  }
0x35: {  	p1 =	sle.u32 s6, $0x1;
	[sflag:s25] =	ssyncset.done @!p2 $0x0  }
0x36: {  	s22 =	simm.s32 @!p1 $0x2;
	[sflag:s25] =	ssyncadd.s32 @!p2 $0xFFFFC000  }
0x37: {  	p2 =	sle.u32 @!p1 s6, $0x2;
	_ =	swait.ge @!p1 [sflag:s22], $0x4000  }
0x38: {  	p2 =	por p2, p1;
	[sflag:s22] =	ssyncset.done @!p1 $0x0  }
0x39: {  	s23 =	simm.s32 @!p2 $0x2800;
	[sflag:s22] =	ssyncadd.s32 @!p1 $0xFFFFC000;
	s22 =	simm.s32 @!p2 $0x0  }
0x3a: {  	[tilespmem:s23], [sflag:$0x1] =	stream.linear.gather @!p2 [hbm4b:s14+s22], $0x4000, $0x38;
	[tilespmem:$0x1E080] =	vst v63  }
0x3b: {  	s24 =	simm.s32 @!p1 $0x6800;
	s22 =	simm.s32 @!p1 $0x80;
	s23 =	simm.s32 @!p1 $0x80  }
0x3c: {  	[spmem:s2] =	stream.indirect.scatter.add.f32 @!p1 [tilespmem:s24], [sflag:$0x3], $0x80, s22, s23, $0xb8;
	[tilespmem:$0x1E080] =	vst v63  }
0x3d: {  	s29 =	simm.s32 @!p1 $0x3;
	s22 =	simm.s32 @!p1 $0x1480  }
0x3e: {  	[spmem:s2] =	stream.indirect.scatter.add.f32 @!p1 [tilespmem:s24], [sflag:$0x3], $0x80, s22, s23, $0xb8;
	[tilespmem:$0x1E080] =	vst v63  }
0x3f: {  	_ =	swait.ge @!p1 [sflag:s29], $0x4000  }
0x40: {  	[sflag:s29] =	ssyncset.done @!p1 $0x0  }
0x41: {  	s26 =	simm.s32 $0x800;
	s25 =	sadd.s32 $0x1000, s13;
	[sflag:s29] =	ssyncadd.s32 @!p1 $0xFFFFC000  }
0x42: {  	p2 =	sle.u32 s6, $0x2;
	s24 =	simm.s32 $0x400;
	_ =	swait.ge @!p1 [sflag:s29], $0x4000  }
0x43: {  	s23 =	simm.s32 $0x2;
	s22 =	sadd.s32 $0x1000, s14;
	[sflag:s29] =	ssyncset.done @!p1 $0x0  }
.LBB2_2:
0x44: {  	s30 =	simm.s32 @!p2 $0x1  }
0x45: {  	s31 =	sadd.s32 @!p2 $0x1, s23;
	[sflag:s29] =	ssyncadd.s32 @!p1 $0xFFFFC000;
	s28 =	smov.u32 s26  }
0x46: {  	s26 =	sadd.s32 $0x400, s26;
	_ =	swait.ge @!p2 [sflag:s30], $0x4000;
	p1 =	sge.u32 @!p2 s31, s6  }
0x47: {  	p3 =	sne.s32 s26, $0x5000;
	[sflag:s30] =	ssyncset.done @!p2 $0x0;
	p1 =	por p1, p2  }
0x48: {  	[sflag:s30] =	ssyncadd.s32 @!p2 $0xFFFFC000;
	s29 =	simm.s32 @!p1 $0x0;
	s30 =	simm.s32 @!p1 $0x6800  }
0x49: {  	[tilespmem:s30], [sflag:$0x2] =	stream.linear.gather @!p1 [hbm4b:s25+s29], $0x4000, $0x38;
	[tilespmem:$0x1E080] =	vst v63  }
0x4a: {  	s31 =	simm.s32 @!p2 $0x2800;
	s29 =	sshra.s32 @!p2 s24, $0x2;
	s30 =	simm.s32 @!p2 $0x80  }
0x4b: {  	[spmem:s2] =	stream.indirect.scatter.add.f32 @!p2 [tilespmem:s31], [sflag:$0x3], $0x80, s29, s30, $0xb8;
	[tilespmem:$0x1E080] =	vst v63  }
0x4c: {  	s1 =	simm.s32 @!p2 $0x3;
	s29 =	sadd.s32 @!p2 $0x1400, s29  }
0x4d: {  	[spmem:s2] =	stream.indirect.scatter.add.f32 @!p2 [tilespmem:s31], [sflag:$0x3], $0x80, s29, s30, $0xb8;
	[tilespmem:$0x1E080] =	vst v63  }
0x4e: {  	_ =	swait.ge @!p2 [sflag:s1], $0x4000  }
0x4f: {  	[sflag:s1] =	ssyncset.done @!p2 $0x0  }
0x50: {  	[sflag:s1] =	ssyncadd.s32 @!p2 $0xFFFFC000  }
0x51: {  	s29 =	sadd.s32 $0x1, s23;
	_ =	swait.ge @!p2 [sflag:s1], $0x4000  }
0x52: {  	p1 =	sge.u32 s29, s6;
	[sflag:s1] =	ssyncset.done @!p2 $0x0  }
0x53: {  	s29 =	sadd.s32 @!p1 $0x2, s23;
	[sflag:s1] =	ssyncadd.s32 @!p2 $0xFFFFC000;
	s1 =	simm.s32 @!p1 $0x2  }
0x54: {  	s24 =	sshra.s32 @!p1 s24, $0x2;
	p2 =	sge.u32 @!p1 s29, s6;
	_ =	swait.ge @!p1 [sflag:s1], $0x4000  }
0x55: {  	s29 =	sadd.s32 @!p1 $0x80, s24;
	p2 =	por p2, p1;
	[sflag:s1] =	ssyncset.done @!p1 $0x0  }
0x56: {  	s30 =	simm.s32 @!p2 $0x2800;
	[sflag:s1] =	ssyncadd.s32 @!p1 $0xFFFFC000;
	s1 =	simm.s32 @!p2 $0x0  }
0x57: {  	[tilespmem:s30], [sflag:$0x1] =	stream.linear.gather @!p2 [hbm4b:s22+s1], $0x4000, $0x38;
	[tilespmem:$0x1E080] =	vst v63  }
0x58: {  	s31 =	sadd.s32 @!p1 $0x1480, s24;
	s1 =	simm.s32 @!p1 $0x80;
	s30 =	simm.s32 @!p1 $0x6800  }
0x59: {  	[spmem:s2] =	stream.indirect.scatter.add.f32 @!p1 [tilespmem:s30], [sflag:$0x3], $0x80, s29, s1, $0xb8;
	[tilespmem:$0x1E080] =	vst v63  }
0x5a: {  	s24 =	smov.u32 s28;
	s29 =	simm.s32 @!p1 $0x3  }
0x5b: {  	[spmem:s2] =	stream.indirect.scatter.add.f32 @!p1 [tilespmem:s30], [sflag:$0x3], $0x80, s31, s1, $0xb8;
	[tilespmem:$0x1E080] =	vst v63  }
.Ltmp0:
0x5c: {  	_ =	swait.ge @!p1 [sflag:s29], $0x4000;
	(pc) =	sbr.rel @p3 .LBB2_2-.Ltmp0, $4  }
0x5d: {  	[sflag:s29] =	ssyncset.done @!p1 $0x0  }
0x5e: {  	[sflag:s29] =	ssyncadd.s32 @!p1 $0xFFFFC000  }
0x5f: {  	s23 =	sadd.s32 $0x2, s23;
	s22 =	sadd.s32 $0x1000, s22;
	_ =	swait.ge @!p1 [sflag:s29], $0x4000  }
0x60: {  	s25 =	sadd.s32 $0x1000, s25;
	p2 =	sge.u32 s23, s6;
	[sflag:s29] =	ssyncset.done @!p1 $0x0  }
0x61: {  	s1 =	simm.s32 @!p2 $0x1;
	s26 =	sadd.s32 @!p2 $0x1, s23;
	[sflag:s29] =	ssyncadd.s32 @!p1 $0xFFFFC000  }
0x62: {  	_ =	swait.ge @!p2 [sflag:s1], $0x4000;
	p1 =	sge.u32 @!p2 s26, s6  }
0x63: {  	[sflag:s1] =	ssyncset.done @!p2 $0x0;
	p1 =	por p1, p2  }
0x64: {  	[sflag:s1] =	ssyncadd.s32 @!p2 $0xFFFFC000;
	s1 =	simm.s32 @!p1 $0x0;
	s26 =	simm.s32 @!p1 $0x6800  }
0x65: {  	[tilespmem:s26], [sflag:$0x2] =	stream.linear.gather @!p1 [hbm4b:s25+s1], $0x4000, $0x38;
	[tilespmem:$0x1E080] =	vst v63  }
0x66: {  	s1 =	sshra.s32 @!p2 s24, $0x2;
	s25 =	simm.s32 @!p2 $0x80;
	s26 =	simm.s32 @!p2 $0x2800  }
0x67: {  	[spmem:s2] =	stream.indirect.scatter.add.f32 @!p2 [tilespmem:s26], [sflag:$0x3], $0x80, s1, s25, $0xb8;
	[tilespmem:$0x1E080] =	vst v63  }
0x68: {  	s28 =	simm.s32 @!p2 $0x3;
	s1 =	sadd.s32 @!p2 $0x1400, s1  }
0x69: {  	[spmem:s2] =	stream.indirect.scatter.add.f32 @!p2 [tilespmem:s26], [sflag:$0x3], $0x80, s1, s25, $0xb8;
	[tilespmem:$0x1E080] =	vst v63  }
0x6a: {  	_ =	swait.ge @!p2 [sflag:s28], $0x4000  }
0x6b: {  	[sflag:s28] =	ssyncset.done @!p2 $0x0  }
0x6c: {  	[sflag:s28] =	ssyncadd.s32 @!p2 $0xFFFFC000  }
0x6d: {  	s31 =	sadd.s32 $0x1, s23;
	_ =	swait.ge @!p2 [sflag:s28], $0x4000  }
0x6e: {  	p1 =	sge.u32 s31, s6;
	[sflag:s28] =	ssyncset.done @!p2 $0x0  }
0x6f: {  	s23 =	sadd.s32 @!p1 $0x2, s23;
	s1 =	simm.s32 @!p1 $0x2;
	[sflag:s28] =	ssyncadd.s32 @!p2 $0xFFFFC000  }
0x70: {  	p2 =	sge.u32 @!p1 s23, s6;
	_ =	swait.ge @!p1 [sflag:s1], $0x4000  }
0x71: {  	s23 =	sshra.s32 @!p1 s24, $0x2;
	p2 =	por p2, p1;
	[sflag:s1] =	ssyncset.done @!p1 $0x0  }
0x72: {  	s24 =	simm.s32 @!p2 $0x2800;
	[sflag:s1] =	ssyncadd.s32 @!p1 $0xFFFFC000;
	s1 =	simm.s32 @!p2 $0x0  }
0x73: {  	[tilespmem:s24], [sflag:$0x1] =	stream.linear.gather @!p2 [hbm4b:s22+s1], $0x4000, $0x38;
	[tilespmem:$0x1E080] =	vst v63  }
0x74: {  	s1 =	sadd.s32 @!p1 $0x80, s23;
	s22 =	simm.s32 @!p1 $0x80;
	s24 =	simm.s32 @!p1 $0x6800  }
0x75: {  	[spmem:s2] =	stream.indirect.scatter.add.f32 @!p1 [tilespmem:s24], [sflag:$0x3], $0x80, s1, s22, $0xb8;
	[tilespmem:$0x1E080] =	vst v63  }
0x76: {  	s1 =	sadd.s32 @!p1 $0x1480, s23;
	s23 =	simm.s32 @!p1 $0x3  }
0x77: {  	[spmem:s2] =	stream.indirect.scatter.add.f32 @!p1 [tilespmem:s24], [sflag:$0x3], $0x80, s1, s22, $0xb8;
	[tilespmem:$0x1E080] =	vst v63  }
0x78: {  	_ =	swait.ge @!p1 [sflag:s23], $0x4000  }
0x79: {  	[sflag:s23] =	ssyncset.done @!p1 $0x0  }
0x7a: {  	[sflag:s23] =	ssyncadd.s32 @!p1 $0xFFFFC000  }
0x7b: {  	_ =	swait.ge @!p1 [sflag:s23], $0x4000  }
0x7c: {  	[sflag:s23] =	ssyncset.done @!p1 $0x0  }
0x7d: {  	[sflag:s23] =	ssyncadd.s32 @!p1 $0xFFFFC000  }
0x7e: {  	s1 =	simm.s32 @p0 $0x1FC4;
	[bflag:$0x0] =	sbarrier.arrive $0xFFFF  }
0x7f: {  	[hbm:s11], [sflag:s1] =	dma.local @p0 [spmem:s15], $0x2080  }
0x80: {  	s1 =	simm.s32 @p0 $0x4  }
0x81: {  	s21 =	sadd.s32 $0x1, s21;
	_ =	swait.ge @p0 [sflag:s1], $0x2080  }
0x82: {  	p1 =	sne.s32 s21, s12;
	[sflag:s1] =	ssyncset.done @p0 $0x0  }
.Ltmp1:
0x83: {  	[sflag:s1] =	ssyncadd.s32 @p0 $0xFFFFDF80;
	s1 =	simm.s32 @!p0 $0x4;
	(pc) =	sbr.rel @p1 .LBB2_1-.Ltmp1, $4  }
0x84: {  	[hbm:s10], [sflag:s16] =	dma.local @!p0 [spmem:s17], $0x2780  }
0x85: {  	_ =	swait.ge @!p0 [sflag:s1], $0x2780  }
0x86: {  	[sflag:s1] =	ssyncset.done @!p0 $0x0  }
0x87: {  	[sflag:s1] =	ssyncadd.s32 @!p0 $0xFFFFD880  }
0x88: {  	_ =	sfence.sel $0x180000  }
0x89: {  	[bflag:$0x0] =	sbarrier.arrive $0xFFFF  }
0x8a: {  	_ =	strace $0x9000004D  }
0x8b: {  	[bflag:$0x2] =	sbarrier.arrive $0xFFFF  }
0x8c: {  	p0 =	sne.s32 s0, $0x0;
	s0 =	rddreg [dreg:$0x2]  }
0x8d: {  	s0 =	sadd.s32 @!p0 $0x100000, s0  }
0x8e: {  	[sflag:s0] =	ssyncadd.tile.s32 @!p0 $0x1;
	_ =	shalt  }
.Lfunc_end2:
_tile_overlayer_lowered:
.L_overlay_start_2:
0x8f: {  	(tag) =	ssettag $0x2  }
0x90: {  	s0 =	rddreg [dreg:$0x0];
	s2 =	stileid.u32  }
0x91: {  	s1 =	rddreg [dreg:$0x1];
	p0 =	sne.s32 s2, $0x0  }
0x92: {  	s3 =	rddreg [dreg:$0x2];
	[bflag:$0x3] =	sbarrier.arrive $0xFFFF;
	s2 =	simm.s32 @!p0 $0x1C04  }
0x93: {  	[timem:s3], [sflag:s2] =	dma.local @!p0 [hbm:s0], s1  }
0x94: {  	s0 =	simm.s32 @!p0 $0x4  }
0x95: {  	_ =	swait.ge @!p0 [sflag:s0], s1  }
0x96: {  	s1 =	ssub.s32 @!p0 $0x0, s1;
	[sflag:s0] =	ssyncset.done @!p0 $0x0  }
0x97: {  	[sflag:s0] =	ssyncadd.s32 @!p0 s1  }
0x98: {  	[bflag:$0x3] =	sbarrier.arrive $0xFFFF  }
0x99: {  	_ =	shalt  }

</sc_bundles>
